<compile_context>
chip_gen: v7x
topology: tpu7x:2x2x1
jax: 0.10.2.dev20260603
libtpu: 0.0.44.dev20260713+nightly
codegen_flags: <defaults>
</compile_context>

<pallas_src>
import functools

import jax
import jax.numpy as jnp
from jax import lax
from jax.experimental import pallas as pl
from jax.experimental.pallas import tpu as pltpu
from jax.experimental.pallas import tpu_sc as plsc

N = 10000
E = 320000
D = 128

NC = 2
NS = 16
NW = NC * NS
EPW = E // NW
SUB = 80
NSUB = 1
BIG = SUB * NSUB
NBIG = EPW // BIG
RPT = 624
TAIL = N - NS * RPT
ZR = 48
NSLOT = 4


def _sc_scatter_body(edge_hbm, recv_hbm, out_hbm, ea_hbm, idx_v, rows_v, zbuf,
                     shared,
                     sem_g0, sem_g1, sem_g2, sem_g3,
                     sem_s0, sem_s1, sem_s2, sem_s3,
                     sem_w0, sem_w1, sem_w2, sem_w3):
    c = lax.axis_index("c")
    s = lax.axis_index("s")
    wid = c * NS + s
    sem_g = (sem_g0, sem_g1, sem_g2, sem_g3)
    sem_s = (sem_s0, sem_s1, sem_s2, sem_s3)
    sem_w = (sem_w0, sem_w1, sem_w2, sem_w3)

    def zero_row(r, carry):
        for q in range(D // 16):
            zbuf[r, 16 * q:16 * (q + 1)] = jnp.zeros((16,), jnp.float32)
        return carry

    lax.fori_loop(0, ZR, zero_row, 0)
    for k in range(RPT // ZR):
        pltpu.sync_copy(zbuf, shared.at[pl.ds(s * RPT + k * ZR, ZR)])

    @pl.when(s == NS - 1)
    def _():
        pltpu.sync_copy(zbuf.at[pl.ds(0, TAIL)], shared.at[pl.ds(NS * RPT, TAIL)])

    plsc.subcore_barrier()

    ebase = wid * EPW

    def gstart(ci, slot):
        b = ebase + ci * BIG
        pltpu.async_copy(edge_hbm.at[pl.ds(b, BIG), :], rows_v.at[slot],
                         sem_g[slot])
        for j in range(NSUB):
            pltpu.async_copy(recv_hbm.at[pl.ds(E + b + j * SUB, SUB)],
                             idx_v.at[slot, j], sem_g[slot])

    def gwait(slot):
        pltpu.make_async_copy(edge_hbm.at[pl.ds(0, BIG), :], rows_v.at[slot],
                              sem_g[slot]).wait()
        for j in range(NSUB):
            pltpu.make_async_copy(recv_hbm.at[pl.ds(0, SUB)],
                                  idx_v.at[slot, j], sem_g[slot]).wait()

    def sstart(ci, slot):
        for j in range(NSUB):
            pltpu.async_copy(rows_v.at[slot, pl.ds(j * SUB, SUB)],
                             shared.at[idx_v.at[slot, j]], sem_s[slot],
                             add=True)
        pltpu.async_copy(rows_v.at[slot],
                         ea_hbm.at[pl.ds(ebase + ci * BIG, BIG), :],
                         sem_w[slot])

    def swait(slot):
        for j in range(NSUB):
            pltpu.make_async_copy(rows_v.at[slot, pl.ds(j * SUB, SUB)],
                                  shared.at[idx_v.at[slot, j]],
                                  sem_s[slot]).wait()
        pltpu.make_async_copy(rows_v.at[slot],
                              ea_hbm.at[pl.ds(0, BIG), :],
                              sem_w[slot]).wait()

    gstart(0, 0)
    gstart(1, 1)

    gwait(0); sstart(0, 0); gstart(2, 2)
    gwait(1); sstart(1, 1); gstart(3, 3)
    gwait(2); sstart(2, 2); swait(0); gstart(4, 0)
    gwait(3); sstart(3, 3); swait(1); gstart(5, 1)

    def rnd(t, carry):
        for sl in range(NSLOT):
            ci = t * NSLOT + sl
            sl2 = (sl + 2) % NSLOT
            gwait(sl)
            sstart(ci, sl)

            @pl.when(ci + 2 < NBIG)
            def _():
                swait(sl2)
                gstart(ci + 2, sl2)
        return carry

    lax.fori_loop(1, 1 + (NBIG - NSLOT - 1) // NSLOT, rnd, 0)
    gwait(0)
    sstart(NBIG - 1, 0)
    for sl in range(NSLOT):
        swait(sl)
    plsc.subcore_barrier()

    pltpu.sync_copy(shared.at[pl.ds(s * RPT, RPT)],
                    out_hbm.at[c, pl.ds(s * RPT, RPT)])

    @pl.when(s == NS - 1)
    def _():
        pltpu.sync_copy(shared.at[pl.ds(NS * RPT, TAIL)],
                        out_hbm.at[c, pl.ds(NS * RPT, TAIL)])


_sc_scatter = functools.partial(
    pl.kernel,
    mesh=plsc.VectorSubcoreMesh(core_axis_name="c", subcore_axis_name="s"),
    out_type=(jax.ShapeDtypeStruct((NC, N, D), jnp.float32),
              jax.ShapeDtypeStruct((E, D), jnp.float32)),
    scratch_types=[
        pltpu.VMEM((NSLOT, NSUB, SUB), jnp.int32),
        pltpu.VMEM((NSLOT, BIG, D), jnp.float32),
        pltpu.VMEM((ZR, D), jnp.float32),
        pltpu.VMEM_SHARED((N, D), jnp.float32),
    ] + [pltpu.SemaphoreType.DMA] * (3 * NSLOT),
)(_sc_scatter_body)


def _tc_pre_body(node_ref, w1a_ref, b1_ref, ha_ref):
    ha_ref[...] = jnp.dot(node_ref[...], w1a_ref[...],
                          preferred_element_type=jnp.float32) + b1_ref[...]


_tc_pre = pl.pallas_call(
    _tc_pre_body,
    out_shape=jax.ShapeDtypeStruct((N, D), jnp.float32),
)


def _tc_mlp_body(ha_ref, p_ref, w1b_ref, w2_ref, b2_ref, out_ref):
    agg = p_ref[0] + p_ref[1]
    colsum = jnp.sum(agg, axis=0, keepdims=True)
    bias = -jnp.dot(colsum * (1.0 / N), w1b_ref[...],
                    preferred_element_type=jnp.float32)
    h = ha_ref[...] + bias
    h += jnp.dot(agg, w1b_ref[...], preferred_element_type=jnp.float32)
    h = jnp.maximum(h, 0.0)
    out_ref[...] = jnp.dot(h, w2_ref[...],
                           preferred_element_type=jnp.float32) + b2_ref[...]


_tc_mlp = pl.pallas_call(
    _tc_mlp_body,
    out_shape=jax.ShapeDtypeStruct((N, D), jnp.float32),
)


@jax.jit
def kernel(node_attr, edge_index, edge_attr, W1, b1, W2, b2):
    partials, ea = _sc_scatter(edge_attr, edge_index.reshape(2 * E))
    ha = _tc_pre(node_attr, W1[:D], b1.reshape(1, D))
    x = _tc_mlp(ha, partials, W1[D:], W2, b2.reshape(1, D))
    return (x, edge_index, ea)

# --- scband reference (transcript-rebuilt; emitter-appended) ---
"""Pipeline reference for scband-node-block-12120397709384 (READ-ONLY COPY).

The authoritative reference and input builder live on the scoring server;
editing this copy changes nothing except your own understanding.
"""

import jax, jax.numpy as jnp
import numpy as np

N = 10000
E = 320000
D = 128  # hidden_size


def setup_inputs(seed: int = 0) -> dict:
    key = jax.random.key(seed)
    k1, k2, k3, k4, k5 = jax.random.split(key, 5)
    node_attr = jax.random.normal(k1, (N, D), dtype=jnp.float32)
    edge_index = jax.random.randint(k2, (2, E), 0, N, dtype=jnp.int32)
    edge_attr = jax.random.normal(k3, (E, D), dtype=jnp.float32)
    # MLP(hidden_size*2 -> hidden_size -> hidden_size) parameters
    W1 = jax.random.normal(k4, (2 * D, D), dtype=jnp.float32) * 0.05
    b1 = jnp.zeros((D,), dtype=jnp.float32)
    W2 = jax.random.normal(k5, (D, D), dtype=jnp.float32) * 0.05
    b2 = jnp.zeros((D,), dtype=jnp.float32)
    return {"node_attr": node_attr, "edge_index": edge_index, "edge_attr": edge_attr,
            "W1": W1, "b1": b1, "W2": W2, "b2": b2}


def reference(node_attr, edge_index, edge_attr, W1, b1, W2, b2):
    receivers = edge_index[1]
    # scatter_add(edge_attr, receivers, dim=0, dim_size=N)
    agg = jnp.zeros((node_attr.shape[0], edge_attr.shape[1]), dtype=edge_attr.dtype)
    agg = agg.at[receivers].add(edge_attr)
    # ib_e = True -> subtract column-wise mean over nodes
    agg = agg - jnp.mean(agg, axis=0)
    collected = jnp.concatenate([node_attr, agg], axis=-1)
    # MLP: Linear -> ReLU -> Linear
    h = jnp.maximum(collected @ W1 + b1, 0.0)
    x = h @ W2 + b2
    return (x, edge_index, edge_attr)

if __name__ == "__main__":
    import jax
    _d = setup_inputs()
    print(jax.jit(kernel)(*tuple(_d.values())))

</pallas_src>

<mosaic_0001>
#map = affine_map<(d0, d1) -> (0, 0)>
#map1 = affine_map<(d0, d1) -> (0)>
#map2 = affine_map<(d0, d1) -> (0, 0, 0)>
module attributes {stable_mosaic.version = 14 : i64} {
  func.func @_sc_scatter_body(%arg0: i32, %arg1: i32, %arg2: memref<320000x128xf32, #tpu.memory_space<hbm>>, %arg3: memref<640000xi32, #tpu.memory_space<hbm>>, %arg4: memref<2x10000x128xf32, #tpu.memory_space<hbm>>, %arg5: memref<320000x128xf32, #tpu.memory_space<hbm>>, %arg6: memref<4x1x80xi32, #tpu.memory_space<vmem>>, %arg7: memref<4x80x128xf32, #tpu.memory_space<vmem>>, %arg8: memref<48x128xf32, #tpu.memory_space<vmem>>, %arg9: memref<10000x128xf32, #tpu.memory_space<vmem_shared>>, %arg10: memref<!tpu.dma_semaphore, #tpu.memory_space<semaphore_mem>>, %arg11: memref<!tpu.dma_semaphore, #tpu.memory_space<semaphore_mem>>, %arg12: memref<!tpu.dma_semaphore, #tpu.memory_space<semaphore_mem>>, %arg13: memref<!tpu.dma_semaphore, #tpu.memory_space<semaphore_mem>>, %arg14: memref<!tpu.dma_semaphore, #tpu.memory_space<semaphore_mem>>, %arg15: memref<!tpu.dma_semaphore, #tpu.memory_space<semaphore_mem>>, %arg16: memref<!tpu.dma_semaphore, #tpu.memory_space<semaphore_mem>>, %arg17: memref<!tpu.dma_semaphore, #tpu.memory_space<semaphore_mem>>, %arg18: memref<!tpu.dma_semaphore, #tpu.memory_space<semaphore_mem>>, %arg19: memref<!tpu.dma_semaphore, #tpu.memory_space<semaphore_mem>>, %arg20: memref<!tpu.dma_semaphore, #tpu.memory_space<semaphore_mem>>, %arg21: memref<!tpu.dma_semaphore, #tpu.memory_space<semaphore_mem>>) attributes {dimension_semantics = [#tpu.dimension_semantics<core_parallel>, #tpu.dimension_semantics<subcore_parallel>], iteration_bounds = array<i64: 2, 16>, scalar_prefetch = 0 : i64, scratch_operands = 16 : i64, tpu.core_type = #tpu.core_type<sc_vector_subcore>, window_params = [{transform_indices = #map}, {transform_indices = #map1}, {transform_indices = #map2}, {transform_indices = #map}]} {
    %mul3A = arith.constant 16 : i32
    %mul3A_0 = arith.muli %arg0, %mul3A : i32
    %add3A = arith.addi %mul3A_0, %arg1 : i32
    %scan3A = arith.constant 0 : i32
    %scan3A_1 = arith.constant 0 : i32
    %scan3A_2 = arith.constant 48 : i32
    %scan3A_3 = arith.addi %scan3A_1, %scan3A_2 : i32
    %scan3A_4 = arith.constant 1 : i32
    scf.for %scan3A_693 = %scan3A_1 to %scan3A_3 step %scan3A_4  : i32 {
      %broadcast_in_dim3A = arith.constant 0.000000e+00 : f32
      %broadcast_in_dim3A_694 = vector.broadcast %broadcast_in_dim3A : f32 to vector<16xf32>
      %swap3A = arith.index_cast %scan3A_693 : i32 to index
      %swap3A_695 = arith.constant 0 : index
      %swap3A_696 = tpu.vector_load %arg8[%swap3A, %swap3A_695] {strides = array<i32>} : memref<48x128xf32, #tpu.memory_space<vmem>>, vector<1x16xf32>,
      %swap3A_697 = vector.shape_cast %swap3A_696 : vector<1x16xf32> to vector<16xf32>
      %swap3A_698 = vector.shape_cast %broadcast_in_dim3A_694 : vector<16xf32> to vector<1x16xf32>
      tpu.vector_store %arg8[%swap3A, %swap3A_695], %swap3A_698 {strides = array<i32>} : memref<48x128xf32, #tpu.memory_space<vmem>>, vector<1x16xf32>,
      %broadcast_in_dim3A_699 = arith.constant 0.000000e+00 : f32
      %broadcast_in_dim3A_700 = vector.broadcast %broadcast_in_dim3A_699 : f32 to vector<16xf32>
      %swap3A_701 = arith.index_cast %scan3A_693 : i32 to index
      %swap3A_702 = arith.constant 16 : index
      %swap3A_703 = tpu.vector_load %arg8[%swap3A_701, %swap3A_702] {strides = array<i32>} : memref<48x128xf32, #tpu.memory_space<vmem>>, vector<1x16xf32>,
      %swap3A_704 = vector.shape_cast %swap3A_703 : vector<1x16xf32> to vector<16xf32>
      %swap3A_705 = vector.shape_cast %broadcast_in_dim3A_700 : vector<16xf32> to vector<1x16xf32>
      tpu.vector_store %arg8[%swap3A_701, %swap3A_702], %swap3A_705 {strides = array<i32>} : memref<48x128xf32, #tpu.memory_space<vmem>>, vector<1x16xf32>,
      %broadcast_in_dim3A_706 = arith.constant 0.000000e+00 : f32
      %broadcast_in_dim3A_707 = vector.broadcast %broadcast_in_dim3A_706 : f32 to vector<16xf32>
      %swap3A_708 = arith.index_cast %scan3A_693 : i32 to index
      %swap3A_709 = arith.constant 32 : index
      %swap3A_710 = tpu.vector_load %arg8[%swap3A_708, %swap3A_709] {strides = array<i32>} : memref<48x128xf32, #tpu.memory_space<vmem>>, vector<1x16xf32>,
      %swap3A_711 = vector.shape_cast %swap3A_710 : vector<1x16xf32> to vector<16xf32>
      %swap3A_712 = vector.shape_cast %broadcast_in_dim3A_707 : vector<16xf32> to vector<1x16xf32>
      tpu.vector_store %arg8[%swap3A_708, %swap3A_709], %swap3A_712 {strides = array<i32>} : memref<48x128xf32, #tpu.memory_space<vmem>>, vector<1x16xf32>,
      %broadcast_in_dim3A_713 = arith.constant 0.000000e+00 : f32
      %broadcast_in_dim3A_714 = vector.broadcast %broadcast_in_dim3A_713 : f32 to vector<16xf32>
      %swap3A_715 = arith.index_cast %scan3A_693 : i32 to index
      %swap3A_716 = arith.constant 48 : index
      %swap3A_717 = tpu.vector_load %arg8[%swap3A_715, %swap3A_716] {strides = array<i32>} : memref<48x128xf32, #tpu.memory_space<vmem>>, vector<1x16xf32>,
      %swap3A_718 = vector.shape_cast %swap3A_717 : vector<1x16xf32> to vector<16xf32>
      %swap3A_719 = vector.shape_cast %broadcast_in_dim3A_714 : vector<16xf32> to vector<1x16xf32>
      tpu.vector_store %arg8[%swap3A_715, %swap3A_716], %swap3A_719 {strides = array<i32>} : memref<48x128xf32, #tpu.memory_space<vmem>>, vector<1x16xf32>,
      %broadcast_in_dim3A_720 = arith.constant 0.000000e+00 : f32
      %broadcast_in_dim3A_721 = vector.broadcast %broadcast_in_dim3A_720 : f32 to vector<16xf32>
      %swap3A_722 = arith.index_cast %scan3A_693 : i32 to index
      %swap3A_723 = arith.constant 64 : index
      %swap3A_724 = tpu.vector_load %arg8[%swap3A_722, %swap3A_723] {strides = array<i32>} : memref<48x128xf32, #tpu.memory_space<vmem>>, vector<1x16xf32>,
      %swap3A_725 = vector.shape_cast %swap3A_724 : vector<1x16xf32> to vector<16xf32>
      %swap3A_726 = vector.shape_cast %broadcast_in_dim3A_721 : vector<16xf32> to vector<1x16xf32>
      tpu.vector_store %arg8[%swap3A_722, %swap3A_723], %swap3A_726 {strides = array<i32>} : memref<48x128xf32, #tpu.memory_space<vmem>>, vector<1x16xf32>,
      %broadcast_in_dim3A_727 = arith.constant 0.000000e+00 : f32
      %broadcast_in_dim3A_728 = vector.broadcast %broadcast_in_dim3A_727 : f32 to vector<16xf32>
      %swap3A_729 = arith.index_cast %scan3A_693 : i32 to index
      %swap3A_730 = arith.constant 80 : index
      %swap3A_731 = tpu.vector_load %arg8[%swap3A_729, %swap3A_730] {strides = array<i32>} : memref<48x128xf32, #tpu.memory_space<vmem>>, vector<1x16xf32>,
      %swap3A_732 = vector.shape_cast %swap3A_731 : vector<1x16xf32> to vector<16xf32>
      %swap3A_733 = vector.shape_cast %broadcast_in_dim3A_728 : vector<16xf32> to vector<1x16xf32>
      tpu.vector_store %arg8[%swap3A_729, %swap3A_730], %swap3A_733 {strides = array<i32>} : memref<48x128xf32, #tpu.memory_space<vmem>>, vector<1x16xf32>,
      %broadcast_in_dim3A_734 = arith.constant 0.000000e+00 : f32
      %broadcast_in_dim3A_735 = vector.broadcast %broadcast_in_dim3A_734 : f32 to vector<16xf32>
      %swap3A_736 = arith.index_cast %scan3A_693 : i32 to index
      %swap3A_737 = arith.constant 96 : index
      %swap3A_738 = tpu.vector_load %arg8[%swap3A_736, %swap3A_737] {strides = array<i32>} : memref<48x128xf32, #tpu.memory_space<vmem>>, vector<1x16xf32>,
      %swap3A_739 = vector.shape_cast %swap3A_738 : vector<1x16xf32> to vector<16xf32>
      %swap3A_740 = vector.shape_cast %broadcast_in_dim3A_735 : vector<16xf32> to vector<1x16xf32>
      tpu.vector_store %arg8[%swap3A_736, %swap3A_737], %swap3A_740 {strides = array<i32>} : memref<48x128xf32, #tpu.memory_space<vmem>>, vector<1x16xf32>,
      %broadcast_in_dim3A_741 = arith.constant 0.000000e+00 : f32
      %broadcast_in_dim3A_742 = vector.broadcast %broadcast_in_dim3A_741 : f32 to vector<16xf32>
      %swap3A_743 = arith.index_cast %scan3A_693 : i32 to index
      %swap3A_744 = arith.constant 112 : index
      %swap3A_745 = tpu.vector_load %arg8[%swap3A_743, %swap3A_744] {strides = array<i32>} : memref<48x128xf32, #tpu.memory_space<vmem>>, vector<1x16xf32>,
      %swap3A_746 = vector.shape_cast %swap3A_745 : vector<1x16xf32> to vector<16xf32>
      %swap3A_747 = vector.shape_cast %broadcast_in_dim3A_742 : vector<16xf32> to vector<1x16xf32>
      tpu.vector_store %arg8[%swap3A_743, %swap3A_744], %swap3A_747 {strides = array<i32>} : memref<48x128xf32, #tpu.memory_space<vmem>>, vector<1x16xf32>,
    }
    %scan3A_5 = arith.constant 48 : i32
    %mul3A_6 = arith.constant 624 : i32
    %mul3A_7 = arith.muli %arg1, %mul3A_6 : i32
    %add3A_8 = arith.constant 0 : i32
    %add3A_9 = arith.addi %mul3A_7, %add3A_8 : i32
    "tpu.region"() ({
      %run_scoped3A = tpu.sem_alloc : memref<!tpu.dma_semaphore, #tpu.memory_space<semaphore_mem>>
      %dma_start3A_693 = arith.constant 0 : i32
      %dma_start3A_694 = tpu.memref_slice %arg9[%add3A_9, %dma_start3A_693] : memref<10000x128xf32, #tpu.memory_space<vmem_shared>> -> memref<48x128xf32, #tpu.memory_space<vmem_shared>>
      %dma_start3A_695 = arith.constant 0 : i32
      %dma_start3A_696 = tpu.memref_slice %arg9[%add3A_9, %dma_start3A_695] : memref<10000x128xf32, #tpu.memory_space<vmem_shared>> -> memref<48x128xf32, #tpu.memory_space<vmem_shared>>
      tpu.enqueue_dma source(%arg8 : memref<48x128xf32, #tpu.memory_space<vmem>>) target(%dma_start3A_696 : memref<48x128xf32, #tpu.memory_space<vmem_shared>>) target_semaphore(%run_scoped3A : memref<!tpu.dma_semaphore, #tpu.memory_space<semaphore_mem>>)
      %dma_wait3A_697 = arith.constant 0 : i32
      %dma_wait3A_698 = tpu.memref_slice %arg9[%add3A_9, %dma_wait3A_697] : memref<10000x128xf32, #tpu.memory_space<vmem_shared>> -> memref<48x128xf32, #tpu.memory_space<vmem_shared>>
      %dma_wait3A_699 = arith.constant 0 : i32
      %dma_wait3A_700 = tpu.memref_slice %arg9[%add3A_9, %dma_wait3A_699] : memref<10000x128xf32, #tpu.memory_space<vmem_shared>> -> memref<48x128xf32, #tpu.memory_space<vmem_shared>>
      tpu.wait_dma2 semaphore(%run_scoped3A : memref<!tpu.dma_semaphore, #tpu.memory_space<semaphore_mem>>) src(%arg8 : memref<48x128xf32, #tpu.memory_space<vmem>>) dst(%dma_wait3A_700 : memref<48x128xf32, #tpu.memory_space<vmem_shared>>)
      tpu.yield
    }) : () -> ()
    %mul3A_10 = arith.constant 624 : i32
    %mul3A_11 = arith.muli %arg1, %mul3A_10 : i32
    %add3A_12 = arith.constant 48 : i32
    %add3A_13 = arith.addi %mul3A_11, %add3A_12 : i32
    "tpu.region"() ({
      %run_scoped3A = tpu.sem_alloc : memref<!tpu.dma_semaphore, #tpu.memory_space<semaphore_mem>>
      %dma_start3A_693 = arith.constant 0 : i32
      %dma_start3A_694 = tpu.memref_slice %arg9[%add3A_13, %dma_start3A_693] : memref<10000x128xf32, #tpu.memory_space<vmem_shared>> -> memref<48x128xf32, #tpu.memory_space<vmem_shared>>
      %dma_start3A_695 = arith.constant 0 : i32
      %dma_start3A_696 = tpu.memref_slice %arg9[%add3A_13, %dma_start3A_695] : memref<10000x128xf32, #tpu.memory_space<vmem_shared>> -> memref<48x128xf32, #tpu.memory_space<vmem_shared>>
      tpu.enqueue_dma source(%arg8 : memref<48x128xf32, #tpu.memory_space<vmem>>) target(%dma_start3A_696 : memref<48x128xf32, #tpu.memory_space<vmem_shared>>) target_semaphore(%run_scoped3A : memref<!tpu.dma_semaphore, #tpu.memory_space<semaphore_mem>>)
      %dma_wait3A_697 = arith.constant 0 : i32
      %dma_wait3A_698 = tpu.memref_slice %arg9[%add3A_13, %dma_wait3A_697] : memref<10000x128xf32, #tpu.memory_space<vmem_shared>> -> memref<48x128xf32, #tpu.memory_space<vmem_shared>>
      %dma_wait3A_699 = arith.constant 0 : i32
      %dma_wait3A_700 = tpu.memref_slice %arg9[%add3A_13, %dma_wait3A_699] : memref<10000x128xf32, #tpu.memory_space<vmem_shared>> -> memref<48x128xf32, #tpu.memory_space<vmem_shared>>
      tpu.wait_dma2 semaphore(%run_scoped3A : memref<!tpu.dma_semaphore, #tpu.memory_space<semaphore_mem>>) src(%arg8 : memref<48x128xf32, #tpu.memory_space<vmem>>) dst(%dma_wait3A_700 : memref<48x128xf32, #tpu.memory_space<vmem_shared>>)
      tpu.yield
    }) : () -> ()
    %mul3A_14 = arith.constant 624 : i32
    %mul3A_15 = arith.muli %arg1, %mul3A_14 : i32
    %add3A_16 = arith.constant 96 : i32
    %add3A_17 = arith.addi %mul3A_15, %add3A_16 : i32
    "tpu.region"() ({
      %run_scoped3A = tpu.sem_alloc : memref<!tpu.dma_semaphore, #tpu.memory_space<semaphore_mem>>
      %dma_start3A_693 = arith.constant 0 : i32
      %dma_start3A_694 = tpu.memref_slice %arg9[%add3A_17, %dma_start3A_693] : memref<10000x128xf32, #tpu.memory_space<vmem_shared>> -> memref<48x128xf32, #tpu.memory_space<vmem_shared>>
      %dma_start3A_695 = arith.constant 0 : i32
      %dma_start3A_696 = tpu.memref_slice %arg9[%add3A_17, %dma_start3A_695] : memref<10000x128xf32, #tpu.memory_space<vmem_shared>> -> memref<48x128xf32, #tpu.memory_space<vmem_shared>>
      tpu.enqueue_dma source(%arg8 : memref<48x128xf32, #tpu.memory_space<vmem>>) target(%dma_start3A_696 : memref<48x128xf32, #tpu.memory_space<vmem_shared>>) target_semaphore(%run_scoped3A : memref<!tpu.dma_semaphore, #tpu.memory_space<semaphore_mem>>)
      %dma_wait3A_697 = arith.constant 0 : i32
      %dma_wait3A_698 = tpu.memref_slice %arg9[%add3A_17, %dma_wait3A_697] : memref<10000x128xf32, #tpu.memory_space<vmem_shared>> -> memref<48x128xf32, #tpu.memory_space<vmem_shared>>
      %dma_wait3A_699 = arith.constant 0 : i32
      %dma_wait3A_700 = tpu.memref_slice %arg9[%add3A_17, %dma_wait3A_699] : memref<10000x128xf32, #tpu.memory_space<vmem_shared>> -> memref<48x128xf32, #tpu.memory_space<vmem_shared>>
      tpu.wait_dma2 semaphore(%run_scoped3A : memref<!tpu.dma_semaphore, #tpu.memory_space<semaphore_mem>>) src(%arg8 : memref<48x128xf32, #tpu.memory_space<vmem>>) dst(%dma_wait3A_700 : memref<48x128xf32, #tpu.memory_space<vmem_shared>>)
      tpu.yield
    }) : () -> ()
    %mul3A_18 = arith.constant 624 : i32
    %mul3A_19 = arith.muli %arg1, %mul3A_18 : i32
    %add3A_20 = arith.constant 144 : i32
    %add3A_21 = arith.addi %mul3A_19, %add3A_20 : i32
    "tpu.region"() ({
      %run_scoped3A = tpu.sem_alloc : memref<!tpu.dma_semaphore, #tpu.memory_space<semaphore_mem>>
      %dma_start3A_693 = arith.constant 0 : i32
      %dma_start3A_694 = tpu.memref_slice %arg9[%add3A_21, %dma_start3A_693] : memref<10000x128xf32, #tpu.memory_space<vmem_shared>> -> memref<48x128xf32, #tpu.memory_space<vmem_shared>>
      %dma_start3A_695 = arith.constant 0 : i32
      %dma_start3A_696 = tpu.memref_slice %arg9[%add3A_21, %dma_start3A_695] : memref<10000x128xf32, #tpu.memory_space<vmem_shared>> -> memref<48x128xf32, #tpu.memory_space<vmem_shared>>
      tpu.enqueue_dma source(%arg8 : memref<48x128xf32, #tpu.memory_space<vmem>>) target(%dma_start3A_696 : memref<48x128xf32, #tpu.memory_space<vmem_shared>>) target_semaphore(%run_scoped3A : memref<!tpu.dma_semaphore, #tpu.memory_space<semaphore_mem>>)
      %dma_wait3A_697 = arith.constant 0 : i32
      %dma_wait3A_698 = tpu.memref_slice %arg9[%add3A_21, %dma_wait3A_697] : memref<10000x128xf32, #tpu.memory_space<vmem_shared>> -> memref<48x128xf32, #tpu.memory_space<vmem_shared>>
      %dma_wait3A_699 = arith.constant 0 : i32
      %dma_wait3A_700 = tpu.memref_slice %arg9[%add3A_21, %dma_wait3A_699] : memref<10000x128xf32, #tpu.memory_space<vmem_shared>> -> memref<48x128xf32, #tpu.memory_space<vmem_shared>>
      tpu.wait_dma2 semaphore(%run_scoped3A : memref<!tpu.dma_semaphore, #tpu.memory_space<semaphore_mem>>) src(%arg8 : memref<48x128xf32, #tpu.memory_space<vmem>>) dst(%dma_wait3A_700 : memref<48x128xf32, #tpu.memory_space<vmem_shared>>)
      tpu.yield
    }) : () -> ()
    %mul3A_22 = arith.constant 624 : i32
    %mul3A_23 = arith.muli %arg1, %mul3A_22 : i32
    %add3A_24 = arith.constant 192 : i32
    %add3A_25 = arith.addi %mul3A_23, %add3A_24 : i32
    "tpu.region"() ({
      %run_scoped3A = tpu.sem_alloc : memref<!tpu.dma_semaphore, #tpu.memory_space<semaphore_mem>>
      %dma_start3A_693 = arith.constant 0 : i32
      %dma_start3A_694 = tpu.memref_slice %arg9[%add3A_25, %dma_start3A_693] : memref<10000x128xf32, #tpu.memory_space<vmem_shared>> -> memref<48x128xf32, #tpu.memory_space<vmem_shared>>
      %dma_start3A_695 = arith.constant 0 : i32
      %dma_start3A_696 = tpu.memref_slice %arg9[%add3A_25, %dma_start3A_695] : memref<10000x128xf32, #tpu.memory_space<vmem_shared>> -> memref<48x128xf32, #tpu.memory_space<vmem_shared>>
      tpu.enqueue_dma source(%arg8 : memref<48x128xf32, #tpu.memory_space<vmem>>) target(%dma_start3A_696 : memref<48x128xf32, #tpu.memory_space<vmem_shared>>) target_semaphore(%run_scoped3A : memref<!tpu.dma_semaphore, #tpu.memory_space<semaphore_mem>>)
      %dma_wait3A_697 = arith.constant 0 : i32
      %dma_wait3A_698 = tpu.memref_slice %arg9[%add3A_25, %dma_wait3A_697] : memref<10000x128xf32, #tpu.memory_space<vmem_shared>> -> memref<48x128xf32, #tpu.memory_space<vmem_shared>>
      %dma_wait3A_699 = arith.constant 0 : i32
      %dma_wait3A_700 = tpu.memref_slice %arg9[%add3A_25, %dma_wait3A_699] : memref<10000x128xf32, #tpu.memory_space<vmem_shared>> -> memref<48x128xf32, #tpu.memory_space<vmem_shared>>
      tpu.wait_dma2 semaphore(%run_scoped3A : memref<!tpu.dma_semaphore, #tpu.memory_space<semaphore_mem>>) src(%arg8 : memref<48x128xf32, #tpu.memory_space<vmem>>) dst(%dma_wait3A_700 : memref<48x128xf32, #tpu.memory_space<vmem_shared>>)
      tpu.yield
    }) : () -> ()
    %mul3A_26 = arith.constant 624 : i32
    %mul3A_27 = arith.muli %arg1, %mul3A_26 : i32
    %add3A_28 = arith.constant 240 : i32
    %add3A_29 = arith.addi %mul3A_27, %add3A_28 : i32
    "tpu.region"() ({
      %run_scoped3A = tpu.sem_alloc : memref<!tpu.dma_semaphore, #tpu.memory_space<semaphore_mem>>
      %dma_start3A_693 = arith.constant 0 : i32
      %dma_start3A_694 = tpu.memref_slice %arg9[%add3A_29, %dma_start3A_693] : memref<10000x128xf32, #tpu.memory_space<vmem_shared>> -> memref<48x128xf32, #tpu.memory_space<vmem_shared>>
      %dma_start3A_695 = arith.constant 0 : i32
      %dma_start3A_696 = tpu.memref_slice %arg9[%add3A_29, %dma_start3A_695] : memref<10000x128xf32, #tpu.memory_space<vmem_shared>> -> memref<48x128xf32, #tpu.memory_space<vmem_shared>>
      tpu.enqueue_dma source(%arg8 : memref<48x128xf32, #tpu.memory_space<vmem>>) target(%dma_start3A_696 : memref<48x128xf32, #tpu.memory_space<vmem_shared>>) target_semaphore(%run_scoped3A : memref<!tpu.dma_semaphore, #tpu.memory_space<semaphore_mem>>)
      %dma_wait3A_697 = arith.constant 0 : i32
      %dma_wait3A_698 = tpu.memref_slice %arg9[%add3A_29, %dma_wait3A_697] : memref<10000x128xf32, #tpu.memory_space<vmem_shared>> -> memref<48x128xf32, #tpu.memory_space<vmem_shared>>
      %dma_wait3A_699 = arith.constant 0 : i32
      %dma_wait3A_700 = tpu.memref_slice %arg9[%add3A_29, %dma_wait3A_699] : memref<10000x128xf32, #tpu.memory_space<vmem_shared>> -> memref<48x128xf32, #tpu.memory_space<vmem_shared>>
      tpu.wait_dma2 semaphore(%run_scoped3A : memref<!tpu.dma_semaphore, #tpu.memory_space<semaphore_mem>>) src(%arg8 : memref<48x128xf32, #tpu.memory_space<vmem>>) dst(%dma_wait3A_700 : memref<48x128xf32, #tpu.memory_space<vmem_shared>>)
      tpu.yield
    }) : () -> ()
    %mul3A_30 = arith.constant 624 : i32
    %mul3A_31 = arith.muli %arg1, %mul3A_30 : i32
    %add3A_32 = arith.constant 288 : i32
    %add3A_33 = arith.addi %mul3A_31, %add3A_32 : i32
    "tpu.region"() ({
      %run_scoped3A = tpu.sem_alloc : memref<!tpu.dma_semaphore, #tpu.memory_space<semaphore_mem>>
      %dma_start3A_693 = arith.constant 0 : i32
      %dma_start3A_694 = tpu.memref_slice %arg9[%add3A_33, %dma_start3A_693] : memref<10000x128xf32, #tpu.memory_space<vmem_shared>> -> memref<48x128xf32, #tpu.memory_space<vmem_shared>>
      %dma_start3A_695 = arith.constant 0 : i32
      %dma_start3A_696 = tpu.memref_slice %arg9[%add3A_33, %dma_start3A_695] : memref<10000x128xf32, #tpu.memory_space<vmem_shared>> -> memref<48x128xf32, #tpu.memory_space<vmem_shared>>
      tpu.enqueue_dma source(%arg8 : memref<48x128xf32, #tpu.memory_space<vmem>>) target(%dma_start3A_696 : memref<48x128xf32, #tpu.memory_space<vmem_shared>>) target_semaphore(%run_scoped3A : memref<!tpu.dma_semaphore, #tpu.memory_space<semaphore_mem>>)
      %dma_wait3A_697 = arith.constant 0 : i32
      %dma_wait3A_698 = tpu.memref_slice %arg9[%add3A_33, %dma_wait3A_697] : memref<10000x128xf32, #tpu.memory_space<vmem_shared>> -> memref<48x128xf32, #tpu.memory_space<vmem_shared>>
      %dma_wait3A_699 = arith.constant 0 : i32
      %dma_wait3A_700 = tpu.memref_slice %arg9[%add3A_33, %dma_wait3A_699] : memref<10000x128xf32, #tpu.memory_space<vmem_shared>> -> memref<48x128xf32, #tpu.memory_space<vmem_shared>>
      tpu.wait_dma2 semaphore(%run_scoped3A : memref<!tpu.dma_semaphore, #tpu.memory_space<semaphore_mem>>) src(%arg8 : memref<48x128xf32, #tpu.memory_space<vmem>>) dst(%dma_wait3A_700 : memref<48x128xf32, #tpu.memory_space<vmem_shared>>)
      tpu.yield
    }) : () -> ()
    %mul3A_34 = arith.constant 624 : i32
    %mul3A_35 = arith.muli %arg1, %mul3A_34 : i32
    %add3A_36 = arith.constant 336 : i32
    %add3A_37 = arith.addi %mul3A_35, %add3A_36 : i32
    "tpu.region"() ({
      %run_scoped3A = tpu.sem_alloc : memref<!tpu.dma_semaphore, #tpu.memory_space<semaphore_mem>>
      %dma_start3A_693 = arith.constant 0 : i32
      %dma_start3A_694 = tpu.memref_slice %arg9[%add3A_37, %dma_start3A_693] : memref<10000x128xf32, #tpu.memory_space<vmem_shared>> -> memref<48x128xf32, #tpu.memory_space<vmem_shared>>
      %dma_start3A_695 = arith.constant 0 : i32
      %dma_start3A_696 = tpu.memref_slice %arg9[%add3A_37, %dma_start3A_695] : memref<10000x128xf32, #tpu.memory_space<vmem_shared>> -> memref<48x128xf32, #tpu.memory_space<vmem_shared>>
      tpu.enqueue_dma source(%arg8 : memref<48x128xf32, #tpu.memory_space<vmem>>) target(%dma_start3A_696 : memref<48x128xf32, #tpu.memory_space<vmem_shared>>) target_semaphore(%run_scoped3A : memref<!tpu.dma_semaphore, #tpu.memory_space<semaphore_mem>>)
      %dma_wait3A_697 = arith.constant 0 : i32
      %dma_wait3A_698 = tpu.memref_slice %arg9[%add3A_37, %dma_wait3A_697] : memref<10000x128xf32, #tpu.memory_space<vmem_shared>> -> memref<48x128xf32, #tpu.memory_space<vmem_shared>>
      %dma_wait3A_699 = arith.constant 0 : i32
      %dma_wait3A_700 = tpu.memref_slice %arg9[%add3A_37, %dma_wait3A_699] : memref<10000x128xf32, #tpu.memory_space<vmem_shared>> -> memref<48x128xf32, #tpu.memory_space<vmem_shared>>
      tpu.wait_dma2 semaphore(%run_scoped3A : memref<!tpu.dma_semaphore, #tpu.memory_space<semaphore_mem>>) src(%arg8 : memref<48x128xf32, #tpu.memory_space<vmem>>) dst(%dma_wait3A_700 : memref<48x128xf32, #tpu.memory_space<vmem_shared>>)
      tpu.yield
    }) : () -> ()
    %mul3A_38 = arith.constant 624 : i32
    %mul3A_39 = arith.muli %arg1, %mul3A_38 : i32
    %add3A_40 = arith.constant 384 : i32
    %add3A_41 = arith.addi %mul3A_39, %add3A_40 : i32
    "tpu.region"() ({
      %run_scoped3A = tpu.sem_alloc : memref<!tpu.dma_semaphore, #tpu.memory_space<semaphore_mem>>
      %dma_start3A_693 = arith.constant 0 : i32
      %dma_start3A_694 = tpu.memref_slice %arg9[%add3A_41, %dma_start3A_693] : memref<10000x128xf32, #tpu.memory_space<vmem_shared>> -> memref<48x128xf32, #tpu.memory_space<vmem_shared>>
      %dma_start3A_695 = arith.constant 0 : i32
      %dma_start3A_696 = tpu.memref_slice %arg9[%add3A_41, %dma_start3A_695] : memref<10000x128xf32, #tpu.memory_space<vmem_shared>> -> memref<48x128xf32, #tpu.memory_space<vmem_shared>>
      tpu.enqueue_dma source(%arg8 : memref<48x128xf32, #tpu.memory_space<vmem>>) target(%dma_start3A_696 : memref<48x128xf32, #tpu.memory_space<vmem_shared>>) target_semaphore(%run_scoped3A : memref<!tpu.dma_semaphore, #tpu.memory_space<semaphore_mem>>)
      %dma_wait3A_697 = arith.constant 0 : i32
      %dma_wait3A_698 = tpu.memref_slice %arg9[%add3A_41, %dma_wait3A_697] : memref<10000x128xf32, #tpu.memory_space<vmem_shared>> -> memref<48x128xf32, #tpu.memory_space<vmem_shared>>
      %dma_wait3A_699 = arith.constant 0 : i32
      %dma_wait3A_700 = tpu.memref_slice %arg9[%add3A_41, %dma_wait3A_699] : memref<10000x128xf32, #tpu.memory_space<vmem_shared>> -> memref<48x128xf32, #tpu.memory_space<vmem_shared>>
      tpu.wait_dma2 semaphore(%run_scoped3A : memref<!tpu.dma_semaphore, #tpu.memory_space<semaphore_mem>>) src(%arg8 : memref<48x128xf32, #tpu.memory_space<vmem>>) dst(%dma_wait3A_700 : memref<48x128xf32, #tpu.memory_space<vmem_shared>>)
      tpu.yield
    }) : () -> ()
    %mul3A_42 = arith.constant 624 : i32
    %mul3A_43 = arith.muli %arg1, %mul3A_42 : i32
    %add3A_44 = arith.constant 432 : i32
    %add3A_45 = arith.addi %mul3A_43, %add3A_44 : i32
    "tpu.region"() ({
      %run_scoped3A = tpu.sem_alloc : memref<!tpu.dma_semaphore, #tpu.memory_space<semaphore_mem>>
      %dma_start3A_693 = arith.constant 0 : i32
      %dma_start3A_694 = tpu.memref_slice %arg9[%add3A_45, %dma_start3A_693] : memref<10000x128xf32, #tpu.memory_space<vmem_shared>> -> memref<48x128xf32, #tpu.memory_space<vmem_shared>>
      %dma_start3A_695 = arith.constant 0 : i32
      %dma_start3A_696 = tpu.memref_slice %arg9[%add3A_45, %dma_start3A_695] : memref<10000x128xf32, #tpu.memory_space<vmem_shared>> -> memref<48x128xf32, #tpu.memory_space<vmem_shared>>
      tpu.enqueue_dma source(%arg8 : memref<48x128xf32, #tpu.memory_space<vmem>>) target(%dma_start3A_696 : memref<48x128xf32, #tpu.memory_space<vmem_shared>>) target_semaphore(%run_scoped3A : memref<!tpu.dma_semaphore, #tpu.memory_space<semaphore_mem>>)
      %dma_wait3A_697 = arith.constant 0 : i32
      %dma_wait3A_698 = tpu.memref_slice %arg9[%add3A_45, %dma_wait3A_697] : memref<10000x128xf32, #tpu.memory_space<vmem_shared>> -> memref<48x128xf32, #tpu.memory_space<vmem_shared>>
      %dma_wait3A_699 = arith.constant 0 : i32
      %dma_wait3A_700 = tpu.memref_slice %arg9[%add3A_45, %dma_wait3A_699] : memref<10000x128xf32, #tpu.memory_space<vmem_shared>> -> memref<48x128xf32, #tpu.memory_space<vmem_shared>>
      tpu.wait_dma2 semaphore(%run_scoped3A : memref<!tpu.dma_semaphore, #tpu.memory_space<semaphore_mem>>) src(%arg8 : memref<48x128xf32, #tpu.memory_space<vmem>>) dst(%dma_wait3A_700 : memref<48x128xf32, #tpu.memory_space<vmem_shared>>)
      tpu.yield
    }) : () -> ()
    %mul3A_46 = arith.constant 624 : i32
    %mul3A_47 = arith.muli %arg1, %mul3A_46 : i32
    %add3A_48 = arith.constant 480 : i32
    %add3A_49 = arith.addi %mul3A_47, %add3A_48 : i32
    "tpu.region"() ({
      %run_scoped3A = tpu.sem_alloc : memref<!tpu.dma_semaphore, #tpu.memory_space<semaphore_mem>>
      %dma_start3A_693 = arith.constant 0 : i32
      %dma_start3A_694 = tpu.memref_slice %arg9[%add3A_49, %dma_start3A_693] : memref<10000x128xf32, #tpu.memory_space<vmem_shared>> -> memref<48x128xf32, #tpu.memory_space<vmem_shared>>
      %dma_start3A_695 = arith.constant 0 : i32
      %dma_start3A_696 = tpu.memref_slice %arg9[%add3A_49, %dma_start3A_695] : memref<10000x128xf32, #tpu.memory_space<vmem_shared>> -> memref<48x128xf32, #tpu.memory_space<vmem_shared>>
      tpu.enqueue_dma source(%arg8 : memref<48x128xf32, #tpu.memory_space<vmem>>) target(%dma_start3A_696 : memref<48x128xf32, #tpu.memory_space<vmem_shared>>) target_semaphore(%run_scoped3A : memref<!tpu.dma_semaphore, #tpu.memory_space<semaphore_mem>>)
      %dma_wait3A_697 = arith.constant 0 : i32
      %dma_wait3A_698 = tpu.memref_slice %arg9[%add3A_49, %dma_wait3A_697] : memref<10000x128xf32, #tpu.memory_space<vmem_shared>> -> memref<48x128xf32, #tpu.memory_space<vmem_shared>>
      %dma_wait3A_699 = arith.constant 0 : i32
      %dma_wait3A_700 = tpu.memref_slice %arg9[%add3A_49, %dma_wait3A_699] : memref<10000x128xf32, #tpu.memory_space<vmem_shared>> -> memref<48x128xf32, #tpu.memory_space<vmem_shared>>
      tpu.wait_dma2 semaphore(%run_scoped3A : memref<!tpu.dma_semaphore, #tpu.memory_space<semaphore_mem>>) src(%arg8 : memref<48x128xf32, #tpu.memory_space<vmem>>) dst(%dma_wait3A_700 : memref<48x128xf32, #tpu.memory_space<vmem_shared>>)
      tpu.yield
    }) : () -> ()
    %mul3A_50 = arith.constant 624 : i32
    %mul3A_51 = arith.muli %arg1, %mul3A_50 : i32
    %add3A_52 = arith.constant 528 : i32
    %add3A_53 = arith.addi %mul3A_51, %add3A_52 : i32
    "tpu.region"() ({
      %run_scoped3A = tpu.sem_alloc : memref<!tpu.dma_semaphore, #tpu.memory_space<semaphore_mem>>
      %dma_start3A_693 = arith.constant 0 : i32
      %dma_start3A_694 = tpu.memref_slice %arg9[%add3A_53, %dma_start3A_693] : memref<10000x128xf32, #tpu.memory_space<vmem_shared>> -> memref<48x128xf32, #tpu.memory_space<vmem_shared>>
      %dma_start3A_695 = arith.constant 0 : i32
      %dma_start3A_696 = tpu.memref_slice %arg9[%add3A_53, %dma_start3A_695] : memref<10000x128xf32, #tpu.memory_space<vmem_shared>> -> memref<48x128xf32, #tpu.memory_space<vmem_shared>>
      tpu.enqueue_dma source(%arg8 : memref<48x128xf32, #tpu.memory_space<vmem>>) target(%dma_start3A_696 : memref<48x128xf32, #tpu.memory_space<vmem_shared>>) target_semaphore(%run_scoped3A : memref<!tpu.dma_semaphore, #tpu.memory_space<semaphore_mem>>)
      %dma_wait3A_697 = arith.constant 0 : i32
      %dma_wait3A_698 = tpu.memref_slice %arg9[%add3A_53, %dma_wait3A_697] : memref<10000x128xf32, #tpu.memory_space<vmem_shared>> -> memref<48x128xf32, #tpu.memory_space<vmem_shared>>
      %dma_wait3A_699 = arith.constant 0 : i32
      %dma_wait3A_700 = tpu.memref_slice %arg9[%add3A_53, %dma_wait3A_699] : memref<10000x128xf32, #tpu.memory_space<vmem_shared>> -> memref<48x128xf32, #tpu.memory_space<vmem_shared>>
      tpu.wait_dma2 semaphore(%run_scoped3A : memref<!tpu.dma_semaphore, #tpu.memory_space<semaphore_mem>>) src(%arg8 : memref<48x128xf32, #tpu.memory_space<vmem>>) dst(%dma_wait3A_700 : memref<48x128xf32, #tpu.memory_space<vmem_shared>>)
      tpu.yield
    }) : () -> ()
    %mul3A_54 = arith.constant 624 : i32
    %mul3A_55 = arith.muli %arg1, %mul3A_54 : i32
    %add3A_56 = arith.constant 576 : i32
    %add3A_57 = arith.addi %mul3A_55, %add3A_56 : i32
    "tpu.region"() ({
      %run_scoped3A = tpu.sem_alloc : memref<!tpu.dma_semaphore, #tpu.memory_space<semaphore_mem>>
      %dma_start3A_693 = arith.constant 0 : i32
      %dma_start3A_694 = tpu.memref_slice %arg9[%add3A_57, %dma_start3A_693] : memref<10000x128xf32, #tpu.memory_space<vmem_shared>> -> memref<48x128xf32, #tpu.memory_space<vmem_shared>>
      %dma_start3A_695 = arith.constant 0 : i32
      %dma_start3A_696 = tpu.memref_slice %arg9[%add3A_57, %dma_start3A_695] : memref<10000x128xf32, #tpu.memory_space<vmem_shared>> -> memref<48x128xf32, #tpu.memory_space<vmem_shared>>
      tpu.enqueue_dma source(%arg8 : memref<48x128xf32, #tpu.memory_space<vmem>>) target(%dma_start3A_696 : memref<48x128xf32, #tpu.memory_space<vmem_shared>>) target_semaphore(%run_scoped3A : memref<!tpu.dma_semaphore, #tpu.memory_space<semaphore_mem>>)
      %dma_wait3A_697 = arith.constant 0 : i32
      %dma_wait3A_698 = tpu.memref_slice %arg9[%add3A_57, %dma_wait3A_697] : memref<10000x128xf32, #tpu.memory_space<vmem_shared>> -> memref<48x128xf32, #tpu.memory_space<vmem_shared>>
      %dma_wait3A_699 = arith.constant 0 : i32
      %dma_wait3A_700 = tpu.memref_slice %arg9[%add3A_57, %dma_wait3A_699] : memref<10000x128xf32, #tpu.memory_space<vmem_shared>> -> memref<48x128xf32, #tpu.memory_space<vmem_shared>>
      tpu.wait_dma2 semaphore(%run_scoped3A : memref<!tpu.dma_semaphore, #tpu.memory_space<semaphore_mem>>) src(%arg8 : memref<48x128xf32, #tpu.memory_space<vmem>>) dst(%dma_wait3A_700 : memref<48x128xf32, #tpu.memory_space<vmem_shared>>)
      tpu.yield
    }) : () -> ()
    %eq3A = arith.constant 15 : i32
    %eq3A_58 = arith.cmpi eq, %arg1, %eq3A : i32
    %convert_element_type3A = arith.extui %eq3A_58 : i1 to i32
    %cond3A = arith.constant 0 : i32
    %cond3A_59 = arith.cmpi ne, %convert_element_type3A, %cond3A : i32
    scf.if %cond3A_59 {
      "tpu.region"() ({
        %run_scoped3A = tpu.sem_alloc : memref<!tpu.dma_semaphore, #tpu.memory_space<semaphore_mem>>
        %dma_start3A_693 = arith.constant 0 : i32
        %dma_start3A_694 = arith.constant 0 : i32
        %dma_start3A_695 = tpu.memref_slice %arg8[%dma_start3A_693, %dma_start3A_694] : memref<48x128xf32, #tpu.memory_space<vmem>> -> memref<16x128xf32, #tpu.memory_space<vmem>>
        %dma_start3A_696 = arith.constant 9984 : i32
        %dma_start3A_697 = arith.constant 0 : i32
        %dma_start3A_698 = tpu.memref_slice %arg9[%dma_start3A_696, %dma_start3A_697] : memref<10000x128xf32, #tpu.memory_space<vmem_shared>> -> memref<16x128xf32, #tpu.memory_space<vmem_shared>>
        %dma_start3A_699 = arith.constant 9984 : i32
        %dma_start3A_700 = arith.constant 0 : i32
        %dma_start3A_701 = tpu.memref_slice %arg9[%dma_start3A_699, %dma_start3A_700] : memref<10000x128xf32, #tpu.memory_space<vmem_shared>> -> memref<16x128xf32, #tpu.memory_space<vmem_shared>>
        %dma_start3A_702 = arith.constant 0 : i32
        %dma_start3A_703 = arith.constant 0 : i32
        %dma_start3A_704 = tpu.memref_slice %arg8[%dma_start3A_702, %dma_start3A_703] : memref<48x128xf32, #tpu.memory_space<vmem>> -> memref<16x128xf32, #tpu.memory_space<vmem>>
        tpu.enqueue_dma source(%dma_start3A_704 : memref<16x128xf32, #tpu.memory_space<vmem>>) target(%dma_start3A_701 : memref<16x128xf32, #tpu.memory_space<vmem_shared>>) target_semaphore(%run_scoped3A : memref<!tpu.dma_semaphore, #tpu.memory_space<semaphore_mem>>)
        %dma_wait3A_705 = arith.constant 0 : i32
        %dma_wait3A_706 = arith.constant 0 : i32
        %dma_wait3A_707 = tpu.memref_slice %arg8[%dma_wait3A_705, %dma_wait3A_706] : memref<48x128xf32, #tpu.memory_space<vmem>> -> memref<16x128xf32, #tpu.memory_space<vmem>>
        %dma_wait3A_708 = arith.constant 9984 : i32
        %dma_wait3A_709 = arith.constant 0 : i32
        %dma_wait3A_710 = tpu.memref_slice %arg9[%dma_wait3A_708, %dma_wait3A_709] : memref<10000x128xf32, #tpu.memory_space<vmem_shared>> -> memref<16x128xf32, #tpu.memory_space<vmem_shared>>
        %dma_wait3A_711 = arith.constant 9984 : i32
        %dma_wait3A_712 = arith.constant 0 : i32
        %dma_wait3A_713 = tpu.memref_slice %arg9[%dma_wait3A_711, %dma_wait3A_712] : memref<10000x128xf32, #tpu.memory_space<vmem_shared>> -> memref<16x128xf32, #tpu.memory_space<vmem_shared>>
        %dma_wait3A_714 = arith.constant 0 : i32
        %dma_wait3A_715 = arith.constant 0 : i32
        %dma_wait3A_716 = tpu.memref_slice %arg8[%dma_wait3A_714, %dma_wait3A_715] : memref<48x128xf32, #tpu.memory_space<vmem>> -> memref<16x128xf32, #tpu.memory_space<vmem>>
        tpu.wait_dma2 semaphore(%run_scoped3A : memref<!tpu.dma_semaphore, #tpu.memory_space<semaphore_mem>>) src(%dma_wait3A_716 : memref<16x128xf32, #tpu.memory_space<vmem>>) dst(%dma_wait3A_713 : memref<16x128xf32, #tpu.memory_space<vmem_shared>>)
        tpu.yield
      }) : () -> ()
    } else {
    }
    %barrier3A = arith.constant 0 : index
    tpu.barrier barrier_id(%barrier3A)
    %mul3A_60 = arith.constant 10000 : i32
    %mul3A_61 = arith.muli %add3A, %mul3A_60 : i32
    %add3A_62 = arith.constant 0 : i32
    %add3A_63 = arith.addi %mul3A_61, %add3A_62 : i32
    %dma_start3A = arith.constant 0 : i32
    %dma_start3A_64 = arith.constant 0 : i32
    %dma_start3A_65 = arith.constant 0 : i32
    %dma_start3A_66 = tpu.memref_slice %arg7[%dma_start3A, %dma_start3A_64, %dma_start3A_65] : memref<4x80x128xf32, #tpu.memory_space<vmem>> -> memref<1x80x128xf32, #tpu.memory_space<vmem>>
    %dma_start3A_67 = tpu.memref_squeeze %dma_start3A_66 : memref<1x80x128xf32, #tpu.memory_space<vmem>> -> memref<80x128xf32, #tpu.memory_space<vmem>>
    %dma_start3A_68 = arith.constant 0 : i32
    %dma_start3A_69 = tpu.memref_slice %arg2[%add3A_63, %dma_start3A_68] : memref<320000x128xf32, #tpu.memory_space<hbm>> -> memref<80x128xf32, #tpu.memory_space<hbm>>
    %dma_start3A_70 = arith.constant 0 : i32
    %dma_start3A_71 = arith.constant 0 : i32
    %dma_start3A_72 = tpu.memref_slice %arg7[%dma_start3A, %dma_start3A_70, %dma_start3A_71] : memref<4x80x128xf32, #tpu.memory_space<vmem>> -> memref<1x80x128xf32, #tpu.memory_space<vmem>>
    %dma_start3A_73 = tpu.memref_squeeze %dma_start3A_72 : memref<1x80x128xf32, #tpu.memory_space<vmem>> -> memref<80x128xf32, #tpu.memory_space<vmem>>
    %dma_start3A_74 = arith.constant 0 : i32
    %dma_start3A_75 = tpu.memref_slice %arg2[%add3A_63, %dma_start3A_74] : memref<320000x128xf32, #tpu.memory_space<hbm>> -> memref<80x128xf32, #tpu.memory_space<hbm>>
    tpu.enqueue_dma source(%dma_start3A_75 : memref<80x128xf32, #tpu.memory_space<hbm>>) target(%dma_start3A_73 : memref<80x128xf32, #tpu.memory_space<vmem>>) target_semaphore(%arg10 : memref<!tpu.dma_semaphore, #tpu.memory_space<semaphore_mem>>)
    %add3A_76 = arith.constant 320000 : i32
    %add3A_77 = arith.addi %add3A_76, %add3A_63 : i32
    %add3A_78 = arith.constant 0 : i32
    %add3A_79 = arith.addi %add3A_77, %add3A_78 : i32
    %dma_start3A_80 = arith.constant 0 : i32
    %dma_start3A_81 = arith.constant 0 : i32
    %dma_start3A_82 = arith.constant 0 : i32
    %dma_start3A_83 = tpu.memref_slice %arg6[%dma_start3A_80, %dma_start3A_81, %dma_start3A_82] : memref<4x1x80xi32, #tpu.memory_space<vmem>> -> memref<1x1x80xi32, #tpu.memory_space<vmem>>
    %dma_start3A_84 = tpu.memref_squeeze %dma_start3A_83 : memref<1x1x80xi32, #tpu.memory_space<vmem>> -> memref<80xi32, #tpu.memory_space<vmem>>
    %dma_start3A_85 = tpu.memref_slice %arg3[%add3A_79] : memref<640000xi32, #tpu.memory_space<hbm>> -> memref<80xi32, #tpu.memory_space<hbm>>
    %dma_start3A_86 = arith.constant 0 : i32
    %dma_start3A_87 = tpu.memref_slice %arg6[%dma_start3A_80, %dma_start3A_81, %dma_start3A_86] : memref<4x1x80xi32, #tpu.memory_space<vmem>> -> memref<1x1x80xi32, #tpu.memory_space<vmem>>
    %dma_start3A_88 = tpu.memref_squeeze %dma_start3A_87 : memref<1x1x80xi32, #tpu.memory_space<vmem>> -> memref<80xi32, #tpu.memory_space<vmem>>
    %dma_start3A_89 = tpu.memref_slice %arg3[%add3A_79] : memref<640000xi32, #tpu.memory_space<hbm>> -> memref<80xi32, #tpu.memory_space<hbm>>
    tpu.enqueue_dma source(%dma_start3A_89 : memref<80xi32, #tpu.memory_space<hbm>>) target(%dma_start3A_88 : memref<80xi32, #tpu.memory_space<vmem>>) target_semaphore(%arg10 : memref<!tpu.dma_semaphore, #tpu.memory_space<semaphore_mem>>)
    %add3A_90 = arith.constant 80 : i32
    %add3A_91 = arith.addi %mul3A_61, %add3A_90 : i32
    %dma_start3A_92 = arith.constant 1 : i32
    %dma_start3A_93 = arith.constant 0 : i32
    %dma_start3A_94 = arith.constant 0 : i32
    %dma_start3A_95 = tpu.memref_slice %arg7[%dma_start3A_92, %dma_start3A_93, %dma_start3A_94] : memref<4x80x128xf32, #tpu.memory_space<vmem>> -> memref<1x80x128xf32, #tpu.memory_space<vmem>>
    %dma_start3A_96 = tpu.memref_squeeze %dma_start3A_95 : memref<1x80x128xf32, #tpu.memory_space<vmem>> -> memref<80x128xf32, #tpu.memory_space<vmem>>
    %dma_start3A_97 = arith.constant 0 : i32
    %dma_start3A_98 = tpu.memref_slice %arg2[%add3A_91, %dma_start3A_97] : memref<320000x128xf32, #tpu.memory_space<hbm>> -> memref<80x128xf32, #tpu.memory_space<hbm>>
    %dma_start3A_99 = arith.constant 0 : i32
    %dma_start3A_100 = arith.constant 0 : i32
    %dma_start3A_101 = tpu.memref_slice %arg7[%dma_start3A_92, %dma_start3A_99, %dma_start3A_100] : memref<4x80x128xf32, #tpu.memory_space<vmem>> -> memref<1x80x128xf32, #tpu.memory_space<vmem>>
    %dma_start3A_102 = tpu.memref_squeeze %dma_start3A_101 : memref<1x80x128xf32, #tpu.memory_space<vmem>> -> memref<80x128xf32, #tpu.memory_space<vmem>>
    %dma_start3A_103 = arith.constant 0 : i32
    %dma_start3A_104 = tpu.memref_slice %arg2[%add3A_91, %dma_start3A_103] : memref<320000x128xf32, #tpu.memory_space<hbm>> -> memref<80x128xf32, #tpu.memory_space<hbm>>
    tpu.enqueue_dma source(%dma_start3A_104 : memref<80x128xf32, #tpu.memory_space<hbm>>) target(%dma_start3A_102 : memref<80x128xf32, #tpu.memory_space<vmem>>) target_semaphore(%arg11 : memref<!tpu.dma_semaphore, #tpu.memory_space<semaphore_mem>>)
    %add3A_105 = arith.constant 320000 : i32
    %add3A_106 = arith.addi %add3A_105, %add3A_91 : i32
    %add3A_107 = arith.constant 0 : i32
    %add3A_108 = arith.addi %add3A_106, %add3A_107 : i32
    %dma_start3A_109 = arith.constant 1 : i32
    %dma_start3A_110 = arith.constant 0 : i32
    %dma_start3A_111 = arith.constant 0 : i32
    %dma_start3A_112 = tpu.memref_slice %arg6[%dma_start3A_109, %dma_start3A_110, %dma_start3A_111] : memref<4x1x80xi32, #tpu.memory_space<vmem>> -> memref<1x1x80xi32, #tpu.memory_space<vmem>>
    %dma_start3A_113 = tpu.memref_squeeze %dma_start3A_112 : memref<1x1x80xi32, #tpu.memory_space<vmem>> -> memref<80xi32, #tpu.memory_space<vmem>>
    %dma_start3A_114 = tpu.memref_slice %arg3[%add3A_108] : memref<640000xi32, #tpu.memory_space<hbm>> -> memref<80xi32, #tpu.memory_space<hbm>>
    %dma_start3A_115 = arith.constant 0 : i32
    %dma_start3A_116 = tpu.memref_slice %arg6[%dma_start3A_109, %dma_start3A_110, %dma_start3A_115] : memref<4x1x80xi32, #tpu.memory_space<vmem>> -> memref<1x1x80xi32, #tpu.memory_space<vmem>>
    %dma_start3A_117 = tpu.memref_squeeze %dma_start3A_116 : memref<1x1x80xi32, #tpu.memory_space<vmem>> -> memref<80xi32, #tpu.memory_space<vmem>>
    %dma_start3A_118 = tpu.memref_slice %arg3[%add3A_108] : memref<640000xi32, #tpu.memory_space<hbm>> -> memref<80xi32, #tpu.memory_space<hbm>>
    tpu.enqueue_dma source(%dma_start3A_118 : memref<80xi32, #tpu.memory_space<hbm>>) target(%dma_start3A_117 : memref<80xi32, #tpu.memory_space<vmem>>) target_semaphore(%arg11 : memref<!tpu.dma_semaphore, #tpu.memory_space<semaphore_mem>>)
    %dma_wait3A = arith.constant 0 : i32
    %dma_wait3A_119 = arith.constant 0 : i32
    %dma_wait3A_120 = arith.constant 0 : i32
    %dma_wait3A_121 = tpu.memref_slice %arg7[%dma_wait3A, %dma_wait3A_119, %dma_wait3A_120] : memref<4x80x128xf32, #tpu.memory_space<vmem>> -> memref<1x80x128xf32, #tpu.memory_space<vmem>>
    %dma_wait3A_122 = tpu.memref_squeeze %dma_wait3A_121 : memref<1x80x128xf32, #tpu.memory_space<vmem>> -> memref<80x128xf32, #tpu.memory_space<vmem>>
    %dma_wait3A_123 = arith.constant 0 : i32
    %dma_wait3A_124 = arith.constant 0 : i32
    %dma_wait3A_125 = tpu.memref_slice %arg2[%dma_wait3A_123, %dma_wait3A_124] : memref<320000x128xf32, #tpu.memory_space<hbm>> -> memref<80x128xf32, #tpu.memory_space<hbm>>
    %dma_wait3A_126 = arith.constant 0 : i32
    %dma_wait3A_127 = arith.constant 0 : i32
    %dma_wait3A_128 = tpu.memref_slice %arg7[%dma_wait3A, %dma_wait3A_126, %dma_wait3A_127] : memref<4x80x128xf32, #tpu.memory_space<vmem>> -> memref<1x80x128xf32, #tpu.memory_space<vmem>>
    %dma_wait3A_129 = tpu.memref_squeeze %dma_wait3A_128 : memref<1x80x128xf32, #tpu.memory_space<vmem>> -> memref<80x128xf32, #tpu.memory_space<vmem>>
    %dma_wait3A_130 = arith.constant 0 : i32
    %dma_wait3A_131 = arith.constant 0 : i32
    %dma_wait3A_132 = tpu.memref_slice %arg2[%dma_wait3A_130, %dma_wait3A_131] : memref<320000x128xf32, #tpu.memory_space<hbm>> -> memref<80x128xf32, #tpu.memory_space<hbm>>
    tpu.wait_dma2 semaphore(%arg10 : memref<!tpu.dma_semaphore, #tpu.memory_space<semaphore_mem>>) src(%dma_wait3A_132 : memref<80x128xf32, #tpu.memory_space<hbm>>) dst(%dma_wait3A_129 : memref<80x128xf32, #tpu.memory_space<vmem>>)
    %dma_wait3A_133 = arith.constant 0 : i32
    %dma_wait3A_134 = arith.constant 0 : i32
    %dma_wait3A_135 = arith.constant 0 : i32
    %dma_wait3A_136 = tpu.memref_slice %arg6[%dma_wait3A_133, %dma_wait3A_134, %dma_wait3A_135] : memref<4x1x80xi32, #tpu.memory_space<vmem>> -> memref<1x1x80xi32, #tpu.memory_space<vmem>>
    %dma_wait3A_137 = tpu.memref_squeeze %dma_wait3A_136 : memref<1x1x80xi32, #tpu.memory_space<vmem>> -> memref<80xi32, #tpu.memory_space<vmem>>
    %dma_wait3A_138 = arith.constant 0 : i32
    %dma_wait3A_139 = tpu.memref_slice %arg3[%dma_wait3A_138] : memref<640000xi32, #tpu.memory_space<hbm>> -> memref<80xi32, #tpu.memory_space<hbm>>
    %dma_wait3A_140 = arith.constant 0 : i32
    %dma_wait3A_141 = tpu.memref_slice %arg6[%dma_wait3A_133, %dma_wait3A_134, %dma_wait3A_140] : memref<4x1x80xi32, #tpu.memory_space<vmem>> -> memref<1x1x80xi32, #tpu.memory_space<vmem>>
    %dma_wait3A_142 = tpu.memref_squeeze %dma_wait3A_141 : memref<1x1x80xi32, #tpu.memory_space<vmem>> -> memref<80xi32, #tpu.memory_space<vmem>>
    %dma_wait3A_143 = arith.constant 0 : i32
    %dma_wait3A_144 = tpu.memref_slice %arg3[%dma_wait3A_143] : memref<640000xi32, #tpu.memory_space<hbm>> -> memref<80xi32, #tpu.memory_space<hbm>>
    tpu.wait_dma2 semaphore(%arg10 : memref<!tpu.dma_semaphore, #tpu.memory_space<semaphore_mem>>) src(%dma_wait3A_144 : memref<80xi32, #tpu.memory_space<hbm>>) dst(%dma_wait3A_142 : memref<80xi32, #tpu.memory_space<vmem>>)
    %dma_start3A_145 = arith.constant 0 : i32
    %dma_start3A_146 = arith.constant 0 : i32
    %dma_start3A_147 = arith.constant 0 : i32
    %dma_start3A_148 = arith.constant 0 : i32
    %dma_start3A_149 = arith.constant 0 : i32
    %dma_start3A_150 = tpu.memref_slice %arg7[%dma_start3A_145, %dma_start3A_148, %dma_start3A_149] : memref<4x80x128xf32, #tpu.memory_space<vmem>> -> memref<1x80x128xf32, #tpu.memory_space<vmem>>
    %dma_start3A_151 = tpu.memref_squeeze %dma_start3A_150 : memref<1x80x128xf32, #tpu.memory_space<vmem>> -> memref<80x128xf32, #tpu.memory_space<vmem>>
    %dma_start3A_152 = arith.constant 0 : i32
    %dma_start3A_153 = tpu.memref_slice %arg6[%dma_start3A_146, %dma_start3A_147, %dma_start3A_152] : memref<4x1x80xi32, #tpu.memory_space<vmem>> -> memref<1x1x80xi32, #tpu.memory_space<vmem>>
    %dma_start3A_154 = tpu.memref_squeeze %dma_start3A_153 : memref<1x1x80xi32, #tpu.memory_space<vmem>> -> memref<80xi32, #tpu.memory_space<vmem>>
    %dma_start3A_155 = arith.constant 0 : i32
    %dma_start3A_156 = arith.constant 0 : i32
    %dma_start3A_157 = tpu.memref_slice %arg9[%dma_start3A_155, %dma_start3A_156] : memref<10000x128xf32, #tpu.memory_space<vmem_shared>> -> memref<10000x128xf32, #tpu.memory_space<vmem_shared>>
    tpu.enqueue_indirect_dma source(%dma_start3A_151 : memref<80x128xf32, #tpu.memory_space<vmem>>) target(%dma_start3A_157 : memref<10000x128xf32, #tpu.memory_space<vmem_shared>>) offsets(%dma_start3A_154 : memref<80xi32, #tpu.memory_space<vmem>>) semaphore(%arg14 : memref<!tpu.dma_semaphore, #tpu.memory_space<semaphore_mem>>) {add = true}
    %add3A_158 = arith.constant 0 : i32
    %add3A_159 = arith.addi %mul3A_61, %add3A_158 : i32
    %dma_start3A_160 = arith.constant 0 : i32
    %dma_start3A_161 = arith.constant 0 : i32
    %dma_start3A_162 = arith.constant 0 : i32
    %dma_start3A_163 = tpu.memref_slice %arg7[%dma_start3A_160, %dma_start3A_161, %dma_start3A_162] : memref<4x80x128xf32, #tpu.memory_space<vmem>> -> memref<1x80x128xf32, #tpu.memory_space<vmem>>
    %dma_start3A_164 = tpu.memref_squeeze %dma_start3A_163 : memref<1x80x128xf32, #tpu.memory_space<vmem>> -> memref<80x128xf32, #tpu.memory_space<vmem>>
    %dma_start3A_165 = arith.constant 0 : i32
    %dma_start3A_166 = tpu.memref_slice %arg5[%add3A_159, %dma_start3A_165] : memref<320000x128xf32, #tpu.memory_space<hbm>> -> memref<80x128xf32, #tpu.memory_space<hbm>>
    %dma_start3A_167 = arith.constant 0 : i32
    %dma_start3A_168 = tpu.memref_slice %arg5[%add3A_159, %dma_start3A_167] : memref<320000x128xf32, #tpu.memory_space<hbm>> -> memref<80x128xf32, #tpu.memory_space<hbm>>
    %dma_start3A_169 = arith.constant 0 : i32
    %dma_start3A_170 = arith.constant 0 : i32
    %dma_start3A_171 = tpu.memref_slice %arg7[%dma_start3A_160, %dma_start3A_169, %dma_start3A_170] : memref<4x80x128xf32, #tpu.memory_space<vmem>> -> memref<1x80x128xf32, #tpu.memory_space<vmem>>
    %dma_start3A_172 = tpu.memref_squeeze %dma_start3A_171 : memref<1x80x128xf32, #tpu.memory_space<vmem>> -> memref<80x128xf32, #tpu.memory_space<vmem>>
    tpu.enqueue_dma source(%dma_start3A_172 : memref<80x128xf32, #tpu.memory_space<vmem>>) target(%dma_start3A_168 : memref<80x128xf32, #tpu.memory_space<hbm>>) target_semaphore(%arg18 : memref<!tpu.dma_semaphore, #tpu.memory_space<semaphore_mem>>)
    %add3A_173 = arith.constant 160 : i32
    %add3A_174 = arith.addi %mul3A_61, %add3A_173 : i32
    %dma_start3A_175 = arith.constant 2 : i32
    %dma_start3A_176 = arith.constant 0 : i32
    %dma_start3A_177 = arith.constant 0 : i32
    %dma_start3A_178 = tpu.memref_slice %arg7[%dma_start3A_175, %dma_start3A_176, %dma_start3A_177] : memref<4x80x128xf32, #tpu.memory_space<vmem>> -> memref<1x80x128xf32, #tpu.memory_space<vmem>>
    %dma_start3A_179 = tpu.memref_squeeze %dma_start3A_178 : memref<1x80x128xf32, #tpu.memory_space<vmem>> -> memref<80x128xf32, #tpu.memory_space<vmem>>
    %dma_start3A_180 = arith.constant 0 : i32
    %dma_start3A_181 = tpu.memref_slice %arg2[%add3A_174, %dma_start3A_180] : memref<320000x128xf32, #tpu.memory_space<hbm>> -> memref<80x128xf32, #tpu.memory_space<hbm>>
    %dma_start3A_182 = arith.constant 0 : i32
    %dma_start3A_183 = arith.constant 0 : i32
    %dma_start3A_184 = tpu.memref_slice %arg7[%dma_start3A_175, %dma_start3A_182, %dma_start3A_183] : memref<4x80x128xf32, #tpu.memory_space<vmem>> -> memref<1x80x128xf32, #tpu.memory_space<vmem>>
    %dma_start3A_185 = tpu.memref_squeeze %dma_start3A_184 : memref<1x80x128xf32, #tpu.memory_space<vmem>> -> memref<80x128xf32, #tpu.memory_space<vmem>>
    %dma_start3A_186 = arith.constant 0 : i32
    %dma_start3A_187 = tpu.memref_slice %arg2[%add3A_174, %dma_start3A_186] : memref<320000x128xf32, #tpu.memory_space<hbm>> -> memref<80x128xf32, #tpu.memory_space<hbm>>
    tpu.enqueue_dma source(%dma_start3A_187 : memref<80x128xf32, #tpu.memory_space<hbm>>) target(%dma_start3A_185 : memref<80x128xf32, #tpu.memory_space<vmem>>) target_semaphore(%arg12 : memref<!tpu.dma_semaphore, #tpu.memory_space<semaphore_mem>>)
    %add3A_188 = arith.constant 320000 : i32
    %add3A_189 = arith.addi %add3A_188, %add3A_174 : i32
    %add3A_190 = arith.constant 0 : i32
    %add3A_191 = arith.addi %add3A_189, %add3A_190 : i32
    %dma_start3A_192 = arith.constant 2 : i32
    %dma_start3A_193 = arith.constant 0 : i32
    %dma_start3A_194 = arith.constant 0 : i32
    %dma_start3A_195 = tpu.memref_slice %arg6[%dma_start3A_192, %dma_start3A_193, %dma_start3A_194] : memref<4x1x80xi32, #tpu.memory_space<vmem>> -> memref<1x1x80xi32, #tpu.memory_space<vmem>>
    %dma_start3A_196 = tpu.memref_squeeze %dma_start3A_195 : memref<1x1x80xi32, #tpu.memory_space<vmem>> -> memref<80xi32, #tpu.memory_space<vmem>>
    %dma_start3A_197 = tpu.memref_slice %arg3[%add3A_191] : memref<640000xi32, #tpu.memory_space<hbm>> -> memref<80xi32, #tpu.memory_space<hbm>>
    %dma_start3A_198 = arith.constant 0 : i32
    %dma_start3A_199 = tpu.memref_slice %arg6[%dma_start3A_192, %dma_start3A_193, %dma_start3A_198] : memref<4x1x80xi32, #tpu.memory_space<vmem>> -> memref<1x1x80xi32, #tpu.memory_space<vmem>>
    %dma_start3A_200 = tpu.memref_squeeze %dma_start3A_199 : memref<1x1x80xi32, #tpu.memory_space<vmem>> -> memref<80xi32, #tpu.memory_space<vmem>>
    %dma_start3A_201 = tpu.memref_slice %arg3[%add3A_191] : memref<640000xi32, #tpu.memory_space<hbm>> -> memref<80xi32, #tpu.memory_space<hbm>>
    tpu.enqueue_dma source(%dma_start3A_201 : memref<80xi32, #tpu.memory_space<hbm>>) target(%dma_start3A_200 : memref<80xi32, #tpu.memory_space<vmem>>) target_semaphore(%arg12 : memref<!tpu.dma_semaphore, #tpu.memory_space<semaphore_mem>>)
    %dma_wait3A_202 = arith.constant 1 : i32
    %dma_wait3A_203 = arith.constant 0 : i32
    %dma_wait3A_204 = arith.constant 0 : i32
    %dma_wait3A_205 = tpu.memref_slice %arg7[%dma_wait3A_202, %dma_wait3A_203, %dma_wait3A_204] : memref<4x80x128xf32, #tpu.memory_space<vmem>> -> memref<1x80x128xf32, #tpu.memory_space<vmem>>
    %dma_wait3A_206 = tpu.memref_squeeze %dma_wait3A_205 : memref<1x80x128xf32, #tpu.memory_space<vmem>> -> memref<80x128xf32, #tpu.memory_space<vmem>>
    %dma_wait3A_207 = arith.constant 0 : i32
    %dma_wait3A_208 = arith.constant 0 : i32
    %dma_wait3A_209 = tpu.memref_slice %arg2[%dma_wait3A_207, %dma_wait3A_208] : memref<320000x128xf32, #tpu.memory_space<hbm>> -> memref<80x128xf32, #tpu.memory_space<hbm>>
    %dma_wait3A_210 = arith.constant 0 : i32
    %dma_wait3A_211 = arith.constant 0 : i32
    %dma_wait3A_212 = tpu.memref_slice %arg7[%dma_wait3A_202, %dma_wait3A_210, %dma_wait3A_211] : memref<4x80x128xf32, #tpu.memory_space<vmem>> -> memref<1x80x128xf32, #tpu.memory_space<vmem>>
    %dma_wait3A_213 = tpu.memref_squeeze %dma_wait3A_212 : memref<1x80x128xf32, #tpu.memory_space<vmem>> -> memref<80x128xf32, #tpu.memory_space<vmem>>
    %dma_wait3A_214 = arith.constant 0 : i32
    %dma_wait3A_215 = arith.constant 0 : i32
    %dma_wait3A_216 = tpu.memref_slice %arg2[%dma_wait3A_214, %dma_wait3A_215] : memref<320000x128xf32, #tpu.memory_space<hbm>> -> memref<80x128xf32, #tpu.memory_space<hbm>>
    tpu.wait_dma2 semaphore(%arg11 : memref<!tpu.dma_semaphore, #tpu.memory_space<semaphore_mem>>) src(%dma_wait3A_216 : memref<80x128xf32, #tpu.memory_space<hbm>>) dst(%dma_wait3A_213 : memref<80x128xf32, #tpu.memory_space<vmem>>)
    %dma_wait3A_217 = arith.constant 1 : i32
    %dma_wait3A_218 = arith.constant 0 : i32
    %dma_wait3A_219 = arith.constant 0 : i32
    %dma_wait3A_220 = tpu.memref_slice %arg6[%dma_wait3A_217, %dma_wait3A_218, %dma_wait3A_219] : memref<4x1x80xi32, #tpu.memory_space<vmem>> -> memref<1x1x80xi32, #tpu.memory_space<vmem>>
    %dma_wait3A_221 = tpu.memref_squeeze %dma_wait3A_220 : memref<1x1x80xi32, #tpu.memory_space<vmem>> -> memref<80xi32, #tpu.memory_space<vmem>>
    %dma_wait3A_222 = arith.constant 0 : i32
    %dma_wait3A_223 = tpu.memref_slice %arg3[%dma_wait3A_222] : memref<640000xi32, #tpu.memory_space<hbm>> -> memref<80xi32, #tpu.memory_space<hbm>>
    %dma_wait3A_224 = arith.constant 0 : i32
    %dma_wait3A_225 = tpu.memref_slice %arg6[%dma_wait3A_217, %dma_wait3A_218, %dma_wait3A_224] : memref<4x1x80xi32, #tpu.memory_space<vmem>> -> memref<1x1x80xi32, #tpu.memory_space<vmem>>
    %dma_wait3A_226 = tpu.memref_squeeze %dma_wait3A_225 : memref<1x1x80xi32, #tpu.memory_space<vmem>> -> memref<80xi32, #tpu.memory_space<vmem>>
    %dma_wait3A_227 = arith.constant 0 : i32
    %dma_wait3A_228 = tpu.memref_slice %arg3[%dma_wait3A_227] : memref<640000xi32, #tpu.memory_space<hbm>> -> memref<80xi32, #tpu.memory_space<hbm>>
    tpu.wait_dma2 semaphore(%arg11 : memref<!tpu.dma_semaphore, #tpu.memory_space<semaphore_mem>>) src(%dma_wait3A_228 : memref<80xi32, #tpu.memory_space<hbm>>) dst(%dma_wait3A_226 : memref<80xi32, #tpu.memory_space<vmem>>)
    %dma_start3A_229 = arith.constant 1 : i32
    %dma_start3A_230 = arith.constant 1 : i32
    %dma_start3A_231 = arith.constant 0 : i32
    %dma_start3A_232 = arith.constant 0 : i32
    %dma_start3A_233 = arith.constant 0 : i32
    %dma_start3A_234 = tpu.memref_slice %arg7[%dma_start3A_229, %dma_start3A_232, %dma_start3A_233] : memref<4x80x128xf32, #tpu.memory_space<vmem>> -> memref<1x80x128xf32, #tpu.memory_space<vmem>>
    %dma_start3A_235 = tpu.memref_squeeze %dma_start3A_234 : memref<1x80x128xf32, #tpu.memory_space<vmem>> -> memref<80x128xf32, #tpu.memory_space<vmem>>
    %dma_start3A_236 = arith.constant 0 : i32
    %dma_start3A_237 = tpu.memref_slice %arg6[%dma_start3A_230, %dma_start3A_231, %dma_start3A_236] : memref<4x1x80xi32, #tpu.memory_space<vmem>> -> memref<1x1x80xi32, #tpu.memory_space<vmem>>
    %dma_start3A_238 = tpu.memref_squeeze %dma_start3A_237 : memref<1x1x80xi32, #tpu.memory_space<vmem>> -> memref<80xi32, #tpu.memory_space<vmem>>
    %dma_start3A_239 = arith.constant 0 : i32
    %dma_start3A_240 = arith.constant 0 : i32
    %dma_start3A_241 = tpu.memref_slice %arg9[%dma_start3A_239, %dma_start3A_240] : memref<10000x128xf32, #tpu.memory_space<vmem_shared>> -> memref<10000x128xf32, #tpu.memory_space<vmem_shared>>
    tpu.enqueue_indirect_dma source(%dma_start3A_235 : memref<80x128xf32, #tpu.memory_space<vmem>>) target(%dma_start3A_241 : memref<10000x128xf32, #tpu.memory_space<vmem_shared>>) offsets(%dma_start3A_238 : memref<80xi32, #tpu.memory_space<vmem>>) semaphore(%arg15 : memref<!tpu.dma_semaphore, #tpu.memory_space<semaphore_mem>>) {add = true}
    %add3A_242 = arith.constant 80 : i32
    %add3A_243 = arith.addi %mul3A_61, %add3A_242 : i32
    %dma_start3A_244 = arith.constant 1 : i32
    %dma_start3A_245 = arith.constant 0 : i32
    %dma_start3A_246 = arith.constant 0 : i32
    %dma_start3A_247 = tpu.memref_slice %arg7[%dma_start3A_244, %dma_start3A_245, %dma_start3A_246] : memref<4x80x128xf32, #tpu.memory_space<vmem>> -> memref<1x80x128xf32, #tpu.memory_space<vmem>>
    %dma_start3A_248 = tpu.memref_squeeze %dma_start3A_247 : memref<1x80x128xf32, #tpu.memory_space<vmem>> -> memref<80x128xf32, #tpu.memory_space<vmem>>
    %dma_start3A_249 = arith.constant 0 : i32
    %dma_start3A_250 = tpu.memref_slice %arg5[%add3A_243, %dma_start3A_249] : memref<320000x128xf32, #tpu.memory_space<hbm>> -> memref<80x128xf32, #tpu.memory_space<hbm>>
    %dma_start3A_251 = arith.constant 0 : i32
    %dma_start3A_252 = tpu.memref_slice %arg5[%add3A_243, %dma_start3A_251] : memref<320000x128xf32, #tpu.memory_space<hbm>> -> memref<80x128xf32, #tpu.memory_space<hbm>>
    %dma_start3A_253 = arith.constant 0 : i32
    %dma_start3A_254 = arith.constant 0 : i32
    %dma_start3A_255 = tpu.memref_slice %arg7[%dma_start3A_244, %dma_start3A_253, %dma_start3A_254] : memref<4x80x128xf32, #tpu.memory_space<vmem>> -> memref<1x80x128xf32, #tpu.memory_space<vmem>>
    %dma_start3A_256 = tpu.memref_squeeze %dma_start3A_255 : memref<1x80x128xf32, #tpu.memory_space<vmem>> -> memref<80x128xf32, #tpu.memory_space<vmem>>
    tpu.enqueue_dma source(%dma_start3A_256 : memref<80x128xf32, #tpu.memory_space<vmem>>) target(%dma_start3A_252 : memref<80x128xf32, #tpu.memory_space<hbm>>) target_semaphore(%arg19 : memref<!tpu.dma_semaphore, #tpu.memory_space<semaphore_mem>>)
    %add3A_257 = arith.constant 240 : i32
    %add3A_258 = arith.addi %mul3A_61, %add3A_257 : i32
    %dma_start3A_259 = arith.constant 3 : i32
    %dma_start3A_260 = arith.constant 0 : i32
    %dma_start3A_261 = arith.constant 0 : i32
    %dma_start3A_262 = tpu.memref_slice %arg7[%dma_start3A_259, %dma_start3A_260, %dma_start3A_261] : memref<4x80x128xf32, #tpu.memory_space<vmem>> -> memref<1x80x128xf32, #tpu.memory_space<vmem>>
    %dma_start3A_263 = tpu.memref_squeeze %dma_start3A_262 : memref<1x80x128xf32, #tpu.memory_space<vmem>> -> memref<80x128xf32, #tpu.memory_space<vmem>>
    %dma_start3A_264 = arith.constant 0 : i32
    %dma_start3A_265 = tpu.memref_slice %arg2[%add3A_258, %dma_start3A_264] : memref<320000x128xf32, #tpu.memory_space<hbm>> -> memref<80x128xf32, #tpu.memory_space<hbm>>
    %dma_start3A_266 = arith.constant 0 : i32
    %dma_start3A_267 = arith.constant 0 : i32
    %dma_start3A_268 = tpu.memref_slice %arg7[%dma_start3A_259, %dma_start3A_266, %dma_start3A_267] : memref<4x80x128xf32, #tpu.memory_space<vmem>> -> memref<1x80x128xf32, #tpu.memory_space<vmem>>
    %dma_start3A_269 = tpu.memref_squeeze %dma_start3A_268 : memref<1x80x128xf32, #tpu.memory_space<vmem>> -> memref<80x128xf32, #tpu.memory_space<vmem>>
    %dma_start3A_270 = arith.constant 0 : i32
    %dma_start3A_271 = tpu.memref_slice %arg2[%add3A_258, %dma_start3A_270] : memref<320000x128xf32, #tpu.memory_space<hbm>> -> memref<80x128xf32, #tpu.memory_space<hbm>>
    tpu.enqueue_dma source(%dma_start3A_271 : memref<80x128xf32, #tpu.memory_space<hbm>>) target(%dma_start3A_269 : memref<80x128xf32, #tpu.memory_space<vmem>>) target_semaphore(%arg13 : memref<!tpu.dma_semaphore, #tpu.memory_space<semaphore_mem>>)
    %add3A_272 = arith.constant 320000 : i32
    %add3A_273 = arith.addi %add3A_272, %add3A_258 : i32
    %add3A_274 = arith.constant 0 : i32
    %add3A_275 = arith.addi %add3A_273, %add3A_274 : i32
    %dma_start3A_276 = arith.constant 3 : i32
    %dma_start3A_277 = arith.constant 0 : i32
    %dma_start3A_278 = arith.constant 0 : i32
    %dma_start3A_279 = tpu.memref_slice %arg6[%dma_start3A_276, %dma_start3A_277, %dma_start3A_278] : memref<4x1x80xi32, #tpu.memory_space<vmem>> -> memref<1x1x80xi32, #tpu.memory_space<vmem>>
    %dma_start3A_280 = tpu.memref_squeeze %dma_start3A_279 : memref<1x1x80xi32, #tpu.memory_space<vmem>> -> memref<80xi32, #tpu.memory_space<vmem>>
    %dma_start3A_281 = tpu.memref_slice %arg3[%add3A_275] : memref<640000xi32, #tpu.memory_space<hbm>> -> memref<80xi32, #tpu.memory_space<hbm>>
    %dma_start3A_282 = arith.constant 0 : i32
    %dma_start3A_283 = tpu.memref_slice %arg6[%dma_start3A_276, %dma_start3A_277, %dma_start3A_282] : memref<4x1x80xi32, #tpu.memory_space<vmem>> -> memref<1x1x80xi32, #tpu.memory_space<vmem>>
    %dma_start3A_284 = tpu.memref_squeeze %dma_start3A_283 : memref<1x1x80xi32, #tpu.memory_space<vmem>> -> memref<80xi32, #tpu.memory_space<vmem>>
    %dma_start3A_285 = tpu.memref_slice %arg3[%add3A_275] : memref<640000xi32, #tpu.memory_space<hbm>> -> memref<80xi32, #tpu.memory_space<hbm>>
    tpu.enqueue_dma source(%dma_start3A_285 : memref<80xi32, #tpu.memory_space<hbm>>) target(%dma_start3A_284 : memref<80xi32, #tpu.memory_space<vmem>>) target_semaphore(%arg13 : memref<!tpu.dma_semaphore, #tpu.memory_space<semaphore_mem>>)
    %dma_wait3A_286 = arith.constant 2 : i32
    %dma_wait3A_287 = arith.constant 0 : i32
    %dma_wait3A_288 = arith.constant 0 : i32
    %dma_wait3A_289 = tpu.memref_slice %arg7[%dma_wait3A_286, %dma_wait3A_287, %dma_wait3A_288] : memref<4x80x128xf32, #tpu.memory_space<vmem>> -> memref<1x80x128xf32, #tpu.memory_space<vmem>>
    %dma_wait3A_290 = tpu.memref_squeeze %dma_wait3A_289 : memref<1x80x128xf32, #tpu.memory_space<vmem>> -> memref<80x128xf32, #tpu.memory_space<vmem>>
    %dma_wait3A_291 = arith.constant 0 : i32
    %dma_wait3A_292 = arith.constant 0 : i32
    %dma_wait3A_293 = tpu.memref_slice %arg2[%dma_wait3A_291, %dma_wait3A_292] : memref<320000x128xf32, #tpu.memory_space<hbm>> -> memref<80x128xf32, #tpu.memory_space<hbm>>
    %dma_wait3A_294 = arith.constant 0 : i32
    %dma_wait3A_295 = arith.constant 0 : i32
    %dma_wait3A_296 = tpu.memref_slice %arg7[%dma_wait3A_286, %dma_wait3A_294, %dma_wait3A_295] : memref<4x80x128xf32, #tpu.memory_space<vmem>> -> memref<1x80x128xf32, #tpu.memory_space<vmem>>
    %dma_wait3A_297 = tpu.memref_squeeze %dma_wait3A_296 : memref<1x80x128xf32, #tpu.memory_space<vmem>> -> memref<80x128xf32, #tpu.memory_space<vmem>>
    %dma_wait3A_298 = arith.constant 0 : i32
    %dma_wait3A_299 = arith.constant 0 : i32
    %dma_wait3A_300 = tpu.memref_slice %arg2[%dma_wait3A_298, %dma_wait3A_299] : memref<320000x128xf32, #tpu.memory_space<hbm>> -> memref<80x128xf32, #tpu.memory_space<hbm>>
    tpu.wait_dma2 semaphore(%arg12 : memref<!tpu.dma_semaphore, #tpu.memory_space<semaphore_mem>>) src(%dma_wait3A_300 : memref<80x128xf32, #tpu.memory_space<hbm>>) dst(%dma_wait3A_297 : memref<80x128xf32, #tpu.memory_space<vmem>>)
    %dma_wait3A_301 = arith.constant 2 : i32
    %dma_wait3A_302 = arith.constant 0 : i32
    %dma_wait3A_303 = arith.constant 0 : i32
    %dma_wait3A_304 = tpu.memref_slice %arg6[%dma_wait3A_301, %dma_wait3A_302, %dma_wait3A_303] : memref<4x1x80xi32, #tpu.memory_space<vmem>> -> memref<1x1x80xi32, #tpu.memory_space<vmem>>
    %dma_wait3A_305 = tpu.memref_squeeze %dma_wait3A_304 : memref<1x1x80xi32, #tpu.memory_space<vmem>> -> memref<80xi32, #tpu.memory_space<vmem>>
    %dma_wait3A_306 = arith.constant 0 : i32
    %dma_wait3A_307 = tpu.memref_slice %arg3[%dma_wait3A_306] : memref<640000xi32, #tpu.memory_space<hbm>> -> memref<80xi32, #tpu.memory_space<hbm>>
    %dma_wait3A_308 = arith.constant 0 : i32
    %dma_wait3A_309 = tpu.memref_slice %arg6[%dma_wait3A_301, %dma_wait3A_302, %dma_wait3A_308] : memref<4x1x80xi32, #tpu.memory_space<vmem>> -> memref<1x1x80xi32, #tpu.memory_space<vmem>>
    %dma_wait3A_310 = tpu.memref_squeeze %dma_wait3A_309 : memref<1x1x80xi32, #tpu.memory_space<vmem>> -> memref<80xi32, #tpu.memory_space<vmem>>
    %dma_wait3A_311 = arith.constant 0 : i32
    %dma_wait3A_312 = tpu.memref_slice %arg3[%dma_wait3A_311] : memref<640000xi32, #tpu.memory_space<hbm>> -> memref<80xi32, #tpu.memory_space<hbm>>
    tpu.wait_dma2 semaphore(%arg12 : memref<!tpu.dma_semaphore, #tpu.memory_space<semaphore_mem>>) src(%dma_wait3A_312 : memref<80xi32, #tpu.memory_space<hbm>>) dst(%dma_wait3A_310 : memref<80xi32, #tpu.memory_space<vmem>>)
    %dma_start3A_313 = arith.constant 2 : i32
    %dma_start3A_314 = arith.constant 2 : i32
    %dma_start3A_315 = arith.constant 0 : i32
    %dma_start3A_316 = arith.constant 0 : i32
    %dma_start3A_317 = arith.constant 0 : i32
    %dma_start3A_318 = tpu.memref_slice %arg7[%dma_start3A_313, %dma_start3A_316, %dma_start3A_317] : memref<4x80x128xf32, #tpu.memory_space<vmem>> -> memref<1x80x128xf32, #tpu.memory_space<vmem>>
    %dma_start3A_319 = tpu.memref_squeeze %dma_start3A_318 : memref<1x80x128xf32, #tpu.memory_space<vmem>> -> memref<80x128xf32, #tpu.memory_space<vmem>>
    %dma_start3A_320 = arith.constant 0 : i32
    %dma_start3A_321 = tpu.memref_slice %arg6[%dma_start3A_314, %dma_start3A_315, %dma_start3A_320] : memref<4x1x80xi32, #tpu.memory_space<vmem>> -> memref<1x1x80xi32, #tpu.memory_space<vmem>>
    %dma_start3A_322 = tpu.memref_squeeze %dma_start3A_321 : memref<1x1x80xi32, #tpu.memory_space<vmem>> -> memref<80xi32, #tpu.memory_space<vmem>>
    %dma_start3A_323 = arith.constant 0 : i32
    %dma_start3A_324 = arith.constant 0 : i32
    %dma_start3A_325 = tpu.memref_slice %arg9[%dma_start3A_323, %dma_start3A_324] : memref<10000x128xf32, #tpu.memory_space<vmem_shared>> -> memref<10000x128xf32, #tpu.memory_space<vmem_shared>>
    tpu.enqueue_indirect_dma source(%dma_start3A_319 : memref<80x128xf32, #tpu.memory_space<vmem>>) target(%dma_start3A_325 : memref<10000x128xf32, #tpu.memory_space<vmem_shared>>) offsets(%dma_start3A_322 : memref<80xi32, #tpu.memory_space<vmem>>) semaphore(%arg16 : memref<!tpu.dma_semaphore, #tpu.memory_space<semaphore_mem>>) {add = true}
    %add3A_326 = arith.constant 160 : i32
    %add3A_327 = arith.addi %mul3A_61, %add3A_326 : i32
    %dma_start3A_328 = arith.constant 2 : i32
    %dma_start3A_329 = arith.constant 0 : i32
    %dma_start3A_330 = arith.constant 0 : i32
    %dma_start3A_331 = tpu.memref_slice %arg7[%dma_start3A_328, %dma_start3A_329, %dma_start3A_330] : memref<4x80x128xf32, #tpu.memory_space<vmem>> -> memref<1x80x128xf32, #tpu.memory_space<vmem>>
    %dma_start3A_332 = tpu.memref_squeeze %dma_start3A_331 : memref<1x80x128xf32, #tpu.memory_space<vmem>> -> memref<80x128xf32, #tpu.memory_space<vmem>>
    %dma_start3A_333 = arith.constant 0 : i32
    %dma_start3A_334 = tpu.memref_slice %arg5[%add3A_327, %dma_start3A_333] : memref<320000x128xf32, #tpu.memory_space<hbm>> -> memref<80x128xf32, #tpu.memory_space<hbm>>
    %dma_start3A_335 = arith.constant 0 : i32
    %dma_start3A_336 = tpu.memref_slice %arg5[%add3A_327, %dma_start3A_335] : memref<320000x128xf32, #tpu.memory_space<hbm>> -> memref<80x128xf32, #tpu.memory_space<hbm>>
    %dma_start3A_337 = arith.constant 0 : i32
    %dma_start3A_338 = arith.constant 0 : i32
    %dma_start3A_339 = tpu.memref_slice %arg7[%dma_start3A_328, %dma_start3A_337, %dma_start3A_338] : memref<4x80x128xf32, #tpu.memory_space<vmem>> -> memref<1x80x128xf32, #tpu.memory_space<vmem>>
    %dma_start3A_340 = tpu.memref_squeeze %dma_start3A_339 : memref<1x80x128xf32, #tpu.memory_space<vmem>> -> memref<80x128xf32, #tpu.memory_space<vmem>>
    tpu.enqueue_dma source(%dma_start3A_340 : memref<80x128xf32, #tpu.memory_space<vmem>>) target(%dma_start3A_336 : memref<80x128xf32, #tpu.memory_space<hbm>>) target_semaphore(%arg20 : memref<!tpu.dma_semaphore, #tpu.memory_space<semaphore_mem>>)
    %dma_wait3A_341 = arith.constant 0 : i32
    %dma_wait3A_342 = arith.constant 0 : i32
    %dma_wait3A_343 = arith.constant 0 : i32
    %dma_wait3A_344 = arith.constant 0 : i32
    %dma_wait3A_345 = arith.constant 0 : i32
    %dma_wait3A_346 = tpu.memref_slice %arg7[%dma_wait3A_341, %dma_wait3A_344, %dma_wait3A_345] : memref<4x80x128xf32, #tpu.memory_space<vmem>> -> memref<1x80x128xf32, #tpu.memory_space<vmem>>
    %dma_wait3A_347 = tpu.memref_squeeze %dma_wait3A_346 : memref<1x80x128xf32, #tpu.memory_space<vmem>> -> memref<80x128xf32, #tpu.memory_space<vmem>>
    %dma_wait3A_348 = arith.constant 0 : i32
    %dma_wait3A_349 = tpu.memref_slice %arg6[%dma_wait3A_342, %dma_wait3A_343, %dma_wait3A_348] : memref<4x1x80xi32, #tpu.memory_space<vmem>> -> memref<1x1x80xi32, #tpu.memory_space<vmem>>
    %dma_wait3A_350 = tpu.memref_squeeze %dma_wait3A_349 : memref<1x1x80xi32, #tpu.memory_space<vmem>> -> memref<80xi32, #tpu.memory_space<vmem>>
    %dma_wait3A_351 = arith.constant 0 : i32
    %dma_wait3A_352 = arith.constant 0 : i32
    %dma_wait3A_353 = tpu.memref_slice %arg9[%dma_wait3A_351, %dma_wait3A_352] : memref<10000x128xf32, #tpu.memory_space<vmem_shared>> -> memref<10000x128xf32, #tpu.memory_space<vmem_shared>>
    tpu.wait_indirect_dma semaphore(%arg14 : memref<!tpu.dma_semaphore, #tpu.memory_space<semaphore_mem>>) src(%dma_wait3A_347 : memref<80x128xf32, #tpu.memory_space<vmem>>) dst(%dma_wait3A_353 : memref<10000x128xf32, #tpu.memory_space<vmem_shared>>)
    %dma_wait3A_354 = arith.constant 0 : i32
    %dma_wait3A_355 = arith.constant 0 : i32
    %dma_wait3A_356 = arith.constant 0 : i32
    %dma_wait3A_357 = tpu.memref_slice %arg7[%dma_wait3A_354, %dma_wait3A_355, %dma_wait3A_356] : memref<4x80x128xf32, #tpu.memory_space<vmem>> -> memref<1x80x128xf32, #tpu.memory_space<vmem>>
    %dma_wait3A_358 = tpu.memref_squeeze %dma_wait3A_357 : memref<1x80x128xf32, #tpu.memory_space<vmem>> -> memref<80x128xf32, #tpu.memory_space<vmem>>
    %dma_wait3A_359 = arith.constant 0 : i32
    %dma_wait3A_360 = arith.constant 0 : i32
    %dma_wait3A_361 = tpu.memref_slice %arg5[%dma_wait3A_359, %dma_wait3A_360] : memref<320000x128xf32, #tpu.memory_space<hbm>> -> memref<80x128xf32, #tpu.memory_space<hbm>>
    %dma_wait3A_362 = arith.constant 0 : i32
    %dma_wait3A_363 = arith.constant 0 : i32
    %dma_wait3A_364 = tpu.memref_slice %arg5[%dma_wait3A_362, %dma_wait3A_363] : memref<320000x128xf32, #tpu.memory_space<hbm>> -> memref<80x128xf32, #tpu.memory_space<hbm>>
    %dma_wait3A_365 = arith.constant 0 : i32
    %dma_wait3A_366 = arith.constant 0 : i32
    %dma_wait3A_367 = tpu.memref_slice %arg7[%dma_wait3A_354, %dma_wait3A_365, %dma_wait3A_366] : memref<4x80x128xf32, #tpu.memory_space<vmem>> -> memref<1x80x128xf32, #tpu.memory_space<vmem>>
    %dma_wait3A_368 = tpu.memref_squeeze %dma_wait3A_367 : memref<1x80x128xf32, #tpu.memory_space<vmem>> -> memref<80x128xf32, #tpu.memory_space<vmem>>
    tpu.wait_dma2 semaphore(%arg18 : memref<!tpu.dma_semaphore, #tpu.memory_space<semaphore_mem>>) src(%dma_wait3A_368 : memref<80x128xf32, #tpu.memory_space<vmem>>) dst(%dma_wait3A_364 : memref<80x128xf32, #tpu.memory_space<hbm>>)
    %add3A_369 = arith.constant 320 : i32
    %add3A_370 = arith.addi %mul3A_61, %add3A_369 : i32
    %dma_start3A_371 = arith.constant 0 : i32
    %dma_start3A_372 = arith.constant 0 : i32
    %dma_start3A_373 = arith.constant 0 : i32
    %dma_start3A_374 = tpu.memref_slice %arg7[%dma_start3A_371, %dma_start3A_372, %dma_start3A_373] : memref<4x80x128xf32, #tpu.memory_space<vmem>> -> memref<1x80x128xf32, #tpu.memory_space<vmem>>
    %dma_start3A_375 = tpu.memref_squeeze %dma_start3A_374 : memref<1x80x128xf32, #tpu.memory_space<vmem>> -> memref<80x128xf32, #tpu.memory_space<vmem>>
    %dma_start3A_376 = arith.constant 0 : i32
    %dma_start3A_377 = tpu.memref_slice %arg2[%add3A_370, %dma_start3A_376] : memref<320000x128xf32, #tpu.memory_space<hbm>> -> memref<80x128xf32, #tpu.memory_space<hbm>>
    %dma_start3A_378 = arith.constant 0 : i32
    %dma_start3A_379 = arith.constant 0 : i32
    %dma_start3A_380 = tpu.memref_slice %arg7[%dma_start3A_371, %dma_start3A_378, %dma_start3A_379] : memref<4x80x128xf32, #tpu.memory_space<vmem>> -> memref<1x80x128xf32, #tpu.memory_space<vmem>>
    %dma_start3A_381 = tpu.memref_squeeze %dma_start3A_380 : memref<1x80x128xf32, #tpu.memory_space<vmem>> -> memref<80x128xf32, #tpu.memory_space<vmem>>
    %dma_start3A_382 = arith.constant 0 : i32
    %dma_start3A_383 = tpu.memref_slice %arg2[%add3A_370, %dma_start3A_382] : memref<320000x128xf32, #tpu.memory_space<hbm>> -> memref<80x128xf32, #tpu.memory_space<hbm>>
    tpu.enqueue_dma source(%dma_start3A_383 : memref<80x128xf32, #tpu.memory_space<hbm>>) target(%dma_start3A_381 : memref<80x128xf32, #tpu.memory_space<vmem>>) target_semaphore(%arg10 : memref<!tpu.dma_semaphore, #tpu.memory_space<semaphore_mem>>)
    %add3A_384 = arith.constant 320000 : i32
    %add3A_385 = arith.addi %add3A_384, %add3A_370 : i32
    %add3A_386 = arith.constant 0 : i32
    %add3A_387 = arith.addi %add3A_385, %add3A_386 : i32
    %dma_start3A_388 = arith.constant 0 : i32
    %dma_start3A_389 = arith.constant 0 : i32
    %dma_start3A_390 = arith.constant 0 : i32
    %dma_start3A_391 = tpu.memref_slice %arg6[%dma_start3A_388, %dma_start3A_389, %dma_start3A_390] : memref<4x1x80xi32, #tpu.memory_space<vmem>> -> memref<1x1x80xi32, #tpu.memory_space<vmem>>
    %dma_start3A_392 = tpu.memref_squeeze %dma_start3A_391 : memref<1x1x80xi32, #tpu.memory_space<vmem>> -> memref<80xi32, #tpu.memory_space<vmem>>
    %dma_start3A_393 = tpu.memref_slice %arg3[%add3A_387] : memref<640000xi32, #tpu.memory_space<hbm>> -> memref<80xi32, #tpu.memory_space<hbm>>
    %dma_start3A_394 = arith.constant 0 : i32
    %dma_start3A_395 = tpu.memref_slice %arg6[%dma_start3A_388, %dma_start3A_389, %dma_start3A_394] : memref<4x1x80xi32, #tpu.memory_space<vmem>> -> memref<1x1x80xi32, #tpu.memory_space<vmem>>
    %dma_start3A_396 = tpu.memref_squeeze %dma_start3A_395 : memref<1x1x80xi32, #tpu.memory_space<vmem>> -> memref<80xi32, #tpu.memory_space<vmem>>
    %dma_start3A_397 = tpu.memref_slice %arg3[%add3A_387] : memref<640000xi32, #tpu.memory_space<hbm>> -> memref<80xi32, #tpu.memory_space<hbm>>
    tpu.enqueue_dma source(%dma_start3A_397 : memref<80xi32, #tpu.memory_space<hbm>>) target(%dma_start3A_396 : memref<80xi32, #tpu.memory_space<vmem>>) target_semaphore(%arg10 : memref<!tpu.dma_semaphore, #tpu.memory_space<semaphore_mem>>)
    %dma_wait3A_398 = arith.constant 3 : i32
    %dma_wait3A_399 = arith.constant 0 : i32
    %dma_wait3A_400 = arith.constant 0 : i32
    %dma_wait3A_401 = tpu.memref_slice %arg7[%dma_wait3A_398, %dma_wait3A_399, %dma_wait3A_400] : memref<4x80x128xf32, #tpu.memory_space<vmem>> -> memref<1x80x128xf32, #tpu.memory_space<vmem>>
    %dma_wait3A_402 = tpu.memref_squeeze %dma_wait3A_401 : memref<1x80x128xf32, #tpu.memory_space<vmem>> -> memref<80x128xf32, #tpu.memory_space<vmem>>
    %dma_wait3A_403 = arith.constant 0 : i32
    %dma_wait3A_404 = arith.constant 0 : i32
    %dma_wait3A_405 = tpu.memref_slice %arg2[%dma_wait3A_403, %dma_wait3A_404] : memref<320000x128xf32, #tpu.memory_space<hbm>> -> memref<80x128xf32, #tpu.memory_space<hbm>>
    %dma_wait3A_406 = arith.constant 0 : i32
    %dma_wait3A_407 = arith.constant 0 : i32
    %dma_wait3A_408 = tpu.memref_slice %arg7[%dma_wait3A_398, %dma_wait3A_406, %dma_wait3A_407] : memref<4x80x128xf32, #tpu.memory_space<vmem>> -> memref<1x80x128xf32, #tpu.memory_space<vmem>>
    %dma_wait3A_409 = tpu.memref_squeeze %dma_wait3A_408 : memref<1x80x128xf32, #tpu.memory_space<vmem>> -> memref<80x128xf32, #tpu.memory_space<vmem>>
    %dma_wait3A_410 = arith.constant 0 : i32
    %dma_wait3A_411 = arith.constant 0 : i32
    %dma_wait3A_412 = tpu.memref_slice %arg2[%dma_wait3A_410, %dma_wait3A_411] : memref<320000x128xf32, #tpu.memory_space<hbm>> -> memref<80x128xf32, #tpu.memory_space<hbm>>
    tpu.wait_dma2 semaphore(%arg13 : memref<!tpu.dma_semaphore, #tpu.memory_space<semaphore_mem>>) src(%dma_wait3A_412 : memref<80x128xf32, #tpu.memory_space<hbm>>) dst(%dma_wait3A_409 : memref<80x128xf32, #tpu.memory_space<vmem>>)
    %dma_wait3A_413 = arith.constant 3 : i32
    %dma_wait3A_414 = arith.constant 0 : i32
    %dma_wait3A_415 = arith.constant 0 : i32
    %dma_wait3A_416 = tpu.memref_slice %arg6[%dma_wait3A_413, %dma_wait3A_414, %dma_wait3A_415] : memref<4x1x80xi32, #tpu.memory_space<vmem>> -> memref<1x1x80xi32, #tpu.memory_space<vmem>>
    %dma_wait3A_417 = tpu.memref_squeeze %dma_wait3A_416 : memref<1x1x80xi32, #tpu.memory_space<vmem>> -> memref<80xi32, #tpu.memory_space<vmem>>
    %dma_wait3A_418 = arith.constant 0 : i32
    %dma_wait3A_419 = tpu.memref_slice %arg3[%dma_wait3A_418] : memref<640000xi32, #tpu.memory_space<hbm>> -> memref<80xi32, #tpu.memory_space<hbm>>
    %dma_wait3A_420 = arith.constant 0 : i32
    %dma_wait3A_421 = tpu.memref_slice %arg6[%dma_wait3A_413, %dma_wait3A_414, %dma_wait3A_420] : memref<4x1x80xi32, #tpu.memory_space<vmem>> -> memref<1x1x80xi32, #tpu.memory_space<vmem>>
    %dma_wait3A_422 = tpu.memref_squeeze %dma_wait3A_421 : memref<1x1x80xi32, #tpu.memory_space<vmem>> -> memref<80xi32, #tpu.memory_space<vmem>>
    %dma_wait3A_423 = arith.constant 0 : i32
    %dma_wait3A_424 = tpu.memref_slice %arg3[%dma_wait3A_423] : memref<640000xi32, #tpu.memory_space<hbm>> -> memref<80xi32, #tpu.memory_space<hbm>>
    tpu.wait_dma2 semaphore(%arg13 : memref<!tpu.dma_semaphore, #tpu.memory_space<semaphore_mem>>) src(%dma_wait3A_424 : memref<80xi32, #tpu.memory_space<hbm>>) dst(%dma_wait3A_422 : memref<80xi32, #tpu.memory_space<vmem>>)
    %dma_start3A_425 = arith.constant 3 : i32
    %dma_start3A_426 = arith.constant 3 : i32
    %dma_start3A_427 = arith.constant 0 : i32
    %dma_start3A_428 = arith.constant 0 : i32
    %dma_start3A_429 = arith.constant 0 : i32
    %dma_start3A_430 = tpu.memref_slice %arg7[%dma_start3A_425, %dma_start3A_428, %dma_start3A_429] : memref<4x80x128xf32, #tpu.memory_space<vmem>> -> memref<1x80x128xf32, #tpu.memory_space<vmem>>
    %dma_start3A_431 = tpu.memref_squeeze %dma_start3A_430 : memref<1x80x128xf32, #tpu.memory_space<vmem>> -> memref<80x128xf32, #tpu.memory_space<vmem>>
    %dma_start3A_432 = arith.constant 0 : i32
    %dma_start3A_433 = tpu.memref_slice %arg6[%dma_start3A_426, %dma_start3A_427, %dma_start3A_432] : memref<4x1x80xi32, #tpu.memory_space<vmem>> -> memref<1x1x80xi32, #tpu.memory_space<vmem>>
    %dma_start3A_434 = tpu.memref_squeeze %dma_start3A_433 : memref<1x1x80xi32, #tpu.memory_space<vmem>> -> memref<80xi32, #tpu.memory_space<vmem>>
    %dma_start3A_435 = arith.constant 0 : i32
    %dma_start3A_436 = arith.constant 0 : i32
    %dma_start3A_437 = tpu.memref_slice %arg9[%dma_start3A_435, %dma_start3A_436] : memref<10000x128xf32, #tpu.memory_space<vmem_shared>> -> memref<10000x128xf32, #tpu.memory_space<vmem_shared>>
    tpu.enqueue_indirect_dma source(%dma_start3A_431 : memref<80x128xf32, #tpu.memory_space<vmem>>) target(%dma_start3A_437 : memref<10000x128xf32, #tpu.memory_space<vmem_shared>>) offsets(%dma_start3A_434 : memref<80xi32, #tpu.memory_space<vmem>>) semaphore(%arg17 : memref<!tpu.dma_semaphore, #tpu.memory_space<semaphore_mem>>) {add = true}
    %add3A_438 = arith.constant 240 : i32
    %add3A_439 = arith.addi %mul3A_61, %add3A_438 : i32
    %dma_start3A_440 = arith.constant 3 : i32
    %dma_start3A_441 = arith.constant 0 : i32
    %dma_start3A_442 = arith.constant 0 : i32
    %dma_start3A_443 = tpu.memref_slice %arg7[%dma_start3A_440, %dma_start3A_441, %dma_start3A_442] : memref<4x80x128xf32, #tpu.memory_space<vmem>> -> memref<1x80x128xf32, #tpu.memory_space<vmem>>
    %dma_start3A_444 = tpu.memref_squeeze %dma_start3A_443 : memref<1x80x128xf32, #tpu.memory_space<vmem>> -> memref<80x128xf32, #tpu.memory_space<vmem>>
    %dma_start3A_445 = arith.constant 0 : i32
    %dma_start3A_446 = tpu.memref_slice %arg5[%add3A_439, %dma_start3A_445] : memref<320000x128xf32, #tpu.memory_space<hbm>> -> memref<80x128xf32, #tpu.memory_space<hbm>>
    %dma_start3A_447 = arith.constant 0 : i32
    %dma_start3A_448 = tpu.memref_slice %arg5[%add3A_439, %dma_start3A_447] : memref<320000x128xf32, #tpu.memory_space<hbm>> -> memref<80x128xf32, #tpu.memory_space<hbm>>
    %dma_start3A_449 = arith.constant 0 : i32
    %dma_start3A_450 = arith.constant 0 : i32
    %dma_start3A_451 = tpu.memref_slice %arg7[%dma_start3A_440, %dma_start3A_449, %dma_start3A_450] : memref<4x80x128xf32, #tpu.memory_space<vmem>> -> memref<1x80x128xf32, #tpu.memory_space<vmem>>
    %dma_start3A_452 = tpu.memref_squeeze %dma_start3A_451 : memref<1x80x128xf32, #tpu.memory_space<vmem>> -> memref<80x128xf32, #tpu.memory_space<vmem>>
    tpu.enqueue_dma source(%dma_start3A_452 : memref<80x128xf32, #tpu.memory_space<vmem>>) target(%dma_start3A_448 : memref<80x128xf32, #tpu.memory_space<hbm>>) target_semaphore(%arg21 : memref<!tpu.dma_semaphore, #tpu.memory_space<semaphore_mem>>)
    %dma_wait3A_453 = arith.constant 1 : i32
    %dma_wait3A_454 = arith.constant 1 : i32
    %dma_wait3A_455 = arith.constant 0 : i32
    %dma_wait3A_456 = arith.constant 0 : i32
    %dma_wait3A_457 = arith.constant 0 : i32
    %dma_wait3A_458 = tpu.memref_slice %arg7[%dma_wait3A_453, %dma_wait3A_456, %dma_wait3A_457] : memref<4x80x128xf32, #tpu.memory_space<vmem>> -> memref<1x80x128xf32, #tpu.memory_space<vmem>>
    %dma_wait3A_459 = tpu.memref_squeeze %dma_wait3A_458 : memref<1x80x128xf32, #tpu.memory_space<vmem>> -> memref<80x128xf32, #tpu.memory_space<vmem>>
    %dma_wait3A_460 = arith.constant 0 : i32
    %dma_wait3A_461 = tpu.memref_slice %arg6[%dma_wait3A_454, %dma_wait3A_455, %dma_wait3A_460] : memref<4x1x80xi32, #tpu.memory_space<vmem>> -> memref<1x1x80xi32, #tpu.memory_space<vmem>>
    %dma_wait3A_462 = tpu.memref_squeeze %dma_wait3A_461 : memref<1x1x80xi32, #tpu.memory_space<vmem>> -> memref<80xi32, #tpu.memory_space<vmem>>
    %dma_wait3A_463 = arith.constant 0 : i32
    %dma_wait3A_464 = arith.constant 0 : i32
    %dma_wait3A_465 = tpu.memref_slice %arg9[%dma_wait3A_463, %dma_wait3A_464] : memref<10000x128xf32, #tpu.memory_space<vmem_shared>> -> memref<10000x128xf32, #tpu.memory_space<vmem_shared>>
    tpu.wait_indirect_dma semaphore(%arg15 : memref<!tpu.dma_semaphore, #tpu.memory_space<semaphore_mem>>) src(%dma_wait3A_459 : memref<80x128xf32, #tpu.memory_space<vmem>>) dst(%dma_wait3A_465 : memref<10000x128xf32, #tpu.memory_space<vmem_shared>>)
    %dma_wait3A_466 = arith.constant 1 : i32
    %dma_wait3A_467 = arith.constant 0 : i32
    %dma_wait3A_468 = arith.constant 0 : i32
    %dma_wait3A_469 = tpu.memref_slice %arg7[%dma_wait3A_466, %dma_wait3A_467, %dma_wait3A_468] : memref<4x80x128xf32, #tpu.memory_space<vmem>> -> memref<1x80x128xf32, #tpu.memory_space<vmem>>
    %dma_wait3A_470 = tpu.memref_squeeze %dma_wait3A_469 : memref<1x80x128xf32, #tpu.memory_space<vmem>> -> memref<80x128xf32, #tpu.memory_space<vmem>>
    %dma_wait3A_471 = arith.constant 0 : i32
    %dma_wait3A_472 = arith.constant 0 : i32
    %dma_wait3A_473 = tpu.memref_slice %arg5[%dma_wait3A_471, %dma_wait3A_472] : memref<320000x128xf32, #tpu.memory_space<hbm>> -> memref<80x128xf32, #tpu.memory_space<hbm>>
    %dma_wait3A_474 = arith.constant 0 : i32
    %dma_wait3A_475 = arith.constant 0 : i32
    %dma_wait3A_476 = tpu.memref_slice %arg5[%dma_wait3A_474, %dma_wait3A_475] : memref<320000x128xf32, #tpu.memory_space<hbm>> -> memref<80x128xf32, #tpu.memory_space<hbm>>
    %dma_wait3A_477 = arith.constant 0 : i32
    %dma_wait3A_478 = arith.constant 0 : i32
    %dma_wait3A_479 = tpu.memref_slice %arg7[%dma_wait3A_466, %dma_wait3A_477, %dma_wait3A_478] : memref<4x80x128xf32, #tpu.memory_space<vmem>> -> memref<1x80x128xf32, #tpu.memory_space<vmem>>
    %dma_wait3A_480 = tpu.memref_squeeze %dma_wait3A_479 : memref<1x80x128xf32, #tpu.memory_space<vmem>> -> memref<80x128xf32, #tpu.memory_space<vmem>>
    tpu.wait_dma2 semaphore(%arg19 : memref<!tpu.dma_semaphore, #tpu.memory_space<semaphore_mem>>) src(%dma_wait3A_480 : memref<80x128xf32, #tpu.memory_space<vmem>>) dst(%dma_wait3A_476 : memref<80x128xf32, #tpu.memory_space<hbm>>)
    %add3A_481 = arith.constant 400 : i32
    %add3A_482 = arith.addi %mul3A_61, %add3A_481 : i32
    %dma_start3A_483 = arith.constant 1 : i32
    %dma_start3A_484 = arith.constant 0 : i32
    %dma_start3A_485 = arith.constant 0 : i32
    %dma_start3A_486 = tpu.memref_slice %arg7[%dma_start3A_483, %dma_start3A_484, %dma_start3A_485] : memref<4x80x128xf32, #tpu.memory_space<vmem>> -> memref<1x80x128xf32, #tpu.memory_space<vmem>>
    %dma_start3A_487 = tpu.memref_squeeze %dma_start3A_486 : memref<1x80x128xf32, #tpu.memory_space<vmem>> -> memref<80x128xf32, #tpu.memory_space<vmem>>
    %dma_start3A_488 = arith.constant 0 : i32
    %dma_start3A_489 = tpu.memref_slice %arg2[%add3A_482, %dma_start3A_488] : memref<320000x128xf32, #tpu.memory_space<hbm>> -> memref<80x128xf32, #tpu.memory_space<hbm>>
    %dma_start3A_490 = arith.constant 0 : i32
    %dma_start3A_491 = arith.constant 0 : i32
    %dma_start3A_492 = tpu.memref_slice %arg7[%dma_start3A_483, %dma_start3A_490, %dma_start3A_491] : memref<4x80x128xf32, #tpu.memory_space<vmem>> -> memref<1x80x128xf32, #tpu.memory_space<vmem>>
    %dma_start3A_493 = tpu.memref_squeeze %dma_start3A_492 : memref<1x80x128xf32, #tpu.memory_space<vmem>> -> memref<80x128xf32, #tpu.memory_space<vmem>>
    %dma_start3A_494 = arith.constant 0 : i32
    %dma_start3A_495 = tpu.memref_slice %arg2[%add3A_482, %dma_start3A_494] : memref<320000x128xf32, #tpu.memory_space<hbm>> -> memref<80x128xf32, #tpu.memory_space<hbm>>
    tpu.enqueue_dma source(%dma_start3A_495 : memref<80x128xf32, #tpu.memory_space<hbm>>) target(%dma_start3A_493 : memref<80x128xf32, #tpu.memory_space<vmem>>) target_semaphore(%arg11 : memref<!tpu.dma_semaphore, #tpu.memory_space<semaphore_mem>>)
    %add3A_496 = arith.constant 320000 : i32
    %add3A_497 = arith.addi %add3A_496, %add3A_482 : i32
    %add3A_498 = arith.constant 0 : i32
    %add3A_499 = arith.addi %add3A_497, %add3A_498 : i32
    %dma_start3A_500 = arith.constant 1 : i32
    %dma_start3A_501 = arith.constant 0 : i32
    %dma_start3A_502 = arith.constant 0 : i32
    %dma_start3A_503 = tpu.memref_slice %arg6[%dma_start3A_500, %dma_start3A_501, %dma_start3A_502] : memref<4x1x80xi32, #tpu.memory_space<vmem>> -> memref<1x1x80xi32, #tpu.memory_space<vmem>>
    %dma_start3A_504 = tpu.memref_squeeze %dma_start3A_503 : memref<1x1x80xi32, #tpu.memory_space<vmem>> -> memref<80xi32, #tpu.memory_space<vmem>>
    %dma_start3A_505 = tpu.memref_slice %arg3[%add3A_499] : memref<640000xi32, #tpu.memory_space<hbm>> -> memref<80xi32, #tpu.memory_space<hbm>>
    %dma_start3A_506 = arith.constant 0 : i32
    %dma_start3A_507 = tpu.memref_slice %arg6[%dma_start3A_500, %dma_start3A_501, %dma_start3A_506] : memref<4x1x80xi32, #tpu.memory_space<vmem>> -> memref<1x1x80xi32, #tpu.memory_space<vmem>>
    %dma_start3A_508 = tpu.memref_squeeze %dma_start3A_507 : memref<1x1x80xi32, #tpu.memory_space<vmem>> -> memref<80xi32, #tpu.memory_space<vmem>>
    %dma_start3A_509 = tpu.memref_slice %arg3[%add3A_499] : memref<640000xi32, #tpu.memory_space<hbm>> -> memref<80xi32, #tpu.memory_space<hbm>>
    tpu.enqueue_dma source(%dma_start3A_509 : memref<80xi32, #tpu.memory_space<hbm>>) target(%dma_start3A_508 : memref<80xi32, #tpu.memory_space<vmem>>) target_semaphore(%arg11 : memref<!tpu.dma_semaphore, #tpu.memory_space<semaphore_mem>>)
    %scan3A_510 = arith.constant 0 : i32
    %scan3A_511 = arith.constant 1 : i32
    %scan3A_512 = arith.constant 30 : i32
    %scan3A_513 = arith.addi %scan3A_511, %scan3A_512 : i32
    %scan3A_514 = arith.constant 1 : i32
    scf.for %scan3A_693 = %scan3A_511 to %scan3A_513 step %scan3A_514  : i32 {
      %mul3A_694 = arith.constant 4 : i32
      %mul3A_695 = arith.muli %scan3A_693, %mul3A_694 : i32
      %add3A_696 = arith.constant 0 : i32
      %add3A_697 = arith.addi %mul3A_695, %add3A_696 : i32
      %dma_wait3A_698 = arith.constant 0 : i32
      %dma_wait3A_699 = arith.constant 0 : i32
      %dma_wait3A_700 = arith.constant 0 : i32
      %dma_wait3A_701 = tpu.memref_slice %arg7[%dma_wait3A_698, %dma_wait3A_699, %dma_wait3A_700] : memref<4x80x128xf32, #tpu.memory_space<vmem>> -> memref<1x80x128xf32, #tpu.memory_space<vmem>>
      %dma_wait3A_702 = tpu.memref_squeeze %dma_wait3A_701 : memref<1x80x128xf32, #tpu.memory_space<vmem>> -> memref<80x128xf32, #tpu.memory_space<vmem>>
      %dma_wait3A_703 = arith.constant 0 : i32
      %dma_wait3A_704 = arith.constant 0 : i32
      %dma_wait3A_705 = tpu.memref_slice %arg2[%dma_wait3A_703, %dma_wait3A_704] : memref<320000x128xf32, #tpu.memory_space<hbm>> -> memref<80x128xf32, #tpu.memory_space<hbm>>
      %dma_wait3A_706 = arith.constant 0 : i32
      %dma_wait3A_707 = arith.constant 0 : i32
      %dma_wait3A_708 = tpu.memref_slice %arg7[%dma_wait3A_698, %dma_wait3A_706, %dma_wait3A_707] : memref<4x80x128xf32, #tpu.memory_space<vmem>> -> memref<1x80x128xf32, #tpu.memory_space<vmem>>
      %dma_wait3A_709 = tpu.memref_squeeze %dma_wait3A_708 : memref<1x80x128xf32, #tpu.memory_space<vmem>> -> memref<80x128xf32, #tpu.memory_space<vmem>>
      %dma_wait3A_710 = arith.constant 0 : i32
      %dma_wait3A_711 = arith.constant 0 : i32
      %dma_wait3A_712 = tpu.memref_slice %arg2[%dma_wait3A_710, %dma_wait3A_711] : memref<320000x128xf32, #tpu.memory_space<hbm>> -> memref<80x128xf32, #tpu.memory_space<hbm>>
      tpu.wait_dma2 semaphore(%arg10 : memref<!tpu.dma_semaphore, #tpu.memory_space<semaphore_mem>>) src(%dma_wait3A_712 : memref<80x128xf32, #tpu.memory_space<hbm>>) dst(%dma_wait3A_709 : memref<80x128xf32, #tpu.memory_space<vmem>>)
      %dma_wait3A_713 = arith.constant 0 : i32
      %dma_wait3A_714 = arith.constant 0 : i32
      %dma_wait3A_715 = arith.constant 0 : i32
      %dma_wait3A_716 = tpu.memref_slice %arg6[%dma_wait3A_713, %dma_wait3A_714, %dma_wait3A_715] : memref<4x1x80xi32, #tpu.memory_space<vmem>> -> memref<1x1x80xi32, #tpu.memory_space<vmem>>
      %dma_wait3A_717 = tpu.memref_squeeze %dma_wait3A_716 : memref<1x1x80xi32, #tpu.memory_space<vmem>> -> memref<80xi32, #tpu.memory_space<vmem>>
      %dma_wait3A_718 = arith.constant 0 : i32
      %dma_wait3A_719 = tpu.memref_slice %arg3[%dma_wait3A_718] : memref<640000xi32, #tpu.memory_space<hbm>> -> memref<80xi32, #tpu.memory_space<hbm>>
      %dma_wait3A_720 = arith.constant 0 : i32
      %dma_wait3A_721 = tpu.memref_slice %arg6[%dma_wait3A_713, %dma_wait3A_714, %dma_wait3A_720] : memref<4x1x80xi32, #tpu.memory_space<vmem>> -> memref<1x1x80xi32, #tpu.memory_space<vmem>>
      %dma_wait3A_722 = tpu.memref_squeeze %dma_wait3A_721 : memref<1x1x80xi32, #tpu.memory_space<vmem>> -> memref<80xi32, #tpu.memory_space<vmem>>
      %dma_wait3A_723 = arith.constant 0 : i32
      %dma_wait3A_724 = tpu.memref_slice %arg3[%dma_wait3A_723] : memref<640000xi32, #tpu.memory_space<hbm>> -> memref<80xi32, #tpu.memory_space<hbm>>
      tpu.wait_dma2 semaphore(%arg10 : memref<!tpu.dma_semaphore, #tpu.memory_space<semaphore_mem>>) src(%dma_wait3A_724 : memref<80xi32, #tpu.memory_space<hbm>>) dst(%dma_wait3A_722 : memref<80xi32, #tpu.memory_space<vmem>>)
      %dma_start3A_725 = arith.constant 0 : i32
      %dma_start3A_726 = arith.constant 0 : i32
      %dma_start3A_727 = arith.constant 0 : i32
      %dma_start3A_728 = arith.constant 0 : i32
      %dma_start3A_729 = arith.constant 0 : i32
      %dma_start3A_730 = tpu.memref_slice %arg7[%dma_start3A_725, %dma_start3A_728, %dma_start3A_729] : memref<4x80x128xf32, #tpu.memory_space<vmem>> -> memref<1x80x128xf32, #tpu.memory_space<vmem>>
      %dma_start3A_731 = tpu.memref_squeeze %dma_start3A_730 : memref<1x80x128xf32, #tpu.memory_space<vmem>> -> memref<80x128xf32, #tpu.memory_space<vmem>>
      %dma_start3A_732 = arith.constant 0 : i32
      %dma_start3A_733 = tpu.memref_slice %arg6[%dma_start3A_726, %dma_start3A_727, %dma_start3A_732] : memref<4x1x80xi32, #tpu.memory_space<vmem>> -> memref<1x1x80xi32, #tpu.memory_space<vmem>>
      %dma_start3A_734 = tpu.memref_squeeze %dma_start3A_733 : memref<1x1x80xi32, #tpu.memory_space<vmem>> -> memref<80xi32, #tpu.memory_space<vmem>>
      %dma_start3A_735 = arith.constant 0 : i32
      %dma_start3A_736 = arith.constant 0 : i32
      %dma_start3A_737 = tpu.memref_slice %arg9[%dma_start3A_735, %dma_start3A_736] : memref<10000x128xf32, #tpu.memory_space<vmem_shared>> -> memref<10000x128xf32, #tpu.memory_space<vmem_shared>>
      tpu.enqueue_indirect_dma source(%dma_start3A_731 : memref<80x128xf32, #tpu.memory_space<vmem>>) target(%dma_start3A_737 : memref<10000x128xf32, #tpu.memory_space<vmem_shared>>) offsets(%dma_start3A_734 : memref<80xi32, #tpu.memory_space<vmem>>) semaphore(%arg14 : memref<!tpu.dma_semaphore, #tpu.memory_space<semaphore_mem>>) {add = true}
      %mul3A_738 = arith.constant 80 : i32
      %mul3A_739 = arith.muli %add3A_697, %mul3A_738 : i32
      %add3A_740 = arith.addi %mul3A_61, %mul3A_739 : i32
      %dma_start3A_741 = arith.constant 0 : i32
      %dma_start3A_742 = arith.constant 0 : i32
      %dma_start3A_743 = arith.constant 0 : i32
      %dma_start3A_744 = tpu.memref_slice %arg7[%dma_start3A_741, %dma_start3A_742, %dma_start3A_743] : memref<4x80x128xf32, #tpu.memory_space<vmem>> -> memref<1x80x128xf32, #tpu.memory_space<vmem>>
      %dma_start3A_745 = tpu.memref_squeeze %dma_start3A_744 : memref<1x80x128xf32, #tpu.memory_space<vmem>> -> memref<80x128xf32, #tpu.memory_space<vmem>>
      %dma_start3A_746 = arith.constant 0 : i32
      %dma_start3A_747 = tpu.memref_slice %arg5[%add3A_740, %dma_start3A_746] : memref<320000x128xf32, #tpu.memory_space<hbm>> -> memref<80x128xf32, #tpu.memory_space<hbm>>
      %dma_start3A_748 = arith.constant 0 : i32
      %dma_start3A_749 = tpu.memref_slice %arg5[%add3A_740, %dma_start3A_748] : memref<320000x128xf32, #tpu.memory_space<hbm>> -> memref<80x128xf32, #tpu.memory_space<hbm>>
      %dma_start3A_750 = arith.constant 0 : i32
      %dma_start3A_751 = arith.constant 0 : i32
      %dma_start3A_752 = tpu.memref_slice %arg7[%dma_start3A_741, %dma_start3A_750, %dma_start3A_751] : memref<4x80x128xf32, #tpu.memory_space<vmem>> -> memref<1x80x128xf32, #tpu.memory_space<vmem>>
      %dma_start3A_753 = tpu.memref_squeeze %dma_start3A_752 : memref<1x80x128xf32, #tpu.memory_space<vmem>> -> memref<80x128xf32, #tpu.memory_space<vmem>>
      tpu.enqueue_dma source(%dma_start3A_753 : memref<80x128xf32, #tpu.memory_space<vmem>>) target(%dma_start3A_749 : memref<80x128xf32, #tpu.memory_space<hbm>>) target_semaphore(%arg18 : memref<!tpu.dma_semaphore, #tpu.memory_space<semaphore_mem>>)
      %add3A_754 = arith.constant 2 : i32
      %add3A_755 = arith.addi %add3A_697, %add3A_754 : i32
      %lt3A = arith.constant 125 : i32
      %lt3A_756 = arith.cmpi slt, %add3A_755, %lt3A : i32
      %convert_element_type3A_757 = arith.extui %lt3A_756 : i1 to i32
      %cond3A_758 = arith.constant 0 : i32
      %cond3A_759 = arith.cmpi ne, %convert_element_type3A_757, %cond3A_758 : i32
      scf.if %cond3A_759 {
        %dma_wait3A_961 = arith.constant 2 : i32
        %dma_wait3A_962 = arith.constant 2 : i32
        %dma_wait3A_963 = arith.constant 0 : i32
        %dma_wait3A_964 = arith.constant 0 : i32
        %dma_wait3A_965 = arith.constant 0 : i32
        %dma_wait3A_966 = tpu.memref_slice %arg7[%dma_wait3A_961, %dma_wait3A_964, %dma_wait3A_965] : memref<4x80x128xf32, #tpu.memory_space<vmem>> -> memref<1x80x128xf32, #tpu.memory_space<vmem>>
        %dma_wait3A_967 = tpu.memref_squeeze %dma_wait3A_966 : memref<1x80x128xf32, #tpu.memory_space<vmem>> -> memref<80x128xf32, #tpu.memory_space<vmem>>
        %dma_wait3A_968 = arith.constant 0 : i32
        %dma_wait3A_969 = tpu.memref_slice %arg6[%dma_wait3A_962, %dma_wait3A_963, %dma_wait3A_968] : memref<4x1x80xi32, #tpu.memory_space<vmem>> -> memref<1x1x80xi32, #tpu.memory_space<vmem>>
        %dma_wait3A_970 = tpu.memref_squeeze %dma_wait3A_969 : memref<1x1x80xi32, #tpu.memory_space<vmem>> -> memref<80xi32, #tpu.memory_space<vmem>>
        %dma_wait3A_971 = arith.constant 0 : i32
        %dma_wait3A_972 = arith.constant 0 : i32
        %dma_wait3A_973 = tpu.memref_slice %arg9[%dma_wait3A_971, %dma_wait3A_972] : memref<10000x128xf32, #tpu.memory_space<vmem_shared>> -> memref<10000x128xf32, #tpu.memory_space<vmem_shared>>
        tpu.wait_indirect_dma semaphore(%arg16 : memref<!tpu.dma_semaphore, #tpu.memory_space<semaphore_mem>>) src(%dma_wait3A_967 : memref<80x128xf32, #tpu.memory_space<vmem>>) dst(%dma_wait3A_973 : memref<10000x128xf32, #tpu.memory_space<vmem_shared>>)
        %dma_wait3A_974 = arith.constant 2 : i32
        %dma_wait3A_975 = arith.constant 0 : i32
        %dma_wait3A_976 = arith.constant 0 : i32
        %dma_wait3A_977 = tpu.memref_slice %arg7[%dma_wait3A_974, %dma_wait3A_975, %dma_wait3A_976] : memref<4x80x128xf32, #tpu.memory_space<vmem>> -> memref<1x80x128xf32, #tpu.memory_space<vmem>>
        %dma_wait3A_978 = tpu.memref_squeeze %dma_wait3A_977 : memref<1x80x128xf32, #tpu.memory_space<vmem>> -> memref<80x128xf32, #tpu.memory_space<vmem>>
        %dma_wait3A_979 = arith.constant 0 : i32
        %dma_wait3A_980 = arith.constant 0 : i32
        %dma_wait3A_981 = tpu.memref_slice %arg5[%dma_wait3A_979, %dma_wait3A_980] : memref<320000x128xf32, #tpu.memory_space<hbm>> -> memref<80x128xf32, #tpu.memory_space<hbm>>
        %dma_wait3A_982 = arith.constant 0 : i32
        %dma_wait3A_983 = arith.constant 0 : i32
        %dma_wait3A_984 = tpu.memref_slice %arg5[%dma_wait3A_982, %dma_wait3A_983] : memref<320000x128xf32, #tpu.memory_space<hbm>> -> memref<80x128xf32, #tpu.memory_space<hbm>>
        %dma_wait3A_985 = arith.constant 0 : i32
        %dma_wait3A_986 = arith.constant 0 : i32
        %dma_wait3A_987 = tpu.memref_slice %arg7[%dma_wait3A_974, %dma_wait3A_985, %dma_wait3A_986] : memref<4x80x128xf32, #tpu.memory_space<vmem>> -> memref<1x80x128xf32, #tpu.memory_space<vmem>>
        %dma_wait3A_988 = tpu.memref_squeeze %dma_wait3A_987 : memref<1x80x128xf32, #tpu.memory_space<vmem>> -> memref<80x128xf32, #tpu.memory_space<vmem>>
        tpu.wait_dma2 semaphore(%arg20 : memref<!tpu.dma_semaphore, #tpu.memory_space<semaphore_mem>>) src(%dma_wait3A_988 : memref<80x128xf32, #tpu.memory_space<vmem>>) dst(%dma_wait3A_984 : memref<80x128xf32, #tpu.memory_space<hbm>>)
        %add3A_989 = arith.constant 2 : i32
        %add3A_990 = arith.addi %add3A_697, %add3A_989 : i32
        %mul3A_991 = arith.constant 80 : i32
        %mul3A_992 = arith.muli %add3A_990, %mul3A_991 : i32
        %add3A_993 = arith.addi %mul3A_61, %mul3A_992 : i32
        %dma_start3A_994 = arith.constant 2 : i32
        %dma_start3A_995 = arith.constant 0 : i32
        %dma_start3A_996 = arith.constant 0 : i32
        %dma_start3A_997 = tpu.memref_slice %arg7[%dma_start3A_994, %dma_start3A_995, %dma_start3A_996] : memref<4x80x128xf32, #tpu.memory_space<vmem>> -> memref<1x80x128xf32, #tpu.memory_space<vmem>>
        %dma_start3A_998 = tpu.memref_squeeze %dma_start3A_997 : memref<1x80x128xf32, #tpu.memory_space<vmem>> -> memref<80x128xf32, #tpu.memory_space<vmem>>
        %dma_start3A_999 = arith.constant 0 : i32
        %dma_start3A_1000 = tpu.memref_slice %arg2[%add3A_993, %dma_start3A_999] : memref<320000x128xf32, #tpu.memory_space<hbm>> -> memref<80x128xf32, #tpu.memory_space<hbm>>
        %dma_start3A_1001 = arith.constant 0 : i32
        %dma_start3A_1002 = arith.constant 0 : i32
        %dma_start3A_1003 = tpu.memref_slice %arg7[%dma_start3A_994, %dma_start3A_1001, %dma_start3A_1002] : memref<4x80x128xf32, #tpu.memory_space<vmem>> -> memref<1x80x128xf32, #tpu.memory_space<vmem>>
        %dma_start3A_1004 = tpu.memref_squeeze %dma_start3A_1003 : memref<1x80x128xf32, #tpu.memory_space<vmem>> -> memref<80x128xf32, #tpu.memory_space<vmem>>
        %dma_start3A_1005 = arith.constant 0 : i32
        %dma_start3A_1006 = tpu.memref_slice %arg2[%add3A_993, %dma_start3A_1005] : memref<320000x128xf32, #tpu.memory_space<hbm>> -> memref<80x128xf32, #tpu.memory_space<hbm>>
        tpu.enqueue_dma source(%dma_start3A_1006 : memref<80x128xf32, #tpu.memory_space<hbm>>) target(%dma_start3A_1004 : memref<80x128xf32, #tpu.memory_space<vmem>>) target_semaphore(%arg12 : memref<!tpu.dma_semaphore, #tpu.memory_space<semaphore_mem>>)
        %add3A_1007 = arith.constant 320000 : i32
        %add3A_1008 = arith.addi %add3A_1007, %add3A_993 : i32
        %add3A_1009 = arith.constant 0 : i32
        %add3A_1010 = arith.addi %add3A_1008, %add3A_1009 : i32
        %dma_start3A_1011 = arith.constant 2 : i32
        %dma_start3A_1012 = arith.constant 0 : i32
        %dma_start3A_1013 = arith.constant 0 : i32
        %dma_start3A_1014 = tpu.memref_slice %arg6[%dma_start3A_1011, %dma_start3A_1012, %dma_start3A_1013] : memref<4x1x80xi32, #tpu.memory_space<vmem>> -> memref<1x1x80xi32, #tpu.memory_space<vmem>>
        %dma_start3A_1015 = tpu.memref_squeeze %dma_start3A_1014 : memref<1x1x80xi32, #tpu.memory_space<vmem>> -> memref<80xi32, #tpu.memory_space<vmem>>
        %dma_start3A_1016 = tpu.memref_slice %arg3[%add3A_1010] : memref<640000xi32, #tpu.memory_space<hbm>> -> memref<80xi32, #tpu.memory_space<hbm>>
        %dma_start3A_1017 = arith.constant 0 : i32
        %dma_start3A_1018 = tpu.memref_slice %arg6[%dma_start3A_1011, %dma_start3A_1012, %dma_start3A_1017] : memref<4x1x80xi32, #tpu.memory_space<vmem>> -> memref<1x1x80xi32, #tpu.memory_space<vmem>>
        %dma_start3A_1019 = tpu.memref_squeeze %dma_start3A_1018 : memref<1x1x80xi32, #tpu.memory_space<vmem>> -> memref<80xi32, #tpu.memory_space<vmem>>
        %dma_start3A_1020 = tpu.memref_slice %arg3[%add3A_1010] : memref<640000xi32, #tpu.memory_space<hbm>> -> memref<80xi32, #tpu.memory_space<hbm>>
        tpu.enqueue_dma source(%dma_start3A_1020 : memref<80xi32, #tpu.memory_space<hbm>>) target(%dma_start3A_1019 : memref<80xi32, #tpu.memory_space<vmem>>) target_semaphore(%arg12 : memref<!tpu.dma_semaphore, #tpu.memory_space<semaphore_mem>>)
      } else {
      }
      %mul3A_760 = arith.constant 4 : i32
      %mul3A_761 = arith.muli %scan3A_693, %mul3A_760 : i32
      %add3A_762 = arith.constant 1 : i32
      %add3A_763 = arith.addi %mul3A_761, %add3A_762 : i32
      %dma_wait3A_764 = arith.constant 1 : i32
      %dma_wait3A_765 = arith.constant 0 : i32
      %dma_wait3A_766 = arith.constant 0 : i32
      %dma_wait3A_767 = tpu.memref_slice %arg7[%dma_wait3A_764, %dma_wait3A_765, %dma_wait3A_766] : memref<4x80x128xf32, #tpu.memory_space<vmem>> -> memref<1x80x128xf32, #tpu.memory_space<vmem>>
      %dma_wait3A_768 = tpu.memref_squeeze %dma_wait3A_767 : memref<1x80x128xf32, #tpu.memory_space<vmem>> -> memref<80x128xf32, #tpu.memory_space<vmem>>
      %dma_wait3A_769 = arith.constant 0 : i32
      %dma_wait3A_770 = arith.constant 0 : i32
      %dma_wait3A_771 = tpu.memref_slice %arg2[%dma_wait3A_769, %dma_wait3A_770] : memref<320000x128xf32, #tpu.memory_space<hbm>> -> memref<80x128xf32, #tpu.memory_space<hbm>>
      %dma_wait3A_772 = arith.constant 0 : i32
      %dma_wait3A_773 = arith.constant 0 : i32
      %dma_wait3A_774 = tpu.memref_slice %arg7[%dma_wait3A_764, %dma_wait3A_772, %dma_wait3A_773] : memref<4x80x128xf32, #tpu.memory_space<vmem>> -> memref<1x80x128xf32, #tpu.memory_space<vmem>>
      %dma_wait3A_775 = tpu.memref_squeeze %dma_wait3A_774 : memref<1x80x128xf32, #tpu.memory_space<vmem>> -> memref<80x128xf32, #tpu.memory_space<vmem>>
      %dma_wait3A_776 = arith.constant 0 : i32
      %dma_wait3A_777 = arith.constant 0 : i32
      %dma_wait3A_778 = tpu.memref_slice %arg2[%dma_wait3A_776, %dma_wait3A_777] : memref<320000x128xf32, #tpu.memory_space<hbm>> -> memref<80x128xf32, #tpu.memory_space<hbm>>
      tpu.wait_dma2 semaphore(%arg11 : memref<!tpu.dma_semaphore, #tpu.memory_space<semaphore_mem>>) src(%dma_wait3A_778 : memref<80x128xf32, #tpu.memory_space<hbm>>) dst(%dma_wait3A_775 : memref<80x128xf32, #tpu.memory_space<vmem>>)
      %dma_wait3A_779 = arith.constant 1 : i32
      %dma_wait3A_780 = arith.constant 0 : i32
      %dma_wait3A_781 = arith.constant 0 : i32
      %dma_wait3A_782 = tpu.memref_slice %arg6[%dma_wait3A_779, %dma_wait3A_780, %dma_wait3A_781] : memref<4x1x80xi32, #tpu.memory_space<vmem>> -> memref<1x1x80xi32, #tpu.memory_space<vmem>>
      %dma_wait3A_783 = tpu.memref_squeeze %dma_wait3A_782 : memref<1x1x80xi32, #tpu.memory_space<vmem>> -> memref<80xi32, #tpu.memory_space<vmem>>
      %dma_wait3A_784 = arith.constant 0 : i32
      %dma_wait3A_785 = tpu.memref_slice %arg3[%dma_wait3A_784] : memref<640000xi32, #tpu.memory_space<hbm>> -> memref<80xi32, #tpu.memory_space<hbm>>
      %dma_wait3A_786 = arith.constant 0 : i32
      %dma_wait3A_787 = tpu.memref_slice %arg6[%dma_wait3A_779, %dma_wait3A_780, %dma_wait3A_786] : memref<4x1x80xi32, #tpu.memory_space<vmem>> -> memref<1x1x80xi32, #tpu.memory_space<vmem>>
      %dma_wait3A_788 = tpu.memref_squeeze %dma_wait3A_787 : memref<1x1x80xi32, #tpu.memory_space<vmem>> -> memref<80xi32, #tpu.memory_space<vmem>>
      %dma_wait3A_789 = arith.constant 0 : i32
      %dma_wait3A_790 = tpu.memref_slice %arg3[%dma_wait3A_789] : memref<640000xi32, #tpu.memory_space<hbm>> -> memref<80xi32, #tpu.memory_space<hbm>>
      tpu.wait_dma2 semaphore(%arg11 : memref<!tpu.dma_semaphore, #tpu.memory_space<semaphore_mem>>) src(%dma_wait3A_790 : memref<80xi32, #tpu.memory_space<hbm>>) dst(%dma_wait3A_788 : memref<80xi32, #tpu.memory_space<vmem>>)
      %dma_start3A_791 = arith.constant 1 : i32
      %dma_start3A_792 = arith.constant 1 : i32
      %dma_start3A_793 = arith.constant 0 : i32
      %dma_start3A_794 = arith.constant 0 : i32
      %dma_start3A_795 = arith.constant 0 : i32
      %dma_start3A_796 = tpu.memref_slice %arg7[%dma_start3A_791, %dma_start3A_794, %dma_start3A_795] : memref<4x80x128xf32, #tpu.memory_space<vmem>> -> memref<1x80x128xf32, #tpu.memory_space<vmem>>
      %dma_start3A_797 = tpu.memref_squeeze %dma_start3A_796 : memref<1x80x128xf32, #tpu.memory_space<vmem>> -> memref<80x128xf32, #tpu.memory_space<vmem>>
      %dma_start3A_798 = arith.constant 0 : i32
      %dma_start3A_799 = tpu.memref_slice %arg6[%dma_start3A_792, %dma_start3A_793, %dma_start3A_798] : memref<4x1x80xi32, #tpu.memory_space<vmem>> -> memref<1x1x80xi32, #tpu.memory_space<vmem>>
      %dma_start3A_800 = tpu.memref_squeeze %dma_start3A_799 : memref<1x1x80xi32, #tpu.memory_space<vmem>> -> memref<80xi32, #tpu.memory_space<vmem>>
      %dma_start3A_801 = arith.constant 0 : i32
      %dma_start3A_802 = arith.constant 0 : i32
      %dma_start3A_803 = tpu.memref_slice %arg9[%dma_start3A_801, %dma_start3A_802] : memref<10000x128xf32, #tpu.memory_space<vmem_shared>> -> memref<10000x128xf32, #tpu.memory_space<vmem_shared>>
      tpu.enqueue_indirect_dma source(%dma_start3A_797 : memref<80x128xf32, #tpu.memory_space<vmem>>) target(%dma_start3A_803 : memref<10000x128xf32, #tpu.memory_space<vmem_shared>>) offsets(%dma_start3A_800 : memref<80xi32, #tpu.memory_space<vmem>>) semaphore(%arg15 : memref<!tpu.dma_semaphore, #tpu.memory_space<semaphore_mem>>) {add = true}
      %mul3A_804 = arith.constant 80 : i32
      %mul3A_805 = arith.muli %add3A_763, %mul3A_804 : i32
      %add3A_806 = arith.addi %mul3A_61, %mul3A_805 : i32
      %dma_start3A_807 = arith.constant 1 : i32
      %dma_start3A_808 = arith.constant 0 : i32
      %dma_start3A_809 = arith.constant 0 : i32
      %dma_start3A_810 = tpu.memref_slice %arg7[%dma_start3A_807, %dma_start3A_808, %dma_start3A_809] : memref<4x80x128xf32, #tpu.memory_space<vmem>> -> memref<1x80x128xf32, #tpu.memory_space<vmem>>
      %dma_start3A_811 = tpu.memref_squeeze %dma_start3A_810 : memref<1x80x128xf32, #tpu.memory_space<vmem>> -> memref<80x128xf32, #tpu.memory_space<vmem>>
      %dma_start3A_812 = arith.constant 0 : i32
      %dma_start3A_813 = tpu.memref_slice %arg5[%add3A_806, %dma_start3A_812] : memref<320000x128xf32, #tpu.memory_space<hbm>> -> memref<80x128xf32, #tpu.memory_space<hbm>>
      %dma_start3A_814 = arith.constant 0 : i32
      %dma_start3A_815 = tpu.memref_slice %arg5[%add3A_806, %dma_start3A_814] : memref<320000x128xf32, #tpu.memory_space<hbm>> -> memref<80x128xf32, #tpu.memory_space<hbm>>
      %dma_start3A_816 = arith.constant 0 : i32
      %dma_start3A_817 = arith.constant 0 : i32
      %dma_start3A_818 = tpu.memref_slice %arg7[%dma_start3A_807, %dma_start3A_816, %dma_start3A_817] : memref<4x80x128xf32, #tpu.memory_space<vmem>> -> memref<1x80x128xf32, #tpu.memory_space<vmem>>
      %dma_start3A_819 = tpu.memref_squeeze %dma_start3A_818 : memref<1x80x128xf32, #tpu.memory_space<vmem>> -> memref<80x128xf32, #tpu.memory_space<vmem>>
      tpu.enqueue_dma source(%dma_start3A_819 : memref<80x128xf32, #tpu.memory_space<vmem>>) target(%dma_start3A_815 : memref<80x128xf32, #tpu.memory_space<hbm>>) target_semaphore(%arg19 : memref<!tpu.dma_semaphore, #tpu.memory_space<semaphore_mem>>)
      %add3A_820 = arith.constant 2 : i32
      %add3A_821 = arith.addi %add3A_763, %add3A_820 : i32
      %lt3A_822 = arith.constant 125 : i32
      %lt3A_823 = arith.cmpi slt, %add3A_821, %lt3A_822 : i32
      %convert_element_type3A_824 = arith.extui %lt3A_823 : i1 to i32
      %cond3A_825 = arith.constant 0 : i32
      %cond3A_826 = arith.cmpi ne, %convert_element_type3A_824, %cond3A_825 : i32
      scf.if %cond3A_826 {
        %dma_wait3A_961 = arith.constant 3 : i32
        %dma_wait3A_962 = arith.constant 3 : i32
        %dma_wait3A_963 = arith.constant 0 : i32
        %dma_wait3A_964 = arith.constant 0 : i32
        %dma_wait3A_965 = arith.constant 0 : i32
        %dma_wait3A_966 = tpu.memref_slice %arg7[%dma_wait3A_961, %dma_wait3A_964, %dma_wait3A_965] : memref<4x80x128xf32, #tpu.memory_space<vmem>> -> memref<1x80x128xf32, #tpu.memory_space<vmem>>
        %dma_wait3A_967 = tpu.memref_squeeze %dma_wait3A_966 : memref<1x80x128xf32, #tpu.memory_space<vmem>> -> memref<80x128xf32, #tpu.memory_space<vmem>>
        %dma_wait3A_968 = arith.constant 0 : i32
        %dma_wait3A_969 = tpu.memref_slice %arg6[%dma_wait3A_962, %dma_wait3A_963, %dma_wait3A_968] : memref<4x1x80xi32, #tpu.memory_space<vmem>> -> memref<1x1x80xi32, #tpu.memory_space<vmem>>
        %dma_wait3A_970 = tpu.memref_squeeze %dma_wait3A_969 : memref<1x1x80xi32, #tpu.memory_space<vmem>> -> memref<80xi32, #tpu.memory_space<vmem>>
        %dma_wait3A_971 = arith.constant 0 : i32
        %dma_wait3A_972 = arith.constant 0 : i32
        %dma_wait3A_973 = tpu.memref_slice %arg9[%dma_wait3A_971, %dma_wait3A_972] : memref<10000x128xf32, #tpu.memory_space<vmem_shared>> -> memref<10000x128xf32, #tpu.memory_space<vmem_shared>>
        tpu.wait_indirect_dma semaphore(%arg17 : memref<!tpu.dma_semaphore, #tpu.memory_space<semaphore_mem>>) src(%dma_wait3A_967 : memref<80x128xf32, #tpu.memory_space<vmem>>) dst(%dma_wait3A_973 : memref<10000x128xf32, #tpu.memory_space<vmem_shared>>)
        %dma_wait3A_974 = arith.constant 3 : i32
        %dma_wait3A_975 = arith.constant 0 : i32
        %dma_wait3A_976 = arith.constant 0 : i32
        %dma_wait3A_977 = tpu.memref_slice %arg7[%dma_wait3A_974, %dma_wait3A_975, %dma_wait3A_976] : memref<4x80x128xf32, #tpu.memory_space<vmem>> -> memref<1x80x128xf32, #tpu.memory_space<vmem>>
        %dma_wait3A_978 = tpu.memref_squeeze %dma_wait3A_977 : memref<1x80x128xf32, #tpu.memory_space<vmem>> -> memref<80x128xf32, #tpu.memory_space<vmem>>
        %dma_wait3A_979 = arith.constant 0 : i32
        %dma_wait3A_980 = arith.constant 0 : i32
        %dma_wait3A_981 = tpu.memref_slice %arg5[%dma_wait3A_979, %dma_wait3A_980] : memref<320000x128xf32, #tpu.memory_space<hbm>> -> memref<80x128xf32, #tpu.memory_space<hbm>>
        %dma_wait3A_982 = arith.constant 0 : i32
        %dma_wait3A_983 = arith.constant 0 : i32
        %dma_wait3A_984 = tpu.memref_slice %arg5[%dma_wait3A_982, %dma_wait3A_983] : memref<320000x128xf32, #tpu.memory_space<hbm>> -> memref<80x128xf32, #tpu.memory_space<hbm>>
        %dma_wait3A_985 = arith.constant 0 : i32
        %dma_wait3A_986 = arith.constant 0 : i32
        %dma_wait3A_987 = tpu.memref_slice %arg7[%dma_wait3A_974, %dma_wait3A_985, %dma_wait3A_986] : memref<4x80x128xf32, #tpu.memory_space<vmem>> -> memref<1x80x128xf32, #tpu.memory_space<vmem>>
        %dma_wait3A_988 = tpu.memref_squeeze %dma_wait3A_987 : memref<1x80x128xf32, #tpu.memory_space<vmem>> -> memref<80x128xf32, #tpu.memory_space<vmem>>
        tpu.wait_dma2 semaphore(%arg21 : memref<!tpu.dma_semaphore, #tpu.memory_space<semaphore_mem>>) src(%dma_wait3A_988 : memref<80x128xf32, #tpu.memory_space<vmem>>) dst(%dma_wait3A_984 : memref<80x128xf32, #tpu.memory_space<hbm>>)
        %add3A_989 = arith.constant 2 : i32
        %add3A_990 = arith.addi %add3A_763, %add3A_989 : i32
        %mul3A_991 = arith.constant 80 : i32
        %mul3A_992 = arith.muli %add3A_990, %mul3A_991 : i32
        %add3A_993 = arith.addi %mul3A_61, %mul3A_992 : i32
        %dma_start3A_994 = arith.constant 3 : i32
        %dma_start3A_995 = arith.constant 0 : i32
        %dma_start3A_996 = arith.constant 0 : i32
        %dma_start3A_997 = tpu.memref_slice %arg7[%dma_start3A_994, %dma_start3A_995, %dma_start3A_996] : memref<4x80x128xf32, #tpu.memory_space<vmem>> -> memref<1x80x128xf32, #tpu.memory_space<vmem>>
        %dma_start3A_998 = tpu.memref_squeeze %dma_start3A_997 : memref<1x80x128xf32, #tpu.memory_space<vmem>> -> memref<80x128xf32, #tpu.memory_space<vmem>>
        %dma_start3A_999 = arith.constant 0 : i32
        %dma_start3A_1000 = tpu.memref_slice %arg2[%add3A_993, %dma_start3A_999] : memref<320000x128xf32, #tpu.memory_space<hbm>> -> memref<80x128xf32, #tpu.memory_space<hbm>>
        %dma_start3A_1001 = arith.constant 0 : i32
        %dma_start3A_1002 = arith.constant 0 : i32
        %dma_start3A_1003 = tpu.memref_slice %arg7[%dma_start3A_994, %dma_start3A_1001, %dma_start3A_1002] : memref<4x80x128xf32, #tpu.memory_space<vmem>> -> memref<1x80x128xf32, #tpu.memory_space<vmem>>
        %dma_start3A_1004 = tpu.memref_squeeze %dma_start3A_1003 : memref<1x80x128xf32, #tpu.memory_space<vmem>> -> memref<80x128xf32, #tpu.memory_space<vmem>>
        %dma_start3A_1005 = arith.constant 0 : i32
        %dma_start3A_1006 = tpu.memref_slice %arg2[%add3A_993, %dma_start3A_1005] : memref<320000x128xf32, #tpu.memory_space<hbm>> -> memref<80x128xf32, #tpu.memory_space<hbm>>
        tpu.enqueue_dma source(%dma_start3A_1006 : memref<80x128xf32, #tpu.memory_space<hbm>>) target(%dma_start3A_1004 : memref<80x128xf32, #tpu.memory_space<vmem>>) target_semaphore(%arg13 : memref<!tpu.dma_semaphore, #tpu.memory_space<semaphore_mem>>)
        %add3A_1007 = arith.constant 320000 : i32
        %add3A_1008 = arith.addi %add3A_1007, %add3A_993 : i32
        %add3A_1009 = arith.constant 0 : i32
        %add3A_1010 = arith.addi %add3A_1008, %add3A_1009 : i32
        %dma_start3A_1011 = arith.constant 3 : i32
        %dma_start3A_1012 = arith.constant 0 : i32
        %dma_start3A_1013 = arith.constant 0 : i32
        %dma_start3A_1014 = tpu.memref_slice %arg6[%dma_start3A_1011, %dma_start3A_1012, %dma_start3A_1013] : memref<4x1x80xi32, #tpu.memory_space<vmem>> -> memref<1x1x80xi32, #tpu.memory_space<vmem>>
        %dma_start3A_1015 = tpu.memref_squeeze %dma_start3A_1014 : memref<1x1x80xi32, #tpu.memory_space<vmem>> -> memref<80xi32, #tpu.memory_space<vmem>>
        %dma_start3A_1016 = tpu.memref_slice %arg3[%add3A_1010] : memref<640000xi32, #tpu.memory_space<hbm>> -> memref<80xi32, #tpu.memory_space<hbm>>
        %dma_start3A_1017 = arith.constant 0 : i32
        %dma_start3A_1018 = tpu.memref_slice %arg6[%dma_start3A_1011, %dma_start3A_1012, %dma_start3A_1017] : memref<4x1x80xi32, #tpu.memory_space<vmem>> -> memref<1x1x80xi32, #tpu.memory_space<vmem>>
        %dma_start3A_1019 = tpu.memref_squeeze %dma_start3A_1018 : memref<1x1x80xi32, #tpu.memory_space<vmem>> -> memref<80xi32, #tpu.memory_space<vmem>>
        %dma_start3A_1020 = tpu.memref_slice %arg3[%add3A_1010] : memref<640000xi32, #tpu.memory_space<hbm>> -> memref<80xi32, #tpu.memory_space<hbm>>
        tpu.enqueue_dma source(%dma_start3A_1020 : memref<80xi32, #tpu.memory_space<hbm>>) target(%dma_start3A_1019 : memref<80xi32, #tpu.memory_space<vmem>>) target_semaphore(%arg13 : memref<!tpu.dma_semaphore, #tpu.memory_space<semaphore_mem>>)
      } else {
      }
      %mul3A_827 = arith.constant 4 : i32
      %mul3A_828 = arith.muli %scan3A_693, %mul3A_827 : i32
      %add3A_829 = arith.constant 2 : i32
      %add3A_830 = arith.addi %mul3A_828, %add3A_829 : i32
      %dma_wait3A_831 = arith.constant 2 : i32
      %dma_wait3A_832 = arith.constant 0 : i32
      %dma_wait3A_833 = arith.constant 0 : i32
      %dma_wait3A_834 = tpu.memref_slice %arg7[%dma_wait3A_831, %dma_wait3A_832, %dma_wait3A_833] : memref<4x80x128xf32, #tpu.memory_space<vmem>> -> memref<1x80x128xf32, #tpu.memory_space<vmem>>
      %dma_wait3A_835 = tpu.memref_squeeze %dma_wait3A_834 : memref<1x80x128xf32, #tpu.memory_space<vmem>> -> memref<80x128xf32, #tpu.memory_space<vmem>>
      %dma_wait3A_836 = arith.constant 0 : i32
      %dma_wait3A_837 = arith.constant 0 : i32
      %dma_wait3A_838 = tpu.memref_slice %arg2[%dma_wait3A_836, %dma_wait3A_837] : memref<320000x128xf32, #tpu.memory_space<hbm>> -> memref<80x128xf32, #tpu.memory_space<hbm>>
      %dma_wait3A_839 = arith.constant 0 : i32
      %dma_wait3A_840 = arith.constant 0 : i32
      %dma_wait3A_841 = tpu.memref_slice %arg7[%dma_wait3A_831, %dma_wait3A_839, %dma_wait3A_840] : memref<4x80x128xf32, #tpu.memory_space<vmem>> -> memref<1x80x128xf32, #tpu.memory_space<vmem>>
      %dma_wait3A_842 = tpu.memref_squeeze %dma_wait3A_841 : memref<1x80x128xf32, #tpu.memory_space<vmem>> -> memref<80x128xf32, #tpu.memory_space<vmem>>
      %dma_wait3A_843 = arith.constant 0 : i32
      %dma_wait3A_844 = arith.constant 0 : i32
      %dma_wait3A_845 = tpu.memref_slice %arg2[%dma_wait3A_843, %dma_wait3A_844] : memref<320000x128xf32, #tpu.memory_space<hbm>> -> memref<80x128xf32, #tpu.memory_space<hbm>>
      tpu.wait_dma2 semaphore(%arg12 : memref<!tpu.dma_semaphore, #tpu.memory_space<semaphore_mem>>) src(%dma_wait3A_845 : memref<80x128xf32, #tpu.memory_space<hbm>>) dst(%dma_wait3A_842 : memref<80x128xf32, #tpu.memory_space<vmem>>)
      %dma_wait3A_846 = arith.constant 2 : i32
      %dma_wait3A_847 = arith.constant 0 : i32
      %dma_wait3A_848 = arith.constant 0 : i32
      %dma_wait3A_849 = tpu.memref_slice %arg6[%dma_wait3A_846, %dma_wait3A_847, %dma_wait3A_848] : memref<4x1x80xi32, #tpu.memory_space<vmem>> -> memref<1x1x80xi32, #tpu.memory_space<vmem>>
      %dma_wait3A_850 = tpu.memref_squeeze %dma_wait3A_849 : memref<1x1x80xi32, #tpu.memory_space<vmem>> -> memref<80xi32, #tpu.memory_space<vmem>>
      %dma_wait3A_851 = arith.constant 0 : i32
      %dma_wait3A_852 = tpu.memref_slice %arg3[%dma_wait3A_851] : memref<640000xi32, #tpu.memory_space<hbm>> -> memref<80xi32, #tpu.memory_space<hbm>>
      %dma_wait3A_853 = arith.constant 0 : i32
      %dma_wait3A_854 = tpu.memref_slice %arg6[%dma_wait3A_846, %dma_wait3A_847, %dma_wait3A_853] : memref<4x1x80xi32, #tpu.memory_space<vmem>> -> memref<1x1x80xi32, #tpu.memory_space<vmem>>
      %dma_wait3A_855 = tpu.memref_squeeze %dma_wait3A_854 : memref<1x1x80xi32, #tpu.memory_space<vmem>> -> memref<80xi32, #tpu.memory_space<vmem>>
      %dma_wait3A_856 = arith.constant 0 : i32
      %dma_wait3A_857 = tpu.memref_slice %arg3[%dma_wait3A_856] : memref<640000xi32, #tpu.memory_space<hbm>> -> memref<80xi32, #tpu.memory_space<hbm>>
      tpu.wait_dma2 semaphore(%arg12 : memref<!tpu.dma_semaphore, #tpu.memory_space<semaphore_mem>>) src(%dma_wait3A_857 : memref<80xi32, #tpu.memory_space<hbm>>) dst(%dma_wait3A_855 : memref<80xi32, #tpu.memory_space<vmem>>)
      %dma_start3A_858 = arith.constant 2 : i32
      %dma_start3A_859 = arith.constant 2 : i32
      %dma_start3A_860 = arith.constant 0 : i32
      %dma_start3A_861 = arith.constant 0 : i32
      %dma_start3A_862 = arith.constant 0 : i32
      %dma_start3A_863 = tpu.memref_slice %arg7[%dma_start3A_858, %dma_start3A_861, %dma_start3A_862] : memref<4x80x128xf32, #tpu.memory_space<vmem>> -> memref<1x80x128xf32, #tpu.memory_space<vmem>>
      %dma_start3A_864 = tpu.memref_squeeze %dma_start3A_863 : memref<1x80x128xf32, #tpu.memory_space<vmem>> -> memref<80x128xf32, #tpu.memory_space<vmem>>
      %dma_start3A_865 = arith.constant 0 : i32
      %dma_start3A_866 = tpu.memref_slice %arg6[%dma_start3A_859, %dma_start3A_860, %dma_start3A_865] : memref<4x1x80xi32, #tpu.memory_space<vmem>> -> memref<1x1x80xi32, #tpu.memory_space<vmem>>
      %dma_start3A_867 = tpu.memref_squeeze %dma_start3A_866 : memref<1x1x80xi32, #tpu.memory_space<vmem>> -> memref<80xi32, #tpu.memory_space<vmem>>
      %dma_start3A_868 = arith.constant 0 : i32
      %dma_start3A_869 = arith.constant 0 : i32
      %dma_start3A_870 = tpu.memref_slice %arg9[%dma_start3A_868, %dma_start3A_869] : memref<10000x128xf32, #tpu.memory_space<vmem_shared>> -> memref<10000x128xf32, #tpu.memory_space<vmem_shared>>
      tpu.enqueue_indirect_dma source(%dma_start3A_864 : memref<80x128xf32, #tpu.memory_space<vmem>>) target(%dma_start3A_870 : memref<10000x128xf32, #tpu.memory_space<vmem_shared>>) offsets(%dma_start3A_867 : memref<80xi32, #tpu.memory_space<vmem>>) semaphore(%arg16 : memref<!tpu.dma_semaphore, #tpu.memory_space<semaphore_mem>>) {add = true}
      %mul3A_871 = arith.constant 80 : i32
      %mul3A_872 = arith.muli %add3A_830, %mul3A_871 : i32
      %add3A_873 = arith.addi %mul3A_61, %mul3A_872 : i32
      %dma_start3A_874 = arith.constant 2 : i32
      %dma_start3A_875 = arith.constant 0 : i32
      %dma_start3A_876 = arith.constant 0 : i32
      %dma_start3A_877 = tpu.memref_slice %arg7[%dma_start3A_874, %dma_start3A_875, %dma_start3A_876] : memref<4x80x128xf32, #tpu.memory_space<vmem>> -> memref<1x80x128xf32, #tpu.memory_space<vmem>>
      %dma_start3A_878 = tpu.memref_squeeze %dma_start3A_877 : memref<1x80x128xf32, #tpu.memory_space<vmem>> -> memref<80x128xf32, #tpu.memory_space<vmem>>
      %dma_start3A_879 = arith.constant 0 : i32
      %dma_start3A_880 = tpu.memref_slice %arg5[%add3A_873, %dma_start3A_879] : memref<320000x128xf32, #tpu.memory_space<hbm>> -> memref<80x128xf32, #tpu.memory_space<hbm>>
      %dma_start3A_881 = arith.constant 0 : i32
      %dma_start3A_882 = tpu.memref_slice %arg5[%add3A_873, %dma_start3A_881] : memref<320000x128xf32, #tpu.memory_space<hbm>> -> memref<80x128xf32, #tpu.memory_space<hbm>>
      %dma_start3A_883 = arith.constant 0 : i32
      %dma_start3A_884 = arith.constant 0 : i32
      %dma_start3A_885 = tpu.memref_slice %arg7[%dma_start3A_874, %dma_start3A_883, %dma_start3A_884] : memref<4x80x128xf32, #tpu.memory_space<vmem>> -> memref<1x80x128xf32, #tpu.memory_space<vmem>>
      %dma_start3A_886 = tpu.memref_squeeze %dma_start3A_885 : memref<1x80x128xf32, #tpu.memory_space<vmem>> -> memref<80x128xf32, #tpu.memory_space<vmem>>
      tpu.enqueue_dma source(%dma_start3A_886 : memref<80x128xf32, #tpu.memory_space<vmem>>) target(%dma_start3A_882 : memref<80x128xf32, #tpu.memory_space<hbm>>) target_semaphore(%arg20 : memref<!tpu.dma_semaphore, #tpu.memory_space<semaphore_mem>>)
      %add3A_887 = arith.constant 2 : i32
      %add3A_888 = arith.addi %add3A_830, %add3A_887 : i32
      %lt3A_889 = arith.constant 125 : i32
      %lt3A_890 = arith.cmpi slt, %add3A_888, %lt3A_889 : i32
      %convert_element_type3A_891 = arith.extui %lt3A_890 : i1 to i32
      %cond3A_892 = arith.constant 0 : i32
      %cond3A_893 = arith.cmpi ne, %convert_element_type3A_891, %cond3A_892 : i32
      scf.if %cond3A_893 {
        %dma_wait3A_961 = arith.constant 0 : i32
        %dma_wait3A_962 = arith.constant 0 : i32
        %dma_wait3A_963 = arith.constant 0 : i32
        %dma_wait3A_964 = arith.constant 0 : i32
        %dma_wait3A_965 = arith.constant 0 : i32
        %dma_wait3A_966 = tpu.memref_slice %arg7[%dma_wait3A_961, %dma_wait3A_964, %dma_wait3A_965] : memref<4x80x128xf32, #tpu.memory_space<vmem>> -> memref<1x80x128xf32, #tpu.memory_space<vmem>>
        %dma_wait3A_967 = tpu.memref_squeeze %dma_wait3A_966 : memref<1x80x128xf32, #tpu.memory_space<vmem>> -> memref<80x128xf32, #tpu.memory_space<vmem>>
        %dma_wait3A_968 = arith.constant 0 : i32
        %dma_wait3A_969 = tpu.memref_slice %arg6[%dma_wait3A_962, %dma_wait3A_963, %dma_wait3A_968] : memref<4x1x80xi32, #tpu.memory_space<vmem>> -> memref<1x1x80xi32, #tpu.memory_space<vmem>>
        %dma_wait3A_970 = tpu.memref_squeeze %dma_wait3A_969 : memref<1x1x80xi32, #tpu.memory_space<vmem>> -> memref<80xi32, #tpu.memory_space<vmem>>
        %dma_wait3A_971 = arith.constant 0 : i32
        %dma_wait3A_972 = arith.constant 0 : i32
        %dma_wait3A_973 = tpu.memref_slice %arg9[%dma_wait3A_971, %dma_wait3A_972] : memref<10000x128xf32, #tpu.memory_space<vmem_shared>> -> memref<10000x128xf32, #tpu.memory_space<vmem_shared>>
        tpu.wait_indirect_dma semaphore(%arg14 : memref<!tpu.dma_semaphore, #tpu.memory_space<semaphore_mem>>) src(%dma_wait3A_967 : memref<80x128xf32, #tpu.memory_space<vmem>>) dst(%dma_wait3A_973 : memref<10000x128xf32, #tpu.memory_space<vmem_shared>>)
        %dma_wait3A_974 = arith.constant 0 : i32
        %dma_wait3A_975 = arith.constant 0 : i32
        %dma_wait3A_976 = arith.constant 0 : i32
        %dma_wait3A_977 = tpu.memref_slice %arg7[%dma_wait3A_974, %dma_wait3A_975, %dma_wait3A_976] : memref<4x80x128xf32, #tpu.memory_space<vmem>> -> memref<1x80x128xf32, #tpu.memory_space<vmem>>
        %dma_wait3A_978 = tpu.memref_squeeze %dma_wait3A_977 : memref<1x80x128xf32, #tpu.memory_space<vmem>> -> memref<80x128xf32, #tpu.memory_space<vmem>>
        %dma_wait3A_979 = arith.constant 0 : i32
        %dma_wait3A_980 = arith.constant 0 : i32
        %dma_wait3A_981 = tpu.memref_slice %arg5[%dma_wait3A_979, %dma_wait3A_980] : memref<320000x128xf32, #tpu.memory_space<hbm>> -> memref<80x128xf32, #tpu.memory_space<hbm>>
        %dma_wait3A_982 = arith.constant 0 : i32
        %dma_wait3A_983 = arith.constant 0 : i32
        %dma_wait3A_984 = tpu.memref_slice %arg5[%dma_wait3A_982, %dma_wait3A_983] : memref<320000x128xf32, #tpu.memory_space<hbm>> -> memref<80x128xf32, #tpu.memory_space<hbm>>
        %dma_wait3A_985 = arith.constant 0 : i32
        %dma_wait3A_986 = arith.constant 0 : i32
        %dma_wait3A_987 = tpu.memref_slice %arg7[%dma_wait3A_974, %dma_wait3A_985, %dma_wait3A_986] : memref<4x80x128xf32, #tpu.memory_space<vmem>> -> memref<1x80x128xf32, #tpu.memory_space<vmem>>
        %dma_wait3A_988 = tpu.memref_squeeze %dma_wait3A_987 : memref<1x80x128xf32, #tpu.memory_space<vmem>> -> memref<80x128xf32, #tpu.memory_space<vmem>>
        tpu.wait_dma2 semaphore(%arg18 : memref<!tpu.dma_semaphore, #tpu.memory_space<semaphore_mem>>) src(%dma_wait3A_988 : memref<80x128xf32, #tpu.memory_space<vmem>>) dst(%dma_wait3A_984 : memref<80x128xf32, #tpu.memory_space<hbm>>)
        %add3A_989 = arith.constant 2 : i32
        %add3A_990 = arith.addi %add3A_830, %add3A_989 : i32
        %mul3A_991 = arith.constant 80 : i32
        %mul3A_992 = arith.muli %add3A_990, %mul3A_991 : i32
        %add3A_993 = arith.addi %mul3A_61, %mul3A_992 : i32
        %dma_start3A_994 = arith.constant 0 : i32
        %dma_start3A_995 = arith.constant 0 : i32
        %dma_start3A_996 = arith.constant 0 : i32
        %dma_start3A_997 = tpu.memref_slice %arg7[%dma_start3A_994, %dma_start3A_995, %dma_start3A_996] : memref<4x80x128xf32, #tpu.memory_space<vmem>> -> memref<1x80x128xf32, #tpu.memory_space<vmem>>
        %dma_start3A_998 = tpu.memref_squeeze %dma_start3A_997 : memref<1x80x128xf32, #tpu.memory_space<vmem>> -> memref<80x128xf32, #tpu.memory_space<vmem>>
        %dma_start3A_999 = arith.constant 0 : i32
        %dma_start3A_1000 = tpu.memref_slice %arg2[%add3A_993, %dma_start3A_999] : memref<320000x128xf32, #tpu.memory_space<hbm>> -> memref<80x128xf32, #tpu.memory_space<hbm>>
        %dma_start3A_1001 = arith.constant 0 : i32
        %dma_start3A_1002 = arith.constant 0 : i32
        %dma_start3A_1003 = tpu.memref_slice %arg7[%dma_start3A_994, %dma_start3A_1001, %dma_start3A_1002] : memref<4x80x128xf32, #tpu.memory_space<vmem>> -> memref<1x80x128xf32, #tpu.memory_space<vmem>>
        %dma_start3A_1004 = tpu.memref_squeeze %dma_start3A_1003 : memref<1x80x128xf32, #tpu.memory_space<vmem>> -> memref<80x128xf32, #tpu.memory_space<vmem>>
        %dma_start3A_1005 = arith.constant 0 : i32
        %dma_start3A_1006 = tpu.memref_slice %arg2[%add3A_993, %dma_start3A_1005] : memref<320000x128xf32, #tpu.memory_space<hbm>> -> memref<80x128xf32, #tpu.memory_space<hbm>>
        tpu.enqueue_dma source(%dma_start3A_1006 : memref<80x128xf32, #tpu.memory_space<hbm>>) target(%dma_start3A_1004 : memref<80x128xf32, #tpu.memory_space<vmem>>) target_semaphore(%arg10 : memref<!tpu.dma_semaphore, #tpu.memory_space<semaphore_mem>>)
        %add3A_1007 = arith.constant 320000 : i32
        %add3A_1008 = arith.addi %add3A_1007, %add3A_993 : i32
        %add3A_1009 = arith.constant 0 : i32
        %add3A_1010 = arith.addi %add3A_1008, %add3A_1009 : i32
        %dma_start3A_1011 = arith.constant 0 : i32
        %dma_start3A_1012 = arith.constant 0 : i32
        %dma_start3A_1013 = arith.constant 0 : i32
        %dma_start3A_1014 = tpu.memref_slice %arg6[%dma_start3A_1011, %dma_start3A_1012, %dma_start3A_1013] : memref<4x1x80xi32, #tpu.memory_space<vmem>> -> memref<1x1x80xi32, #tpu.memory_space<vmem>>
        %dma_start3A_1015 = tpu.memref_squeeze %dma_start3A_1014 : memref<1x1x80xi32, #tpu.memory_space<vmem>> -> memref<80xi32, #tpu.memory_space<vmem>>
        %dma_start3A_1016 = tpu.memref_slice %arg3[%add3A_1010] : memref<640000xi32, #tpu.memory_space<hbm>> -> memref<80xi32, #tpu.memory_space<hbm>>
        %dma_start3A_1017 = arith.constant 0 : i32
        %dma_start3A_1018 = tpu.memref_slice %arg6[%dma_start3A_1011, %dma_start3A_1012, %dma_start3A_1017] : memref<4x1x80xi32, #tpu.memory_space<vmem>> -> memref<1x1x80xi32, #tpu.memory_space<vmem>>
        %dma_start3A_1019 = tpu.memref_squeeze %dma_start3A_1018 : memref<1x1x80xi32, #tpu.memory_space<vmem>> -> memref<80xi32, #tpu.memory_space<vmem>>
        %dma_start3A_1020 = tpu.memref_slice %arg3[%add3A_1010] : memref<640000xi32, #tpu.memory_space<hbm>> -> memref<80xi32, #tpu.memory_space<hbm>>
        tpu.enqueue_dma source(%dma_start3A_1020 : memref<80xi32, #tpu.memory_space<hbm>>) target(%dma_start3A_1019 : memref<80xi32, #tpu.memory_space<vmem>>) target_semaphore(%arg10 : memref<!tpu.dma_semaphore, #tpu.memory_space<semaphore_mem>>)
      } else {
      }
      %mul3A_894 = arith.constant 4 : i32
      %mul3A_895 = arith.muli %scan3A_693, %mul3A_894 : i32
      %add3A_896 = arith.constant 3 : i32
      %add3A_897 = arith.addi %mul3A_895, %add3A_896 : i32
      %dma_wait3A_898 = arith.constant 3 : i32
      %dma_wait3A_899 = arith.constant 0 : i32
      %dma_wait3A_900 = arith.constant 0 : i32
      %dma_wait3A_901 = tpu.memref_slice %arg7[%dma_wait3A_898, %dma_wait3A_899, %dma_wait3A_900] : memref<4x80x128xf32, #tpu.memory_space<vmem>> -> memref<1x80x128xf32, #tpu.memory_space<vmem>>
      %dma_wait3A_902 = tpu.memref_squeeze %dma_wait3A_901 : memref<1x80x128xf32, #tpu.memory_space<vmem>> -> memref<80x128xf32, #tpu.memory_space<vmem>>
      %dma_wait3A_903 = arith.constant 0 : i32
      %dma_wait3A_904 = arith.constant 0 : i32
      %dma_wait3A_905 = tpu.memref_slice %arg2[%dma_wait3A_903, %dma_wait3A_904] : memref<320000x128xf32, #tpu.memory_space<hbm>> -> memref<80x128xf32, #tpu.memory_space<hbm>>
      %dma_wait3A_906 = arith.constant 0 : i32
      %dma_wait3A_907 = arith.constant 0 : i32
      %dma_wait3A_908 = tpu.memref_slice %arg7[%dma_wait3A_898, %dma_wait3A_906, %dma_wait3A_907] : memref<4x80x128xf32, #tpu.memory_space<vmem>> -> memref<1x80x128xf32, #tpu.memory_space<vmem>>
      %dma_wait3A_909 = tpu.memref_squeeze %dma_wait3A_908 : memref<1x80x128xf32, #tpu.memory_space<vmem>> -> memref<80x128xf32, #tpu.memory_space<vmem>>
      %dma_wait3A_910 = arith.constant 0 : i32
      %dma_wait3A_911 = arith.constant 0 : i32
      %dma_wait3A_912 = tpu.memref_slice %arg2[%dma_wait3A_910, %dma_wait3A_911] : memref<320000x128xf32, #tpu.memory_space<hbm>> -> memref<80x128xf32, #tpu.memory_space<hbm>>
      tpu.wait_dma2 semaphore(%arg13 : memref<!tpu.dma_semaphore, #tpu.memory_space<semaphore_mem>>) src(%dma_wait3A_912 : memref<80x128xf32, #tpu.memory_space<hbm>>) dst(%dma_wait3A_909 : memref<80x128xf32, #tpu.memory_space<vmem>>)
      %dma_wait3A_913 = arith.constant 3 : i32
      %dma_wait3A_914 = arith.constant 0 : i32
      %dma_wait3A_915 = arith.constant 0 : i32
      %dma_wait3A_916 = tpu.memref_slice %arg6[%dma_wait3A_913, %dma_wait3A_914, %dma_wait3A_915] : memref<4x1x80xi32, #tpu.memory_space<vmem>> -> memref<1x1x80xi32, #tpu.memory_space<vmem>>
      %dma_wait3A_917 = tpu.memref_squeeze %dma_wait3A_916 : memref<1x1x80xi32, #tpu.memory_space<vmem>> -> memref<80xi32, #tpu.memory_space<vmem>>
      %dma_wait3A_918 = arith.constant 0 : i32
      %dma_wait3A_919 = tpu.memref_slice %arg3[%dma_wait3A_918] : memref<640000xi32, #tpu.memory_space<hbm>> -> memref<80xi32, #tpu.memory_space<hbm>>
      %dma_wait3A_920 = arith.constant 0 : i32
      %dma_wait3A_921 = tpu.memref_slice %arg6[%dma_wait3A_913, %dma_wait3A_914, %dma_wait3A_920] : memref<4x1x80xi32, #tpu.memory_space<vmem>> -> memref<1x1x80xi32, #tpu.memory_space<vmem>>
      %dma_wait3A_922 = tpu.memref_squeeze %dma_wait3A_921 : memref<1x1x80xi32, #tpu.memory_space<vmem>> -> memref<80xi32, #tpu.memory_space<vmem>>
      %dma_wait3A_923 = arith.constant 0 : i32
      %dma_wait3A_924 = tpu.memref_slice %arg3[%dma_wait3A_923] : memref<640000xi32, #tpu.memory_space<hbm>> -> memref<80xi32, #tpu.memory_space<hbm>>
      tpu.wait_dma2 semaphore(%arg13 : memref<!tpu.dma_semaphore, #tpu.memory_space<semaphore_mem>>) src(%dma_wait3A_924 : memref<80xi32, #tpu.memory_space<hbm>>) dst(%dma_wait3A_922 : memref<80xi32, #tpu.memory_space<vmem>>)
      %dma_start3A_925 = arith.constant 3 : i32
      %dma_start3A_926 = arith.constant 3 : i32
      %dma_start3A_927 = arith.constant 0 : i32
      %dma_start3A_928 = arith.constant 0 : i32
      %dma_start3A_929 = arith.constant 0 : i32
      %dma_start3A_930 = tpu.memref_slice %arg7[%dma_start3A_925, %dma_start3A_928, %dma_start3A_929] : memref<4x80x128xf32, #tpu.memory_space<vmem>> -> memref<1x80x128xf32, #tpu.memory_space<vmem>>
      %dma_start3A_931 = tpu.memref_squeeze %dma_start3A_930 : memref<1x80x128xf32, #tpu.memory_space<vmem>> -> memref<80x128xf32, #tpu.memory_space<vmem>>
      %dma_start3A_932 = arith.constant 0 : i32
      %dma_start3A_933 = tpu.memref_slice %arg6[%dma_start3A_926, %dma_start3A_927, %dma_start3A_932] : memref<4x1x80xi32, #tpu.memory_space<vmem>> -> memref<1x1x80xi32, #tpu.memory_space<vmem>>
      %dma_start3A_934 = tpu.memref_squeeze %dma_start3A_933 : memref<1x1x80xi32, #tpu.memory_space<vmem>> -> memref<80xi32, #tpu.memory_space<vmem>>
      %dma_start3A_935 = arith.constant 0 : i32
      %dma_start3A_936 = arith.constant 0 : i32
      %dma_start3A_937 = tpu.memref_slice %arg9[%dma_start3A_935, %dma_start3A_936] : memref<10000x128xf32, #tpu.memory_space<vmem_shared>> -> memref<10000x128xf32, #tpu.memory_space<vmem_shared>>
      tpu.enqueue_indirect_dma source(%dma_start3A_931 : memref<80x128xf32, #tpu.memory_space<vmem>>) target(%dma_start3A_937 : memref<10000x128xf32, #tpu.memory_space<vmem_shared>>) offsets(%dma_start3A_934 : memref<80xi32, #tpu.memory_space<vmem>>) semaphore(%arg17 : memref<!tpu.dma_semaphore, #tpu.memory_space<semaphore_mem>>) {add = true}
      %mul3A_938 = arith.constant 80 : i32
      %mul3A_939 = arith.muli %add3A_897, %mul3A_938 : i32
      %add3A_940 = arith.addi %mul3A_61, %mul3A_939 : i32
      %dma_start3A_941 = arith.constant 3 : i32
      %dma_start3A_942 = arith.constant 0 : i32
      %dma_start3A_943 = arith.constant 0 : i32
      %dma_start3A_944 = tpu.memref_slice %arg7[%dma_start3A_941, %dma_start3A_942, %dma_start3A_943] : memref<4x80x128xf32, #tpu.memory_space<vmem>> -> memref<1x80x128xf32, #tpu.memory_space<vmem>>
      %dma_start3A_945 = tpu.memref_squeeze %dma_start3A_944 : memref<1x80x128xf32, #tpu.memory_space<vmem>> -> memref<80x128xf32, #tpu.memory_space<vmem>>
      %dma_start3A_946 = arith.constant 0 : i32
      %dma_start3A_947 = tpu.memref_slice %arg5[%add3A_940, %dma_start3A_946] : memref<320000x128xf32, #tpu.memory_space<hbm>> -> memref<80x128xf32, #tpu.memory_space<hbm>>
      %dma_start3A_948 = arith.constant 0 : i32
      %dma_start3A_949 = tpu.memref_slice %arg5[%add3A_940, %dma_start3A_948] : memref<320000x128xf32, #tpu.memory_space<hbm>> -> memref<80x128xf32, #tpu.memory_space<hbm>>
      %dma_start3A_950 = arith.constant 0 : i32
      %dma_start3A_951 = arith.constant 0 : i32
      %dma_start3A_952 = tpu.memref_slice %arg7[%dma_start3A_941, %dma_start3A_950, %dma_start3A_951] : memref<4x80x128xf32, #tpu.memory_space<vmem>> -> memref<1x80x128xf32, #tpu.memory_space<vmem>>
      %dma_start3A_953 = tpu.memref_squeeze %dma_start3A_952 : memref<1x80x128xf32, #tpu.memory_space<vmem>> -> memref<80x128xf32, #tpu.memory_space<vmem>>
      tpu.enqueue_dma source(%dma_start3A_953 : memref<80x128xf32, #tpu.memory_space<vmem>>) target(%dma_start3A_949 : memref<80x128xf32, #tpu.memory_space<hbm>>) target_semaphore(%arg21 : memref<!tpu.dma_semaphore, #tpu.memory_space<semaphore_mem>>)
      %add3A_954 = arith.constant 2 : i32
      %add3A_955 = arith.addi %add3A_897, %add3A_954 : i32
      %lt3A_956 = arith.constant 125 : i32
      %lt3A_957 = arith.cmpi slt, %add3A_955, %lt3A_956 : i32
      %convert_element_type3A_958 = arith.extui %lt3A_957 : i1 to i32
      %cond3A_959 = arith.constant 0 : i32
      %cond3A_960 = arith.cmpi ne, %convert_element_type3A_958, %cond3A_959 : i32
      scf.if %cond3A_960 {
        %dma_wait3A_961 = arith.constant 1 : i32
        %dma_wait3A_962 = arith.constant 1 : i32
        %dma_wait3A_963 = arith.constant 0 : i32
        %dma_wait3A_964 = arith.constant 0 : i32
        %dma_wait3A_965 = arith.constant 0 : i32
        %dma_wait3A_966 = tpu.memref_slice %arg7[%dma_wait3A_961, %dma_wait3A_964, %dma_wait3A_965] : memref<4x80x128xf32, #tpu.memory_space<vmem>> -> memref<1x80x128xf32, #tpu.memory_space<vmem>>
        %dma_wait3A_967 = tpu.memref_squeeze %dma_wait3A_966 : memref<1x80x128xf32, #tpu.memory_space<vmem>> -> memref<80x128xf32, #tpu.memory_space<vmem>>
        %dma_wait3A_968 = arith.constant 0 : i32
        %dma_wait3A_969 = tpu.memref_slice %arg6[%dma_wait3A_962, %dma_wait3A_963, %dma_wait3A_968] : memref<4x1x80xi32, #tpu.memory_space<vmem>> -> memref<1x1x80xi32, #tpu.memory_space<vmem>>
        %dma_wait3A_970 = tpu.memref_squeeze %dma_wait3A_969 : memref<1x1x80xi32, #tpu.memory_space<vmem>> -> memref<80xi32, #tpu.memory_space<vmem>>
        %dma_wait3A_971 = arith.constant 0 : i32
        %dma_wait3A_972 = arith.constant 0 : i32
        %dma_wait3A_973 = tpu.memref_slice %arg9[%dma_wait3A_971, %dma_wait3A_972] : memref<10000x128xf32, #tpu.memory_space<vmem_shared>> -> memref<10000x128xf32, #tpu.memory_space<vmem_shared>>
        tpu.wait_indirect_dma semaphore(%arg15 : memref<!tpu.dma_semaphore, #tpu.memory_space<semaphore_mem>>) src(%dma_wait3A_967 : memref<80x128xf32, #tpu.memory_space<vmem>>) dst(%dma_wait3A_973 : memref<10000x128xf32, #tpu.memory_space<vmem_shared>>)
        %dma_wait3A_974 = arith.constant 1 : i32
        %dma_wait3A_975 = arith.constant 0 : i32
        %dma_wait3A_976 = arith.constant 0 : i32
        %dma_wait3A_977 = tpu.memref_slice %arg7[%dma_wait3A_974, %dma_wait3A_975, %dma_wait3A_976] : memref<4x80x128xf32, #tpu.memory_space<vmem>> -> memref<1x80x128xf32, #tpu.memory_space<vmem>>
        %dma_wait3A_978 = tpu.memref_squeeze %dma_wait3A_977 : memref<1x80x128xf32, #tpu.memory_space<vmem>> -> memref<80x128xf32, #tpu.memory_space<vmem>>
        %dma_wait3A_979 = arith.constant 0 : i32
        %dma_wait3A_980 = arith.constant 0 : i32
        %dma_wait3A_981 = tpu.memref_slice %arg5[%dma_wait3A_979, %dma_wait3A_980] : memref<320000x128xf32, #tpu.memory_space<hbm>> -> memref<80x128xf32, #tpu.memory_space<hbm>>
        %dma_wait3A_982 = arith.constant 0 : i32
        %dma_wait3A_983 = arith.constant 0 : i32
        %dma_wait3A_984 = tpu.memref_slice %arg5[%dma_wait3A_982, %dma_wait3A_983] : memref<320000x128xf32, #tpu.memory_space<hbm>> -> memref<80x128xf32, #tpu.memory_space<hbm>>
        %dma_wait3A_985 = arith.constant 0 : i32
        %dma_wait3A_986 = arith.constant 0 : i32
        %dma_wait3A_987 = tpu.memref_slice %arg7[%dma_wait3A_974, %dma_wait3A_985, %dma_wait3A_986] : memref<4x80x128xf32, #tpu.memory_space<vmem>> -> memref<1x80x128xf32, #tpu.memory_space<vmem>>
        %dma_wait3A_988 = tpu.memref_squeeze %dma_wait3A_987 : memref<1x80x128xf32, #tpu.memory_space<vmem>> -> memref<80x128xf32, #tpu.memory_space<vmem>>
        tpu.wait_dma2 semaphore(%arg19 : memref<!tpu.dma_semaphore, #tpu.memory_space<semaphore_mem>>) src(%dma_wait3A_988 : memref<80x128xf32, #tpu.memory_space<vmem>>) dst(%dma_wait3A_984 : memref<80x128xf32, #tpu.memory_space<hbm>>)
        %add3A_989 = arith.constant 2 : i32
        %add3A_990 = arith.addi %add3A_897, %add3A_989 : i32
        %mul3A_991 = arith.constant 80 : i32
        %mul3A_992 = arith.muli %add3A_990, %mul3A_991 : i32
        %add3A_993 = arith.addi %mul3A_61, %mul3A_992 : i32
        %dma_start3A_994 = arith.constant 1 : i32
        %dma_start3A_995 = arith.constant 0 : i32
        %dma_start3A_996 = arith.constant 0 : i32
        %dma_start3A_997 = tpu.memref_slice %arg7[%dma_start3A_994, %dma_start3A_995, %dma_start3A_996] : memref<4x80x128xf32, #tpu.memory_space<vmem>> -> memref<1x80x128xf32, #tpu.memory_space<vmem>>
        %dma_start3A_998 = tpu.memref_squeeze %dma_start3A_997 : memref<1x80x128xf32, #tpu.memory_space<vmem>> -> memref<80x128xf32, #tpu.memory_space<vmem>>
        %dma_start3A_999 = arith.constant 0 : i32
        %dma_start3A_1000 = tpu.memref_slice %arg2[%add3A_993, %dma_start3A_999] : memref<320000x128xf32, #tpu.memory_space<hbm>> -> memref<80x128xf32, #tpu.memory_space<hbm>>
        %dma_start3A_1001 = arith.constant 0 : i32
        %dma_start3A_1002 = arith.constant 0 : i32
        %dma_start3A_1003 = tpu.memref_slice %arg7[%dma_start3A_994, %dma_start3A_1001, %dma_start3A_1002] : memref<4x80x128xf32, #tpu.memory_space<vmem>> -> memref<1x80x128xf32, #tpu.memory_space<vmem>>
        %dma_start3A_1004 = tpu.memref_squeeze %dma_start3A_1003 : memref<1x80x128xf32, #tpu.memory_space<vmem>> -> memref<80x128xf32, #tpu.memory_space<vmem>>
        %dma_start3A_1005 = arith.constant 0 : i32
        %dma_start3A_1006 = tpu.memref_slice %arg2[%add3A_993, %dma_start3A_1005] : memref<320000x128xf32, #tpu.memory_space<hbm>> -> memref<80x128xf32, #tpu.memory_space<hbm>>
        tpu.enqueue_dma source(%dma_start3A_1006 : memref<80x128xf32, #tpu.memory_space<hbm>>) target(%dma_start3A_1004 : memref<80x128xf32, #tpu.memory_space<vmem>>) target_semaphore(%arg11 : memref<!tpu.dma_semaphore, #tpu.memory_space<semaphore_mem>>)
        %add3A_1007 = arith.constant 320000 : i32
        %add3A_1008 = arith.addi %add3A_1007, %add3A_993 : i32
        %add3A_1009 = arith.constant 0 : i32
        %add3A_1010 = arith.addi %add3A_1008, %add3A_1009 : i32
        %dma_start3A_1011 = arith.constant 1 : i32
        %dma_start3A_1012 = arith.constant 0 : i32
        %dma_start3A_1013 = arith.constant 0 : i32
        %dma_start3A_1014 = tpu.memref_slice %arg6[%dma_start3A_1011, %dma_start3A_1012, %dma_start3A_1013] : memref<4x1x80xi32, #tpu.memory_space<vmem>> -> memref<1x1x80xi32, #tpu.memory_space<vmem>>
        %dma_start3A_1015 = tpu.memref_squeeze %dma_start3A_1014 : memref<1x1x80xi32, #tpu.memory_space<vmem>> -> memref<80xi32, #tpu.memory_space<vmem>>
        %dma_start3A_1016 = tpu.memref_slice %arg3[%add3A_1010] : memref<640000xi32, #tpu.memory_space<hbm>> -> memref<80xi32, #tpu.memory_space<hbm>>
        %dma_start3A_1017 = arith.constant 0 : i32
        %dma_start3A_1018 = tpu.memref_slice %arg6[%dma_start3A_1011, %dma_start3A_1012, %dma_start3A_1017] : memref<4x1x80xi32, #tpu.memory_space<vmem>> -> memref<1x1x80xi32, #tpu.memory_space<vmem>>
        %dma_start3A_1019 = tpu.memref_squeeze %dma_start3A_1018 : memref<1x1x80xi32, #tpu.memory_space<vmem>> -> memref<80xi32, #tpu.memory_space<vmem>>
        %dma_start3A_1020 = tpu.memref_slice %arg3[%add3A_1010] : memref<640000xi32, #tpu.memory_space<hbm>> -> memref<80xi32, #tpu.memory_space<hbm>>
        tpu.enqueue_dma source(%dma_start3A_1020 : memref<80xi32, #tpu.memory_space<hbm>>) target(%dma_start3A_1019 : memref<80xi32, #tpu.memory_space<vmem>>) target_semaphore(%arg11 : memref<!tpu.dma_semaphore, #tpu.memory_space<semaphore_mem>>)
      } else {
      }
    }
    %scan3A_515 = arith.constant 30 : i32
    %dma_wait3A_516 = arith.constant 0 : i32
    %dma_wait3A_517 = arith.constant 0 : i32
    %dma_wait3A_518 = arith.constant 0 : i32
    %dma_wait3A_519 = tpu.memref_slice %arg7[%dma_wait3A_516, %dma_wait3A_517, %dma_wait3A_518] : memref<4x80x128xf32, #tpu.memory_space<vmem>> -> memref<1x80x128xf32, #tpu.memory_space<vmem>>
    %dma_wait3A_520 = tpu.memref_squeeze %dma_wait3A_519 : memref<1x80x128xf32, #tpu.memory_space<vmem>> -> memref<80x128xf32, #tpu.memory_space<vmem>>
    %dma_wait3A_521 = arith.constant 0 : i32
    %dma_wait3A_522 = arith.constant 0 : i32
    %dma_wait3A_523 = tpu.memref_slice %arg2[%dma_wait3A_521, %dma_wait3A_522] : memref<320000x128xf32, #tpu.memory_space<hbm>> -> memref<80x128xf32, #tpu.memory_space<hbm>>
    %dma_wait3A_524 = arith.constant 0 : i32
    %dma_wait3A_525 = arith.constant 0 : i32
    %dma_wait3A_526 = tpu.memref_slice %arg7[%dma_wait3A_516, %dma_wait3A_524, %dma_wait3A_525] : memref<4x80x128xf32, #tpu.memory_space<vmem>> -> memref<1x80x128xf32, #tpu.memory_space<vmem>>
    %dma_wait3A_527 = tpu.memref_squeeze %dma_wait3A_526 : memref<1x80x128xf32, #tpu.memory_space<vmem>> -> memref<80x128xf32, #tpu.memory_space<vmem>>
    %dma_wait3A_528 = arith.constant 0 : i32
    %dma_wait3A_529 = arith.constant 0 : i32
    %dma_wait3A_530 = tpu.memref_slice %arg2[%dma_wait3A_528, %dma_wait3A_529] : memref<320000x128xf32, #tpu.memory_space<hbm>> -> memref<80x128xf32, #tpu.memory_space<hbm>>
    tpu.wait_dma2 semaphore(%arg10 : memref<!tpu.dma_semaphore, #tpu.memory_space<semaphore_mem>>) src(%dma_wait3A_530 : memref<80x128xf32, #tpu.memory_space<hbm>>) dst(%dma_wait3A_527 : memref<80x128xf32, #tpu.memory_space<vmem>>)
    %dma_wait3A_531 = arith.constant 0 : i32
    %dma_wait3A_532 = arith.constant 0 : i32
    %dma_wait3A_533 = arith.constant 0 : i32
    %dma_wait3A_534 = tpu.memref_slice %arg6[%dma_wait3A_531, %dma_wait3A_532, %dma_wait3A_533] : memref<4x1x80xi32, #tpu.memory_space<vmem>> -> memref<1x1x80xi32, #tpu.memory_space<vmem>>
    %dma_wait3A_535 = tpu.memref_squeeze %dma_wait3A_534 : memref<1x1x80xi32, #tpu.memory_space<vmem>> -> memref<80xi32, #tpu.memory_space<vmem>>
    %dma_wait3A_536 = arith.constant 0 : i32
    %dma_wait3A_537 = tpu.memref_slice %arg3[%dma_wait3A_536] : memref<640000xi32, #tpu.memory_space<hbm>> -> memref<80xi32, #tpu.memory_space<hbm>>
    %dma_wait3A_538 = arith.constant 0 : i32
    %dma_wait3A_539 = tpu.memref_slice %arg6[%dma_wait3A_531, %dma_wait3A_532, %dma_wait3A_538] : memref<4x1x80xi32, #tpu.memory_space<vmem>> -> memref<1x1x80xi32, #tpu.memory_space<vmem>>
    %dma_wait3A_540 = tpu.memref_squeeze %dma_wait3A_539 : memref<1x1x80xi32, #tpu.memory_space<vmem>> -> memref<80xi32, #tpu.memory_space<vmem>>
    %dma_wait3A_541 = arith.constant 0 : i32
    %dma_wait3A_542 = tpu.memref_slice %arg3[%dma_wait3A_541] : memref<640000xi32, #tpu.memory_space<hbm>> -> memref<80xi32, #tpu.memory_space<hbm>>
    tpu.wait_dma2 semaphore(%arg10 : memref<!tpu.dma_semaphore, #tpu.memory_space<semaphore_mem>>) src(%dma_wait3A_542 : memref<80xi32, #tpu.memory_space<hbm>>) dst(%dma_wait3A_540 : memref<80xi32, #tpu.memory_space<vmem>>)
    %dma_start3A_543 = arith.constant 0 : i32
    %dma_start3A_544 = arith.constant 0 : i32
    %dma_start3A_545 = arith.constant 0 : i32
    %dma_start3A_546 = arith.constant 0 : i32
    %dma_start3A_547 = arith.constant 0 : i32
    %dma_start3A_548 = tpu.memref_slice %arg7[%dma_start3A_543, %dma_start3A_546, %dma_start3A_547] : memref<4x80x128xf32, #tpu.memory_space<vmem>> -> memref<1x80x128xf32, #tpu.memory_space<vmem>>
    %dma_start3A_549 = tpu.memref_squeeze %dma_start3A_548 : memref<1x80x128xf32, #tpu.memory_space<vmem>> -> memref<80x128xf32, #tpu.memory_space<vmem>>
    %dma_start3A_550 = arith.constant 0 : i32
    %dma_start3A_551 = tpu.memref_slice %arg6[%dma_start3A_544, %dma_start3A_545, %dma_start3A_550] : memref<4x1x80xi32, #tpu.memory_space<vmem>> -> memref<1x1x80xi32, #tpu.memory_space<vmem>>
    %dma_start3A_552 = tpu.memref_squeeze %dma_start3A_551 : memref<1x1x80xi32, #tpu.memory_space<vmem>> -> memref<80xi32, #tpu.memory_space<vmem>>
    %dma_start3A_553 = arith.constant 0 : i32
    %dma_start3A_554 = arith.constant 0 : i32
    %dma_start3A_555 = tpu.memref_slice %arg9[%dma_start3A_553, %dma_start3A_554] : memref<10000x128xf32, #tpu.memory_space<vmem_shared>> -> memref<10000x128xf32, #tpu.memory_space<vmem_shared>>
    tpu.enqueue_indirect_dma source(%dma_start3A_549 : memref<80x128xf32, #tpu.memory_space<vmem>>) target(%dma_start3A_555 : memref<10000x128xf32, #tpu.memory_space<vmem_shared>>) offsets(%dma_start3A_552 : memref<80xi32, #tpu.memory_space<vmem>>) semaphore(%arg14 : memref<!tpu.dma_semaphore, #tpu.memory_space<semaphore_mem>>) {add = true}
    %add3A_556 = arith.constant 9920 : i32
    %add3A_557 = arith.addi %mul3A_61, %add3A_556 : i32
    %dma_start3A_558 = arith.constant 0 : i32
    %dma_start3A_559 = arith.constant 0 : i32
    %dma_start3A_560 = arith.constant 0 : i32
    %dma_start3A_561 = tpu.memref_slice %arg7[%dma_start3A_558, %dma_start3A_559, %dma_start3A_560] : memref<4x80x128xf32, #tpu.memory_space<vmem>> -> memref<1x80x128xf32, #tpu.memory_space<vmem>>
    %dma_start3A_562 = tpu.memref_squeeze %dma_start3A_561 : memref<1x80x128xf32, #tpu.memory_space<vmem>> -> memref<80x128xf32, #tpu.memory_space<vmem>>
    %dma_start3A_563 = arith.constant 0 : i32
    %dma_start3A_564 = tpu.memref_slice %arg5[%add3A_557, %dma_start3A_563] : memref<320000x128xf32, #tpu.memory_space<hbm>> -> memref<80x128xf32, #tpu.memory_space<hbm>>
    %dma_start3A_565 = arith.constant 0 : i32
    %dma_start3A_566 = tpu.memref_slice %arg5[%add3A_557, %dma_start3A_565] : memref<320000x128xf32, #tpu.memory_space<hbm>> -> memref<80x128xf32, #tpu.memory_space<hbm>>
    %dma_start3A_567 = arith.constant 0 : i32
    %dma_start3A_568 = arith.constant 0 : i32
    %dma_start3A_569 = tpu.memref_slice %arg7[%dma_start3A_558, %dma_start3A_567, %dma_start3A_568] : memref<4x80x128xf32, #tpu.memory_space<vmem>> -> memref<1x80x128xf32, #tpu.memory_space<vmem>>
    %dma_start3A_570 = tpu.memref_squeeze %dma_start3A_569 : memref<1x80x128xf32, #tpu.memory_space<vmem>> -> memref<80x128xf32, #tpu.memory_space<vmem>>
    tpu.enqueue_dma source(%dma_start3A_570 : memref<80x128xf32, #tpu.memory_space<vmem>>) target(%dma_start3A_566 : memref<80x128xf32, #tpu.memory_space<hbm>>) target_semaphore(%arg18 : memref<!tpu.dma_semaphore, #tpu.memory_space<semaphore_mem>>)
    %dma_wait3A_571 = arith.constant 0 : i32
    %dma_wait3A_572 = arith.constant 0 : i32
    %dma_wait3A_573 = arith.constant 0 : i32
    %dma_wait3A_574 = arith.constant 0 : i32
    %dma_wait3A_575 = arith.constant 0 : i32
    %dma_wait3A_576 = tpu.memref_slice %arg7[%dma_wait3A_571, %dma_wait3A_574, %dma_wait3A_575] : memref<4x80x128xf32, #tpu.memory_space<vmem>> -> memref<1x80x128xf32, #tpu.memory_space<vmem>>
    %dma_wait3A_577 = tpu.memref_squeeze %dma_wait3A_576 : memref<1x80x128xf32, #tpu.memory_space<vmem>> -> memref<80x128xf32, #tpu.memory_space<vmem>>
    %dma_wait3A_578 = arith.constant 0 : i32
    %dma_wait3A_579 = tpu.memref_slice %arg6[%dma_wait3A_572, %dma_wait3A_573, %dma_wait3A_578] : memref<4x1x80xi32, #tpu.memory_space<vmem>> -> memref<1x1x80xi32, #tpu.memory_space<vmem>>
    %dma_wait3A_580 = tpu.memref_squeeze %dma_wait3A_579 : memref<1x1x80xi32, #tpu.memory_space<vmem>> -> memref<80xi32, #tpu.memory_space<vmem>>
    %dma_wait3A_581 = arith.constant 0 : i32
    %dma_wait3A_582 = arith.constant 0 : i32
    %dma_wait3A_583 = tpu.memref_slice %arg9[%dma_wait3A_581, %dma_wait3A_582] : memref<10000x128xf32, #tpu.memory_space<vmem_shared>> -> memref<10000x128xf32, #tpu.memory_space<vmem_shared>>
    tpu.wait_indirect_dma semaphore(%arg14 : memref<!tpu.dma_semaphore, #tpu.memory_space<semaphore_mem>>) src(%dma_wait3A_577 : memref<80x128xf32, #tpu.memory_space<vmem>>) dst(%dma_wait3A_583 : memref<10000x128xf32, #tpu.memory_space<vmem_shared>>)
    %dma_wait3A_584 = arith.constant 0 : i32
    %dma_wait3A_585 = arith.constant 0 : i32
    %dma_wait3A_586 = arith.constant 0 : i32
    %dma_wait3A_587 = tpu.memref_slice %arg7[%dma_wait3A_584, %dma_wait3A_585, %dma_wait3A_586] : memref<4x80x128xf32, #tpu.memory_space<vmem>> -> memref<1x80x128xf32, #tpu.memory_space<vmem>>
    %dma_wait3A_588 = tpu.memref_squeeze %dma_wait3A_587 : memref<1x80x128xf32, #tpu.memory_space<vmem>> -> memref<80x128xf32, #tpu.memory_space<vmem>>
    %dma_wait3A_589 = arith.constant 0 : i32
    %dma_wait3A_590 = arith.constant 0 : i32
    %dma_wait3A_591 = tpu.memref_slice %arg5[%dma_wait3A_589, %dma_wait3A_590] : memref<320000x128xf32, #tpu.memory_space<hbm>> -> memref<80x128xf32, #tpu.memory_space<hbm>>
    %dma_wait3A_592 = arith.constant 0 : i32
    %dma_wait3A_593 = arith.constant 0 : i32
    %dma_wait3A_594 = tpu.memref_slice %arg5[%dma_wait3A_592, %dma_wait3A_593] : memref<320000x128xf32, #tpu.memory_space<hbm>> -> memref<80x128xf32, #tpu.memory_space<hbm>>
    %dma_wait3A_595 = arith.constant 0 : i32
    %dma_wait3A_596 = arith.constant 0 : i32
    %dma_wait3A_597 = tpu.memref_slice %arg7[%dma_wait3A_584, %dma_wait3A_595, %dma_wait3A_596] : memref<4x80x128xf32, #tpu.memory_space<vmem>> -> memref<1x80x128xf32, #tpu.memory_space<vmem>>
    %dma_wait3A_598 = tpu.memref_squeeze %dma_wait3A_597 : memref<1x80x128xf32, #tpu.memory_space<vmem>> -> memref<80x128xf32, #tpu.memory_space<vmem>>
    tpu.wait_dma2 semaphore(%arg18 : memref<!tpu.dma_semaphore, #tpu.memory_space<semaphore_mem>>) src(%dma_wait3A_598 : memref<80x128xf32, #tpu.memory_space<vmem>>) dst(%dma_wait3A_594 : memref<80x128xf32, #tpu.memory_space<hbm>>)
    %dma_wait3A_599 = arith.constant 1 : i32
    %dma_wait3A_600 = arith.constant 1 : i32
    %dma_wait3A_601 = arith.constant 0 : i32
    %dma_wait3A_602 = arith.constant 0 : i32
    %dma_wait3A_603 = arith.constant 0 : i32
    %dma_wait3A_604 = tpu.memref_slice %arg7[%dma_wait3A_599, %dma_wait3A_602, %dma_wait3A_603] : memref<4x80x128xf32, #tpu.memory_space<vmem>> -> memref<1x80x128xf32, #tpu.memory_space<vmem>>
    %dma_wait3A_605 = tpu.memref_squeeze %dma_wait3A_604 : memref<1x80x128xf32, #tpu.memory_space<vmem>> -> memref<80x128xf32, #tpu.memory_space<vmem>>
    %dma_wait3A_606 = arith.constant 0 : i32
    %dma_wait3A_607 = tpu.memref_slice %arg6[%dma_wait3A_600, %dma_wait3A_601, %dma_wait3A_606] : memref<4x1x80xi32, #tpu.memory_space<vmem>> -> memref<1x1x80xi32, #tpu.memory_space<vmem>>
    %dma_wait3A_608 = tpu.memref_squeeze %dma_wait3A_607 : memref<1x1x80xi32, #tpu.memory_space<vmem>> -> memref<80xi32, #tpu.memory_space<vmem>>
    %dma_wait3A_609 = arith.constant 0 : i32
    %dma_wait3A_610 = arith.constant 0 : i32
    %dma_wait3A_611 = tpu.memref_slice %arg9[%dma_wait3A_609, %dma_wait3A_610] : memref<10000x128xf32, #tpu.memory_space<vmem_shared>> -> memref<10000x128xf32, #tpu.memory_space<vmem_shared>>
    tpu.wait_indirect_dma semaphore(%arg15 : memref<!tpu.dma_semaphore, #tpu.memory_space<semaphore_mem>>) src(%dma_wait3A_605 : memref<80x128xf32, #tpu.memory_space<vmem>>) dst(%dma_wait3A_611 : memref<10000x128xf32, #tpu.memory_space<vmem_shared>>)
    %dma_wait3A_612 = arith.constant 1 : i32
    %dma_wait3A_613 = arith.constant 0 : i32
    %dma_wait3A_614 = arith.constant 0 : i32
    %dma_wait3A_615 = tpu.memref_slice %arg7[%dma_wait3A_612, %dma_wait3A_613, %dma_wait3A_614] : memref<4x80x128xf32, #tpu.memory_space<vmem>> -> memref<1x80x128xf32, #tpu.memory_space<vmem>>
    %dma_wait3A_616 = tpu.memref_squeeze %dma_wait3A_615 : memref<1x80x128xf32, #tpu.memory_space<vmem>> -> memref<80x128xf32, #tpu.memory_space<vmem>>
    %dma_wait3A_617 = arith.constant 0 : i32
    %dma_wait3A_618 = arith.constant 0 : i32
    %dma_wait3A_619 = tpu.memref_slice %arg5[%dma_wait3A_617, %dma_wait3A_618] : memref<320000x128xf32, #tpu.memory_space<hbm>> -> memref<80x128xf32, #tpu.memory_space<hbm>>
    %dma_wait3A_620 = arith.constant 0 : i32
    %dma_wait3A_621 = arith.constant 0 : i32
    %dma_wait3A_622 = tpu.memref_slice %arg5[%dma_wait3A_620, %dma_wait3A_621] : memref<320000x128xf32, #tpu.memory_space<hbm>> -> memref<80x128xf32, #tpu.memory_space<hbm>>
    %dma_wait3A_623 = arith.constant 0 : i32
    %dma_wait3A_624 = arith.constant 0 : i32
    %dma_wait3A_625 = tpu.memref_slice %arg7[%dma_wait3A_612, %dma_wait3A_623, %dma_wait3A_624] : memref<4x80x128xf32, #tpu.memory_space<vmem>> -> memref<1x80x128xf32, #tpu.memory_space<vmem>>
    %dma_wait3A_626 = tpu.memref_squeeze %dma_wait3A_625 : memref<1x80x128xf32, #tpu.memory_space<vmem>> -> memref<80x128xf32, #tpu.memory_space<vmem>>
    tpu.wait_dma2 semaphore(%arg19 : memref<!tpu.dma_semaphore, #tpu.memory_space<semaphore_mem>>) src(%dma_wait3A_626 : memref<80x128xf32, #tpu.memory_space<vmem>>) dst(%dma_wait3A_622 : memref<80x128xf32, #tpu.memory_space<hbm>>)
    %dma_wait3A_627 = arith.constant 2 : i32
    %dma_wait3A_628 = arith.constant 2 : i32
    %dma_wait3A_629 = arith.constant 0 : i32
    %dma_wait3A_630 = arith.constant 0 : i32
    %dma_wait3A_631 = arith.constant 0 : i32
    %dma_wait3A_632 = tpu.memref_slice %arg7[%dma_wait3A_627, %dma_wait3A_630, %dma_wait3A_631] : memref<4x80x128xf32, #tpu.memory_space<vmem>> -> memref<1x80x128xf32, #tpu.memory_space<vmem>>
    %dma_wait3A_633 = tpu.memref_squeeze %dma_wait3A_632 : memref<1x80x128xf32, #tpu.memory_space<vmem>> -> memref<80x128xf32, #tpu.memory_space<vmem>>
    %dma_wait3A_634 = arith.constant 0 : i32
    %dma_wait3A_635 = tpu.memref_slice %arg6[%dma_wait3A_628, %dma_wait3A_629, %dma_wait3A_634] : memref<4x1x80xi32, #tpu.memory_space<vmem>> -> memref<1x1x80xi32, #tpu.memory_space<vmem>>
    %dma_wait3A_636 = tpu.memref_squeeze %dma_wait3A_635 : memref<1x1x80xi32, #tpu.memory_space<vmem>> -> memref<80xi32, #tpu.memory_space<vmem>>
    %dma_wait3A_637 = arith.constant 0 : i32
    %dma_wait3A_638 = arith.constant 0 : i32
    %dma_wait3A_639 = tpu.memref_slice %arg9[%dma_wait3A_637, %dma_wait3A_638] : memref<10000x128xf32, #tpu.memory_space<vmem_shared>> -> memref<10000x128xf32, #tpu.memory_space<vmem_shared>>
    tpu.wait_indirect_dma semaphore(%arg16 : memref<!tpu.dma_semaphore, #tpu.memory_space<semaphore_mem>>) src(%dma_wait3A_633 : memref<80x128xf32, #tpu.memory_space<vmem>>) dst(%dma_wait3A_639 : memref<10000x128xf32, #tpu.memory_space<vmem_shared>>)
    %dma_wait3A_640 = arith.constant 2 : i32
    %dma_wait3A_641 = arith.constant 0 : i32
    %dma_wait3A_642 = arith.constant 0 : i32
    %dma_wait3A_643 = tpu.memref_slice %arg7[%dma_wait3A_640, %dma_wait3A_641, %dma_wait3A_642] : memref<4x80x128xf32, #tpu.memory_space<vmem>> -> memref<1x80x128xf32, #tpu.memory_space<vmem>>
    %dma_wait3A_644 = tpu.memref_squeeze %dma_wait3A_643 : memref<1x80x128xf32, #tpu.memory_space<vmem>> -> memref<80x128xf32, #tpu.memory_space<vmem>>
    %dma_wait3A_645 = arith.constant 0 : i32
    %dma_wait3A_646 = arith.constant 0 : i32
    %dma_wait3A_647 = tpu.memref_slice %arg5[%dma_wait3A_645, %dma_wait3A_646] : memref<320000x128xf32, #tpu.memory_space<hbm>> -> memref<80x128xf32, #tpu.memory_space<hbm>>
    %dma_wait3A_648 = arith.constant 0 : i32
    %dma_wait3A_649 = arith.constant 0 : i32
    %dma_wait3A_650 = tpu.memref_slice %arg5[%dma_wait3A_648, %dma_wait3A_649] : memref<320000x128xf32, #tpu.memory_space<hbm>> -> memref<80x128xf32, #tpu.memory_space<hbm>>
    %dma_wait3A_651 = arith.constant 0 : i32
    %dma_wait3A_652 = arith.constant 0 : i32
    %dma_wait3A_653 = tpu.memref_slice %arg7[%dma_wait3A_640, %dma_wait3A_651, %dma_wait3A_652] : memref<4x80x128xf32, #tpu.memory_space<vmem>> -> memref<1x80x128xf32, #tpu.memory_space<vmem>>
    %dma_wait3A_654 = tpu.memref_squeeze %dma_wait3A_653 : memref<1x80x128xf32, #tpu.memory_space<vmem>> -> memref<80x128xf32, #tpu.memory_space<vmem>>
    tpu.wait_dma2 semaphore(%arg20 : memref<!tpu.dma_semaphore, #tpu.memory_space<semaphore_mem>>) src(%dma_wait3A_654 : memref<80x128xf32, #tpu.memory_space<vmem>>) dst(%dma_wait3A_650 : memref<80x128xf32, #tpu.memory_space<hbm>>)
    %dma_wait3A_655 = arith.constant 3 : i32
    %dma_wait3A_656 = arith.constant 3 : i32
    %dma_wait3A_657 = arith.constant 0 : i32
    %dma_wait3A_658 = arith.constant 0 : i32
    %dma_wait3A_659 = arith.constant 0 : i32
    %dma_wait3A_660 = tpu.memref_slice %arg7[%dma_wait3A_655, %dma_wait3A_658, %dma_wait3A_659] : memref<4x80x128xf32, #tpu.memory_space<vmem>> -> memref<1x80x128xf32, #tpu.memory_space<vmem>>
    %dma_wait3A_661 = tpu.memref_squeeze %dma_wait3A_660 : memref<1x80x128xf32, #tpu.memory_space<vmem>> -> memref<80x128xf32, #tpu.memory_space<vmem>>
    %dma_wait3A_662 = arith.constant 0 : i32
    %dma_wait3A_663 = tpu.memref_slice %arg6[%dma_wait3A_656, %dma_wait3A_657, %dma_wait3A_662] : memref<4x1x80xi32, #tpu.memory_space<vmem>> -> memref<1x1x80xi32, #tpu.memory_space<vmem>>
    %dma_wait3A_664 = tpu.memref_squeeze %dma_wait3A_663 : memref<1x1x80xi32, #tpu.memory_space<vmem>> -> memref<80xi32, #tpu.memory_space<vmem>>
    %dma_wait3A_665 = arith.constant 0 : i32
    %dma_wait3A_666 = arith.constant 0 : i32
    %dma_wait3A_667 = tpu.memref_slice %arg9[%dma_wait3A_665, %dma_wait3A_666] : memref<10000x128xf32, #tpu.memory_space<vmem_shared>> -> memref<10000x128xf32, #tpu.memory_space<vmem_shared>>
    tpu.wait_indirect_dma semaphore(%arg17 : memref<!tpu.dma_semaphore, #tpu.memory_space<semaphore_mem>>) src(%dma_wait3A_661 : memref<80x128xf32, #tpu.memory_space<vmem>>) dst(%dma_wait3A_667 : memref<10000x128xf32, #tpu.memory_space<vmem_shared>>)
    %dma_wait3A_668 = arith.constant 3 : i32
    %dma_wait3A_669 = arith.constant 0 : i32
    %dma_wait3A_670 = arith.constant 0 : i32
    %dma_wait3A_671 = tpu.memref_slice %arg7[%dma_wait3A_668, %dma_wait3A_669, %dma_wait3A_670] : memref<4x80x128xf32, #tpu.memory_space<vmem>> -> memref<1x80x128xf32, #tpu.memory_space<vmem>>
    %dma_wait3A_672 = tpu.memref_squeeze %dma_wait3A_671 : memref<1x80x128xf32, #tpu.memory_space<vmem>> -> memref<80x128xf32, #tpu.memory_space<vmem>>
    %dma_wait3A_673 = arith.constant 0 : i32
    %dma_wait3A_674 = arith.constant 0 : i32
    %dma_wait3A_675 = tpu.memref_slice %arg5[%dma_wait3A_673, %dma_wait3A_674] : memref<320000x128xf32, #tpu.memory_space<hbm>> -> memref<80x128xf32, #tpu.memory_space<hbm>>
    %dma_wait3A_676 = arith.constant 0 : i32
    %dma_wait3A_677 = arith.constant 0 : i32
    %dma_wait3A_678 = tpu.memref_slice %arg5[%dma_wait3A_676, %dma_wait3A_677] : memref<320000x128xf32, #tpu.memory_space<hbm>> -> memref<80x128xf32, #tpu.memory_space<hbm>>
    %dma_wait3A_679 = arith.constant 0 : i32
    %dma_wait3A_680 = arith.constant 0 : i32
    %dma_wait3A_681 = tpu.memref_slice %arg7[%dma_wait3A_668, %dma_wait3A_679, %dma_wait3A_680] : memref<4x80x128xf32, #tpu.memory_space<vmem>> -> memref<1x80x128xf32, #tpu.memory_space<vmem>>
    %dma_wait3A_682 = tpu.memref_squeeze %dma_wait3A_681 : memref<1x80x128xf32, #tpu.memory_space<vmem>> -> memref<80x128xf32, #tpu.memory_space<vmem>>
    tpu.wait_dma2 semaphore(%arg21 : memref<!tpu.dma_semaphore, #tpu.memory_space<semaphore_mem>>) src(%dma_wait3A_682 : memref<80x128xf32, #tpu.memory_space<vmem>>) dst(%dma_wait3A_678 : memref<80x128xf32, #tpu.memory_space<hbm>>)
    %barrier3A_683 = arith.constant 0 : index
    tpu.barrier barrier_id(%barrier3A_683)
    %mul3A_684 = arith.constant 624 : i32
    %mul3A_685 = arith.muli %arg1, %mul3A_684 : i32
    %mul3A_686 = arith.constant 624 : i32
    %mul3A_687 = arith.muli %arg1, %mul3A_686 : i32
    "tpu.region"() ({
      %run_scoped3A = tpu.sem_alloc : memref<!tpu.dma_semaphore, #tpu.memory_space<semaphore_mem>>
      %dma_start3A_693 = arith.constant 0 : i32
      %dma_start3A_694 = tpu.memref_slice %arg4[%arg0, %mul3A_687, %dma_start3A_693] : memref<2x10000x128xf32, #tpu.memory_space<hbm>> -> memref<1x624x128xf32, #tpu.memory_space<hbm>>
      %dma_start3A_695 = tpu.memref_squeeze %dma_start3A_694 : memref<1x624x128xf32, #tpu.memory_space<hbm>> -> memref<624x128xf32, #tpu.memory_space<hbm>>
      %dma_start3A_696 = arith.constant 0 : i32
      %dma_start3A_697 = tpu.memref_slice %arg9[%mul3A_685, %dma_start3A_696] : memref<10000x128xf32, #tpu.memory_space<vmem_shared>> -> memref<624x128xf32, #tpu.memory_space<vmem_shared>>
      tpu.enqueue_dma source(%dma_start3A_697 : memref<624x128xf32, #tpu.memory_space<vmem_shared>>) target(%dma_start3A_695 : memref<624x128xf32, #tpu.memory_space<hbm>>) target_semaphore(%run_scoped3A : memref<!tpu.dma_semaphore, #tpu.memory_space<semaphore_mem>>)
      %dma_wait3A_698 = arith.constant 0 : i32
      %dma_wait3A_699 = tpu.memref_slice %arg4[%arg0, %mul3A_687, %dma_wait3A_698] : memref<2x10000x128xf32, #tpu.memory_space<hbm>> -> memref<1x624x128xf32, #tpu.memory_space<hbm>>
      %dma_wait3A_700 = tpu.memref_squeeze %dma_wait3A_699 : memref<1x624x128xf32, #tpu.memory_space<hbm>> -> memref<624x128xf32, #tpu.memory_space<hbm>>
      %dma_wait3A_701 = arith.constant 0 : i32
      %dma_wait3A_702 = tpu.memref_slice %arg9[%mul3A_685, %dma_wait3A_701] : memref<10000x128xf32, #tpu.memory_space<vmem_shared>> -> memref<624x128xf32, #tpu.memory_space<vmem_shared>>
      tpu.wait_dma2 semaphore(%run_scoped3A : memref<!tpu.dma_semaphore, #tpu.memory_space<semaphore_mem>>) src(%dma_wait3A_702 : memref<624x128xf32, #tpu.memory_space<vmem_shared>>) dst(%dma_wait3A_700 : memref<624x128xf32, #tpu.memory_space<hbm>>)
      tpu.yield
    }) : () -> ()
    %eq3A_688 = arith.constant 15 : i32
    %eq3A_689 = arith.cmpi eq, %arg1, %eq3A_688 : i32
    %convert_element_type3A_690 = arith.extui %eq3A_689 : i1 to i32
    %cond3A_691 = arith.constant 0 : i32
    %cond3A_692 = arith.cmpi ne, %convert_element_type3A_690, %cond3A_691 : i32
    scf.if %cond3A_692 {
      "tpu.region"() ({
        %run_scoped3A = tpu.sem_alloc : memref<!tpu.dma_semaphore, #tpu.memory_space<semaphore_mem>>
        %dma_start3A_693 = arith.constant 9984 : i32
        %dma_start3A_694 = arith.constant 0 : i32
        %dma_start3A_695 = tpu.memref_slice %arg4[%arg0, %dma_start3A_693, %dma_start3A_694] : memref<2x10000x128xf32, #tpu.memory_space<hbm>> -> memref<1x16x128xf32, #tpu.memory_space<hbm>>
        %dma_start3A_696 = tpu.memref_squeeze %dma_start3A_695 : memref<1x16x128xf32, #tpu.memory_space<hbm>> -> memref<16x128xf32, #tpu.memory_space<hbm>>
        %dma_start3A_697 = arith.constant 9984 : i32
        %dma_start3A_698 = arith.constant 0 : i32
        %dma_start3A_699 = tpu.memref_slice %arg9[%dma_start3A_697, %dma_start3A_698] : memref<10000x128xf32, #tpu.memory_space<vmem_shared>> -> memref<16x128xf32, #tpu.memory_space<vmem_shared>>
        tpu.enqueue_dma source(%dma_start3A_699 : memref<16x128xf32, #tpu.memory_space<vmem_shared>>) target(%dma_start3A_696 : memref<16x128xf32, #tpu.memory_space<hbm>>) target_semaphore(%run_scoped3A : memref<!tpu.dma_semaphore, #tpu.memory_space<semaphore_mem>>)
        %dma_wait3A_700 = arith.constant 9984 : i32
        %dma_wait3A_701 = arith.constant 0 : i32
        %dma_wait3A_702 = tpu.memref_slice %arg4[%arg0, %dma_wait3A_700, %dma_wait3A_701] : memref<2x10000x128xf32, #tpu.memory_space<hbm>> -> memref<1x16x128xf32, #tpu.memory_space<hbm>>
        %dma_wait3A_703 = tpu.memref_squeeze %dma_wait3A_702 : memref<1x16x128xf32, #tpu.memory_space<hbm>> -> memref<16x128xf32, #tpu.memory_space<hbm>>
        %dma_wait3A_704 = arith.constant 9984 : i32
        %dma_wait3A_705 = arith.constant 0 : i32
        %dma_wait3A_706 = tpu.memref_slice %arg9[%dma_wait3A_704, %dma_wait3A_705] : memref<10000x128xf32, #tpu.memory_space<vmem_shared>> -> memref<16x128xf32, #tpu.memory_space<vmem_shared>>
        tpu.wait_dma2 semaphore(%run_scoped3A : memref<!tpu.dma_semaphore, #tpu.memory_space<semaphore_mem>>) src(%dma_wait3A_706 : memref<16x128xf32, #tpu.memory_space<vmem_shared>>) dst(%dma_wait3A_703 : memref<16x128xf32, #tpu.memory_space<hbm>>)
        tpu.yield
      }) : () -> ()
    } else {
    }
    return
  }
}

module attributes {stable_mosaic.version = 14 : i64} {
  func.func @_tc_mlp_body(%arg0: memref<10000x128xf32, #tpu.memory_space<vmem>>, %arg1: memref<2x10000x128xf32, #tpu.memory_space<vmem>>, %arg2: memref<128x128xf32, #tpu.memory_space<vmem>>, %arg3: memref<128x128xf32, #tpu.memory_space<vmem>>, %arg4: memref<1x128xf32, #tpu.memory_space<vmem>>, %arg5: memref<10000x128xf32, #tpu.memory_space<vmem>>) attributes {dimension_semantics = [], scalar_prefetch = 0 : i64, scratch_operands = 0 : i64, tpu.core_type = #tpu.core_type<tc>} {
    %get3A = arith.constant 0 : index
    %get3A_0 = arith.constant 0 : index
    %get3A_1 = arith.constant 0 : index
    %get3A_2 = vector.load %arg1[%get3A, %get3A_0, %get3A_1] : memref<2x10000x128xf32, #tpu.memory_space<vmem>>, vector<1x10000x128xf32>
    %get3A_3 = vector.shape_cast %get3A_2 : vector<1x10000x128xf32> to vector<10000x128xf32>
    %get3A_4 = arith.constant 1 : index
    %get3A_5 = arith.constant 0 : index
    %get3A_6 = arith.constant 0 : index
    %get3A_7 = vector.load %arg1[%get3A_4, %get3A_5, %get3A_6] : memref<2x10000x128xf32, #tpu.memory_space<vmem>>, vector<1x10000x128xf32>
    %get3A_8 = vector.shape_cast %get3A_7 : vector<1x10000x128xf32> to vector<10000x128xf32>
    %add3A = arith.addf %get3A_3, %get3A_8 : vector<10000x128xf32>
    %reduce_sum3A = arith.constant dense<0.000000e+00> : vector<128xf32>
    %reduce_sum3A_9 = vector.multi_reduction <add>, %add3A, %reduce_sum3A [0] : vector<10000x128xf32> to vector<128xf32>
    %broadcast_in_dim3A = vector.shape_cast %reduce_sum3A_9 : vector<128xf32> to vector<1x128xf32>
    %mul3A = arith.constant 9.99999974E-5 : f32
    %mul3A_10 = vector.broadcast %mul3A : f32 to vector<1x128xf32>
    %mul3A_11 = arith.mulf %broadcast_in_dim3A, %mul3A_10 : vector<1x128xf32>
    %get3A_12 = arith.constant 0 : index
    %get3A_13 = arith.constant 0 : index
    %get3A_14 = vector.load %arg2[%get3A_12, %get3A_13] : memref<128x128xf32, #tpu.memory_space<vmem>>, vector<128x128xf32>
    %dot_general3A = arith.constant dense<0.000000e+00> : vector<1x128xf32>
    %dot_general3A_15 = tpu.matmul %mul3A_11, %get3A_14, %dot_general3A {dimension_numbers = #tpu.dot_dimension_numbers<[1], [0], [0], [1], [0, 0, 1, 1], [], []>, transpose_lhs_hint = false} : vector<1x128xf32>, vector<128x128xf32>, vector<1x128xf32> -> vector<1x128xf32>
    %neg3A = arith.constant 0.000000e+00 : f32
    %neg3A_16 = vector.broadcast %neg3A : f32 to vector<1x128xf32>
    %neg3A_17 = arith.subf %neg3A_16, %dot_general3A_15 : vector<1x128xf32>
    %get3A_18 = arith.constant 0 : index
    %get3A_19 = arith.constant 0 : index
    %get3A_20 = vector.load %arg0[%get3A_18, %get3A_19] : memref<10000x128xf32, #tpu.memory_space<vmem>>, vector<10000x128xf32>
    %add3A_21 = vector.broadcast %neg3A_17 : vector<1x128xf32> to vector<10000x128xf32>
    %add3A_22 = arith.addf %get3A_20, %add3A_21 : vector<10000x128xf32>
    %get3A_23 = arith.constant 0 : index
    %get3A_24 = arith.constant 0 : index
    %get3A_25 = vector.load %arg2[%get3A_23, %get3A_24] : memref<128x128xf32, #tpu.memory_space<vmem>>, vector<128x128xf32>
    %dot_general3A_26 = arith.constant dense<0.000000e+00> : vector<10000x128xf32>
    %dot_general3A_27 = tpu.matmul %add3A, %get3A_25, %dot_general3A_26 {dimension_numbers = #tpu.dot_dimension_numbers<[1], [0], [0], [1], [0, 0, 1, 1], [], []>, transpose_lhs_hint = false} : vector<10000x128xf32>, vector<128x128xf32>, vector<10000x128xf32> -> vector<10000x128xf32>
    %add3A_28 = arith.addf %add3A_22, %dot_general3A_27 : vector<10000x128xf32>
    %max3A = arith.constant 0.000000e+00 : f32
    %max3A_29 = vector.broadcast %max3A : f32 to vector<10000x128xf32>
    %max3A_30 = arith.maximumf %add3A_28, %max3A_29 : vector<10000x128xf32>
    %get3A_31 = arith.constant 0 : index
    %get3A_32 = arith.constant 0 : index
    %get3A_33 = vector.load %arg3[%get3A_31, %get3A_32] : memref<128x128xf32, #tpu.memory_space<vmem>>, vector<128x128xf32>
    %dot_general3A_34 = arith.constant dense<0.000000e+00> : vector<10000x128xf32>
    %dot_general3A_35 = tpu.matmul %max3A_30, %get3A_33, %dot_general3A_34 {dimension_numbers = #tpu.dot_dimension_numbers<[1], [0], [0], [1], [0, 0, 1, 1], [], []>, transpose_lhs_hint = false} : vector<10000x128xf32>, vector<128x128xf32>, vector<10000x128xf32> -> vector<10000x128xf32>
    %get3A_36 = arith.constant 0 : index
    %get3A_37 = arith.constant 0 : index
    %get3A_38 = vector.load %arg4[%get3A_36, %get3A_37] : memref<1x128xf32, #tpu.memory_space<vmem>>, vector<1x128xf32>
    %add3A_39 = vector.broadcast %get3A_38 : vector<1x128xf32> to vector<10000x128xf32>
    %add3A_40 = arith.addf %dot_general3A_35, %add3A_39 : vector<10000x128xf32>
    %swap3A = arith.constant 0 : index
    %swap3A_41 = arith.constant 0 : index
    %swap3A_42 = vector.load %arg5[%swap3A, %swap3A_41] : memref<10000x128xf32, #tpu.memory_space<vmem>>, vector<10000x128xf32>
    tpu.vector_store %arg5[%swap3A, %swap3A_41], %add3A_40 {strides = array<i32>} : memref<10000x128xf32, #tpu.memory_space<vmem>>, vector<10000x128xf32>,
    return
  }
}

module attributes {stable_mosaic.version = 14 : i64} {
  func.func @_tc_pre_body(%arg0: memref<10000x128xf32, #tpu.memory_space<vmem>>, %arg1: memref<128x128xf32, #tpu.memory_space<vmem>>, %arg2: memref<1x128xf32, #tpu.memory_space<vmem>>, %arg3: memref<10000x128xf32, #tpu.memory_space<vmem>>) attributes {dimension_semantics = [], scalar_prefetch = 0 : i64, scratch_operands = 0 : i64, tpu.core_type = #tpu.core_type<tc>} {
    %get3A = arith.constant 0 : index
    %get3A_0 = arith.constant 0 : index
    %get3A_1 = vector.load %arg0[%get3A, %get3A_0] : memref<10000x128xf32, #tpu.memory_space<vmem>>, vector<10000x128xf32>
    %get3A_2 = arith.constant 0 : index
    %get3A_3 = arith.constant 0 : index
    %get3A_4 = vector.load %arg1[%get3A_2, %get3A_3] : memref<128x128xf32, #tpu.memory_space<vmem>>, vector<128x128xf32>
    %dot_general3A = arith.constant dense<0.000000e+00> : vector<10000x128xf32>
    %dot_general3A_5 = tpu.matmul %get3A_1, %get3A_4, %dot_general3A {dimension_numbers = #tpu.dot_dimension_numbers<[1], [0], [0], [1], [0, 0, 1, 1], [], []>, transpose_lhs_hint = false} : vector<10000x128xf32>, vector<128x128xf32>, vector<10000x128xf32> -> vector<10000x128xf32>
    %get3A_6 = arith.constant 0 : index
    %get3A_7 = arith.constant 0 : index
    %get3A_8 = vector.load %arg2[%get3A_6, %get3A_7] : memref<1x128xf32, #tpu.memory_space<vmem>>, vector<1x128xf32>
    %add3A = vector.broadcast %get3A_8 : vector<1x128xf32> to vector<10000x128xf32>
    %add3A_9 = arith.addf %dot_general3A_5, %add3A : vector<10000x128xf32>
    %swap3A = arith.constant 0 : index
    %swap3A_10 = arith.constant 0 : index
    %swap3A_11 = vector.load %arg3[%swap3A, %swap3A_10] : memref<10000x128xf32, #tpu.memory_space<vmem>>, vector<10000x128xf32>
    tpu.vector_store %arg3[%swap3A, %swap3A_10], %add3A_9 {strides = array<i32>} : memref<10000x128xf32, #tpu.memory_space<vmem>>, vector<10000x128xf32>,
    return
  }
}

</mosaic_0001>

<sc_bundles>
// kernel: kernel.5.cloned.1.call-start
scs
__scs_entry_jumppad:
0x0: {  	(pc) =	sbr.rel $0x88, $3  }
0x1: {  	(tag) =	ssettag $0x0;
	lr =	simm.s32 $0x1  }
0x2: {  	[smem:$0x3F9A] =	sst lr;
	_ =	strace $0xD0000000  }
0x3: {  	_ = 	snop  }
0x4: {  	_ = 	snop  }
0x5: {  	_ = 	snop  }
0x6: {  	_ = 	snop  }
0x7: {  	_ = 	snop  }
__scs_overlays_trampoline_lowered:
0x8: {  	[smem:$0x3FA9] =	sst s0  }
0x9: {  	[smem:$0x3FAA] =	sst s1  }
0xa: {  	[smem:$0x3FAB] =	sst s2  }
0xb: {  	[smem:$0x3FAC] =	sst s3  }
0xc: {  	[smem:$0x3FAD] =	sst s4  }
0xd: {  	[smem:$0x3FAE] =	sst s5  }
0xe: {  	[smem:$0x3FAF] =	sst s6  }
0xf: {  	[smem:$0x3FB0] =	sst s7  }
0x10: {  	[smem:$0x3FB1] =	sst s8  }
0x11: {  	[smem:$0x3FB2] =	sst s9;
	s0 =	simm.s32 @!p0 $0x0  }
0x12: {  	s1 =	sld [smem:$0x3F98];
	s0 =	simm.s32 @p0 $0x1  }
0x13: {  	[smem:$0x3FB3] =	sst s0;
	s0 =	simm.s32 @!p1 $0x0  }
0x14: {  	s2 =	sld [smem:$0x3F97];
	s0 =	simm.s32 @p1 $0x1  }
0x15: {  	[smem:$0x3FB4] =	sst s0;
	s0 =	simm.s32 @!p2 $0x0  }
0x16: {  	s3 =	sld [smem:$0x3FDB];
	s0 =	simm.s32 @p2 $0x1  }
0x17: {  	s4 =	simm.s32 $0x1BF5;
	[smem:$0x3FB6] =	sst s0  }
0x18: {  	s0 =	sld [smem:$0x3F99];
	_ =	swait.ge [sflag:s4], $0x0  }
0x19: {  	s7 =	sld [smem:$0x3F9A]  }
0x1a: {  	s8 =	sadd.s32 $0xFFFFE003, lr  }
0x1b: {  	s9 =	sadd.s32 $0xFFFFFEF7, lr;
	s5 =	simm.s32 $0xFFFFFFFF;
	p2 =	slt.u32 s8, $0xFFFFF086  }
0x1c: {  	p1 =	slt.u32 s9, $0xF7A;
	s5 =	simm.s32 @!p2 $0x0  }
0x1d: {  	s5 =	simm.s32 @p1 $0x1;
	p0 =	seq.s32 s7, s2  }
0x1e: {  	s7 =	smul.u32 @!p0 $0xF7A, s2;
	p2 =	seq.s32 @!p0 s5, $0x0  }
0x1f: {  	s9 =	smul.u32 $0xF7A, s1;
	s8 =	simm.s32 @!p0 $0x1BF5;
	p2 =	por !p2, p0  }
0x20: {  	[sflag:s8] =	ssyncset.s32 @!p0 $0xFFFFF086;
	s6 =	sadd.s32 @!p0 s3, s7;
	s7 =	simm.s32 @!p0 $0x108  }
0x21: {  	s3 =	sadd.s32 s3, s9;
	s6 =	sadd.s32 @!p0 $0x88, s6;
	s7 =	simm.s32 @p2 $0x1082  }
0x22: {  	[simem:s7], [sflag:s8] =	dma.local @!p0 [hbm:s6], $0xF7A  }
0x23: {  	s9 =	sor.u32 $0xD0000000, s2;
	s6 =	simm.s32 $0x108;
	_ =	swait.ge @!p0 [sflag:s8], $0x0  }
0x24: {  	s3 =	sadd.s32 $0x88, s3;
	s6 =	simm.s32 @!p1 $0x1082;
	[sflag:s4] =	ssyncset.s32 $0xFFFFF086  }
0x25: {  	[simem:s6], [sflag:s4] =	dma.local [hbm:s3], $0xF7A  }
0x26: {  	[smem:$0x3F9A] =	sst s1;
	(tag) =	ssettag s2;
	_ =	strace s9  }
0x27: {  	s1 =	sld [smem:$0x3FAA]  }
0x28: {  	s2 =	sld [smem:$0x3FAB]  }
0x29: {  	s4 =	sld [smem:$0x3FAD]  }
0x2a: {  	p0 =	seq.s32 s5, $0x0;
	s5 =	sld [smem:$0x3FAE]  }
0x2b: {  	s6 =	sld [smem:$0x3FAF]  }
0x2c: {  	s7 =	sld [smem:$0x3FB0]  }
0x2d: {  	s3 =	simm.s32 $0x108;
	s8 =	sld [smem:$0x3FB1]  }
0x2e: {  	s3 =	simm.s32 @!p0 $0x1082;
	s9 =	sld [smem:$0x3FB2]  }
0x2f: {  	lr =	sadd.s32 s0, s3;
	s0 =	sld [smem:$0x3FA9]  }
0x30: {  	s3 =	sld [smem:$0x3FAC]  }
0x31: {  	[smem:$0x3FB5] =	sst s10  }
0x32: {  	s10 =	sld [smem:$0x3FB3];
	_ =	sdelay $0x3  }
0x33: {  	p0 =	seq.s32 s10, $0x1;
	s10 =	sld [smem:$0x3FB5];
	_ =	sdelay $0x3  }
0x34: {  	[smem:$0x3FB5] =	sst s10  }
0x35: {  	s10 =	sld [smem:$0x3FB4];
	_ =	sdelay $0x3  }
0x36: {  	p1 =	seq.s32 s10, $0x1;
	s10 =	sld [smem:$0x3FB5];
	_ =	sdelay $0x3  }
0x37: {  	[smem:$0x3FB5] =	sst s10  }
0x38: {  	s10 =	sld [smem:$0x3FB6]  }
0x39: {  	_ = 	snop;
	(pc) =	sbr.ind lr, $3  }
0x3a: {  	_ = 	snop  }
0x3b: {  	_ = 	snop  }
0x3c: {  	p2 =	seq.s32 s10, $0x1;
	s10 =	sld [smem:$0x3FB5]  }
0x3d: {  	_ =	shalt  }
0x3e: {  	_ =	shalt  }
0x3f: {  	_ =	shalt  }
0x40: {  	_ =	shalt  }
0x41: {  	_ =	shalt  }
0x42: {  	_ =	shalt  }
0x43: {  	_ =	shalt  }
0x44: {  	_ =	shalt  }
0x45: {  	_ =	shalt  }
0x46: {  	_ =	shalt  }
0x47: {  	_ =	shalt  }
0x48: {  	_ =	shalt  }
0x49: {  	_ =	shalt  }
0x4a: {  	_ =	shalt  }
0x4b: {  	_ =	shalt  }
0x4c: {  	_ =	shalt  }
0x4d: {  	_ =	shalt  }
0x4e: {  	_ =	shalt  }
0x4f: {  	_ =	shalt  }
0x50: {  	_ =	shalt  }
0x51: {  	_ =	shalt  }
0x52: {  	_ =	shalt  }
0x53: {  	_ =	shalt  }
0x54: {  	_ =	shalt  }
0x55: {  	_ =	shalt  }
0x56: {  	_ =	shalt  }
0x57: {  	_ =	shalt  }
0x58: {  	_ =	shalt  }
0x59: {  	_ =	shalt  }
0x5a: {  	_ =	shalt  }
0x5b: {  	_ =	shalt  }
0x5c: {  	_ =	shalt  }
0x5d: {  	_ =	shalt  }
0x5e: {  	_ =	shalt  }
0x5f: {  	_ =	shalt  }
0x60: {  	_ =	shalt  }
0x61: {  	_ =	shalt  }
0x62: {  	_ =	shalt  }
0x63: {  	_ =	shalt  }
0x64: {  	_ =	shalt  }
0x65: {  	_ =	shalt  }
0x66: {  	_ =	shalt  }
0x67: {  	_ =	shalt  }
0x68: {  	_ =	shalt  }
0x69: {  	_ =	shalt  }
0x6a: {  	_ =	shalt  }
0x6b: {  	_ =	shalt  }
0x6c: {  	_ =	shalt  }
0x6d: {  	_ =	shalt  }
0x6e: {  	_ =	shalt  }
0x6f: {  	_ =	shalt  }
0x70: {  	_ =	shalt  }
0x71: {  	_ =	shalt  }
0x72: {  	_ =	shalt  }
0x73: {  	_ =	shalt  }
0x74: {  	_ =	shalt  }
0x75: {  	_ =	shalt  }
0x76: {  	_ =	shalt  }
0x77: {  	_ =	shalt  }
0x78: {  	_ =	shalt  }
0x79: {  	_ =	shalt  }
0x7a: {  	_ =	shalt  }
0x7b: {  	_ =	shalt  }
0x7c: {  	_ =	shalt  }
0x7d: {  	_ =	shalt  }
0x7e: {  	_ =	shalt  }
0x7f: {  	_ =	shalt  }
0x80: {  	_ =	shalt  }
0x81: {  	_ =	shalt  }
0x82: {  	_ =	shalt  }
0x83: {  	_ =	shalt  }
0x84: {  	_ =	shalt  }
0x85: {  	_ =	shalt  }
0x86: {  	_ =	shalt  }
0x87: {  	_ =	shalt  }
.Lfunc_end0:
.L_simem_size_0:
called_computation_lowered:
.L_overlay_start_0:
0x88: {  	s2 =	sld [smem:$0x3FD9]  }
0x89: {  	s3 =	sld [smem:$0x3FFE];
	_ =	sdelay $0x1  }
0x8a: {  	s1 =	srdreg.scid  }
0x8b: {  	s0 =	sand.u32 $0x1, s1  }
0x8c: {  	s14 =	sshll.u32 s0, $0xA;
	s2 =	sadd.s32 s3, s2  }
0x8d: {  	s2 =	sadd.s32 s2, s14  }
0x8e: {  	[smem:$0x3FC1] =	sst s2  }
0x8f: {  	_ = 	snop  }
0x90: {  	s2 =	sld [smem:$0x3FD0];
	_ =	sdelay $0x2  }
0x91: {  	s4 =	simm.s32 $0xA;
	s5 =	simm.s32 $0x10;
	s15 =	sld [smem:$0x3FC7]  }
0x92: {  	[smem:s5], [sflag:s4] =	dma.local [hbm:s2], $0x1  }
0x93: {  	_ =	swait.eq [sflag:s4], $0x1  }
0x94: {  	[sflag:s4] =	ssyncset.done $0x0  }
0x95: {  	s16 =	sld [smem:$0x11];
	[sflag:s4] =	ssyncadd.s32 $0xFFFFFFFF  }
0x96: {  	s17 =	sld [smem:$0x12];
	(tm) =	ssettm $0x1  }
0x97: {  	s18 =	sld [smem:$0x3FFB];
	_ =	sdelay $0x3  }
0x98: {  	_ =	strace s18  }
0x99: {  	s5 =	sld [smem:$0x3FFC];
	_ =	sdelay $0x3  }
0x9a: {  	_ =	strace s5  }
0x9b: {  	s5 =	sld [smem:$0x3FFD];
	_ =	sdelay $0x3  }
0x9c: {  	_ =	strace s5  }
0x9d: {  	_ =	strace $0x8FFFFFFF  }
0x9e: {  	s19 =	sld [smem:$0x3FDB];
	_ =	sdelay $0x1  }
0x9f: {  	s6 =	simm.s32 $_scs_section_size  }
0xa0: {  	s7 =	simm.s32 $_size__tile_overlayer_lowered;
	s8 =	simm.s32 $_tile_overlayer_lowered  }
0xa1: {  	s22 =	simm.s32 $0x1BFF;
	s21 =	sshll.u32 s8, $0x1;
	s5 =	sadd.s32 s6, s19  }
0xa2: {  	s9 =	simm.s32 $0x0;
	s20 =	sshll.u32 s7, $0x1;
	s7 =	sadd.s32 s21, s5  }
0xa3: {  	[timem:s9], [sflag:s22] =	dma.local [hbm:s7], s20  }
0xa4: {  	_ =	swait.ge [sflag:s22], s20  }
0xa5: {  	s6 =	ssub.s32 $0x0, s20;
	[sflag:s22] =	ssyncset.done $0x0  }
0xa6: {  	[sflag:s22] =	ssyncadd.s32 s6;
	_ =	sdelay $0x1  }
0xa7: {  	s23 =	simm.s32 $0x1B8B  }
0xa8: {  	_ =	swait.ge [sflag:s23], $0x1  }
0xa9: {  	[sflag:s23] =	ssyncset.done $0x0  }
0xaa: {  	s25 =	simm.s32 $0x1B8E;
	s24 =	sld [smem:$0x3FFE];
	[sflag:s23] =	ssyncadd.s32 $0xFFFFFFFF  }
0xab: {  	s26 =	simm.s32 $execute0_lowered;
	[smem:$0x3FD2] =	sst s25  }
0xac: {  	s7 =	sshll.u32 s26, $0x1;
	_ =	strace $0x80000046;
	[dreg:$0x1] =	wrdreg $0xFFFFFFFF  }
0xad: {  	s28 =	simm.s32 $_size_execute0_lowered;
	s5 =	sadd.s32 s5, s7;
	[dreg:$0x0] =	wrdreg $0x0  }
0xae: {  	s7 =	sshll.u32 s28, $0x1;
	[dreg:$0x2] =	wrdreg s5  }
0xaf: {  	[dreg:$0x3] =	wrdreg s7  }
0xb0: {  	[dreg:$0x4] =	wrdreg $0xC0  }
0xb1: {  	_ =	task [dreg:s9], $0x5FFFF  }
0xb2: {  	[dreg:$0x1] =	wrdreg $0xFFFFFFFF  }
0xb3: {  	[dreg:$0x0] =	wrdreg $0x60  }
0xb4: {  	[dreg:$0x2] =	wrdreg s15  }
0xb5: {  	[dreg:$0x3] =	wrdreg s16  }
0xb6: {  	[dreg:$0x4] =	wrdreg s24  }
0xb7: {  	[dreg:$0x5] =	wrdreg s17  }
0xb8: {  	[dreg:$0x6] =	wrdreg $0xBA000  }
0xb9: {  	[dreg:$0x7] =	wrdreg $0x9  }
0xba: {  	_ =	task.clear_ibuf [dreg:s9], $0x8FFFF;
	_ =	strace $0x90000046  }
0xbb: {  	s29 =	simm.s32 $0x9;
	_ =	strace $0x80000048  }
0xbc: {  	_ =	swait.ge [sflag:s29], $0x1  }
0xbd: {  	[sflag:s29] =	ssyncadd.s32 $0xFFFFFFFF  }
0xbe: {  	_ =	strace $0x90000048  }
0xbf: {  	_ =	sfence  }
0xc0: {  	s30 =	sld [smem:$0x0];
	_ =	sdelay $0x2  }
0xc1: {  	s31 =	sshll.u32 s1, $0xD;
	s1 =	sshrl.u32 s1, $0x2  }
0xc2: {  	s3 =	sand.u32 $0x4000, s31;
	s1 =	sadd.s32 s1, s30  }
0xc3: {  	s0 =	sor.u32 s3, s0;
	s1 =	sshll.u32 s1, $0x11  }
0xc4: {  	s0 =	sor.u32 s1, s0  }
0xc5: {  	s0 =	sadd.s32 $0x8F2B, s0  }
0xc6: {  	[sflag:s0] =	ssyncadd.remote.s32 $0x1  }
0xc7: {  	_ =	sfence.sel $0xFFFF  }
0xc8: {  	[dreg:$0x0] =	wrdreg $0xFFFFFFFF;
	(pc) =	sbr.abs _section_cstart, $3  }
0xc9: {  	[dreg:$0x1] =	wrdreg $0xFFFFFFFF  }
0xca: {  	_ =	task.clear_ibuf [dreg:s9], $0x2FFFF;
	_ =	strace $0x9FFFFFFF  }
0xcb: {  	(tm) =	ssettm $0x7FFFFFFF  }
tec
execute0_lowered:
.L_overlay_start_1:
0x0: {  	(tag) =	ssettag $0x1  }
0x1: {  	s2 =	rddreg [dreg:$0x0]  }
0x2: {  	s0 =	rddreg [dreg:$0x1]  }
0x3: {  	s4 =	rddreg [dreg:$0x2]  }
0x4: {  	s5 =	rddreg [dreg:$0x3]  }
0x5: {  	s1 =	rddreg [dreg:$0x4]  }
0x6: {  	s3 =	srdreg.scid;
	s17 =	stileid.u32  }
0x7: {  	s28 =	simm.s32 $0x2;
	s29 =	simm.s32 $0x7A00;
	s30 =	simm.s32 $0x180  }
0x8: {  	s31 =	simm.s32 $0x3;
	s6 =	sand.u32 $0x1, s3;
	s8 =	smul.u32 $0x4E000, s17  }
0x9: {  	s3 =	simm.s32 $0x0;
	s4 =	sadd.s32 $0x1E00, s4;
	s14 =	smul.u32 $0x13800, s17  }
0xa: {  	p0 =	sne.s32 s17, $0xF;
	s7 =	sshll.u32 s6, $0x4;
	[smem:$0x7FF] =	sst s3  }
0xb: {  	s9 =	ssub.s32 $0x2, s6;
	s18 =	smul.u32 $0x138800, s6;
	s7 =	sor.u32 s17, s7  }
0xc: {  	_ =	strace $0x80000047;
	s11 =	sshrl.u32 s9, $0x1;
	s10 =	smul.u32 $0x2710, s7  }
0xd: {  	s8 =	sshrl.u32 s8, $0x2;
	s12 =	smul.u32 $0x138800, s7;
	s9 =	ssub.s32 s9, s11  }
0xe: {  	s7 =	smul.u32 $0x27100, s7;
	s20 =	sadd.s32 s8, s1;
	s23 =	sadd.s32 s14, s18  }
0xf: {  	s14 =	sadd.s32 $0x3000, s20;
	[dreg:$0x6] =	wrdreg s20;
	s24 =	sshrl.u32 s10, $0x3  }
0x10: {  	s10 =	sshrl.u32 s12, $0x3;
	s25 =	sadd.s32 s2, s7;
	s7 =	sadd.s32 s5, s7  }
0x11: {  	s12 =	smax.u32 s9, $0x1;
	[smem:$0x7F2] =	sst s14;
	s14 =	sadd.s32 $0x138000, s1  }
0x12: {  	s9 =	simm.s32 $0xB;
	[dreg:$0x7] =	wrdreg s25;
	s8 =	sadd.s32 s0, s24  }
0x13: {  	s26 =	sadd.s32 $0x500, s10;
	[dreg:$0x9] =	wrdreg s7;
	s19 =	sadd.s32 $0xA00, s10  }
0x14: {  	s13 =	sadd.s32 $0xF00, s10;
	s24 =	smul.u32 $0x27100, s6;
	[dreg:$0x1f] =	wrdreg s12  }
0x15: {  	s25 =	sadd.s32 s2, s10;
	[smem:$0x7FD] =	sst s14;
	s16 =	sadd.s32 s2, s26  }
0x16: {  	s10 =	sadd.s32 s5, s10;
	s15 =	sadd.s32 s2, s19;
	[dreg:$0x8] =	wrdreg s16  }
0x17: {  	s7 =	sshrl.u32 s18, $0x3;
	s11 =	sadd.s32 s5, s26;
	[dreg:$0xa] =	wrdreg s15  }
0x18: {  	s6 =	smul.u32 $0x271000, s6;
	s21 =	sadd.s32 s2, s13;
	[dreg:$0xb] =	wrdreg s11  }
0x19: {  	s22 =	sadd.s32 s5, s19;
	s26 =	smul.u32 $0x2710, s17;
	[dreg:$0xc] =	wrdreg s21  }
0x1a: {  	s13 =	sadd.s32 s5, s13;
	s10 =	sadd.s32 $0x26C00, s10;
	[dreg:$0xd] =	wrdreg s22  }
0x1b: {  	s11 =	sshrl.u32 s23, $0x3;
	[dreg:$0xe] =	wrdreg s13;
	s16 =	smul.u32 $0x27100, s17  }
0x1c: {  	s5 =	sadd.s32 s6, s5;
	[dreg:$0x1d] =	wrdreg s10;
	s17 =	sadd.s32 $0x6000, s20  }
0x1d: {  	s2 =	sadd.s32 s6, s2;
	s11 =	sadd.s32 s4, s11;
	[smem:$0x7F4] =	sst s17  }
0x1e: {  	s13 =	sadd.s32 s26, s24;
	s24 =	sadd.s32 $0x1400, s25;
	[dreg:$0xf] =	wrdreg s11  }
0x1f: {  	s4 =	sadd.s32 s4, s7;
	s25 =	sadd.s32 $0x1900, s25;
	[dreg:$0x15] =	wrdreg s24  }
0x20: {  	s26 =	sadd.s32 $0x9C40, s8;
	s15 =	sadd.s32 $0x4E430, s13;
	[dreg:$0x16] =	wrdreg s25  }
0x21: {  	s5 =	sadd.s32 s16, s5;
	s19 =	sadd.s32 $0x4E3E0, s13;
	[dreg:$0x17] =	wrdreg s26  }
0x22: {  	s21 =	sadd.s32 $0x4E4D0, s13;
	s11 =	sadd.s32 $0x27000, s4;
	[dreg:$0x11] =	wrdreg s5  }
0x23: {  	s22 =	sadd.s32 $0x4E480, s13;
	s13 =	sadd.s32 $0x1800, s20;
	[dreg:$0x1e] =	wrdreg s11  }
0x24: {  	s10 =	simm.s32 $0x8;
	s24 =	sadd.s32 $0xF000, s20;
	[smem:$0x7F1] =	sst s13  }
0x25: {  	s16 =	sadd.s32 s16, s2;
	s25 =	sadd.s32 $0x10800, s20;
	[smem:$0x7FA] =	sst s24  }
0x26: {  	s26 =	sadd.s32 $0x12000, s20;
	s7 =	sshrl.u32 s15, $0x3;
	[smem:$0x7FB] =	sst s25  }
0x27: {  	s2 =	sshrl.u32 s19, $0x3;
	s15 =	sadd.s32 $0x4800, s20;
	[smem:$0x7FC] =	sst s26  }
0x28: {  	s5 =	sshrl.u32 s21, $0x3;
	s19 =	sadd.s32 $0x9000, s20;
	[smem:$0x7F3] =	sst s15  }
0x29: {  	s6 =	sshrl.u32 s22, $0x3;
	s21 =	sadd.s32 $0xA800, s20;
	[smem:$0x7F6] =	sst s19  }
0x2a: {  	s22 =	sadd.s32 $0xC000, s20;
	s24 =	simm.s32 $0x50;
	[smem:$0x7F7] =	sst s21  }
0x2b: {  	s25 =	simm.s32 $0x5200;
	s18 =	sadd.s32 s7, s0;
	[smem:$0x7F8] =	sst s22  }
0x2c: {  	s26 =	simm.s32 $0x100;
	s2 =	sadd.s32 s2, s0;
	[dreg:$0x10] =	wrdreg s18  }
0x2d: {  	s11 =	simm.s32 $0xC;
	s23 =	sadd.s32 s5, s0;
	[dreg:$0x12] =	wrdreg s2  }
0x2e: {  	s13 =	simm.s32 $0x0;
	s0 =	sadd.s32 s6, s0;
	[dreg:$0x13] =	wrdreg s23  }
0x2f: {  	s5 =	sadd.s32 $0x9C54, s8;
	s6 =	sadd.s32 $0x9C5E, s8;
	[dreg:$0x14] =	wrdreg s0  }
0x30: {  	s7 =	sadd.s32 $0x9C68, s8;
	s15 =	simm.s32 $0xD;
	[dreg:$0x19] =	wrdreg s5  }
0x31: {  	s22 =	simm.s32 $0x2A00;
	s19 =	simm.s32 $0x80;
	[dreg:$0x1a] =	wrdreg s6  }
0x32: {  	s2 =	sadd.s32 $0x9C4A, s8;
	[dreg:$0x1b] =	wrdreg s7;
	s8 =	sadd.s32 $0x9C72, s8  }
.Ltmp0:
0x33: {  	s18 =	sadd.s32 $0x7800, s20;
	[dreg:$0x18] =	wrdreg s2;
	(pc) =	sbr.rel .LBB2_1-.Ltmp0, $4  }
0x34: {  	s23 =	sadd.s32 $0xD800, s20;
	s0 =	simm.s32 $0x5;
	[dreg:$0x1c] =	wrdreg s8  }
0x35: {  	s5 =	simm.s32 $0x4;
	s6 =	simm.s32 $0x6;
	[smem:$0x7F5] =	sst s18  }
0x36: {  	s7 =	simm.s32 $0xA;
	[smem:$0x7F9] =	sst s23;
	s18 =	simm.s32 $0x200  }
0x37: {  	v0 =	vimm.f32 $0.0e+00;
	s23 =	simm.s32 $0x1;
	s2 =	simm.s32 $0x9;
	s8 =	simm.s32 $0x7  }
.LBB2_6:
0x38: {  	_ =	swait.ge [sflag:s23], $0x2800  }
0x39: {  	[sflag:s23] =	ssyncset.done $0x0  }
0x3a: {  	[sflag:s23] =	ssyncadd.s32 $0xFFFFD800  }
0x3b: {  	_ =	swait.ge [sflag:s23], $0x50  }
0x3c: {  	[sflag:s23] =	ssyncset.done $0x0  }
0x3d: {  	[sflag:s23] =	ssyncadd.s32 $0xFFFFFFB0  }
0x3e: {  	[spmem:s1] =	stream.indirect.scatter.add.f32 [tilespmem:s18], [sflag:$0x5], $0x80, s3, s24, $0xb8;
	[tilespmem:$0x1F280] =	vst v63  }
0x3f: {  	s4 =	rddreg [dreg:$0x1d]  }
0x40: {  	[hbm4b:s4+s3] =	stream.linear.scatter [tilespmem:s18], [sflag:$0x9], $0x2800, $0x38;
	[tilespmem:$0x1F280] =	vst v63  }
0x41: {  	_ =	swait.ge [sflag:s0], $0x2800  }
0x42: {  	[sflag:s0] =	ssyncset.done $0x0  }
0x43: {  	[sflag:s0] =	ssyncadd.s32 $0xFFFFD800  }
0x44: {  	_ =	swait.ge [sflag:s2], $0x2800  }
0x45: {  	[sflag:s2] =	ssyncset.done $0x0  }
0x46: {  	[sflag:s2] =	ssyncadd.s32 $0xFFFFD800  }
0x47: {  	_ =	swait.ge [sflag:s6], $0x2800  }
0x48: {  	[sflag:s6] =	ssyncset.done $0x0  }
0x49: {  	[sflag:s6] =	ssyncadd.s32 $0xFFFFD800  }
0x4a: {  	_ =	swait.ge [sflag:s7], $0x2800  }
0x4b: {  	[sflag:s7] =	ssyncset.done $0x0  }
0x4c: {  	[sflag:s7] =	ssyncadd.s32 $0xFFFFD800  }
0x4d: {  	_ =	swait.ge [sflag:s8], $0x2800  }
0x4e: {  	[sflag:s8] =	ssyncset.done $0x0  }
0x4f: {  	[sflag:s8] =	ssyncadd.s32 $0xFFFFD800  }
0x50: {  	_ =	swait.ge [sflag:s9], $0x2800  }
0x51: {  	[sflag:s9] =	ssyncset.done $0x0  }
0x52: {  	[sflag:s9] =	ssyncadd.s32 $0xFFFFD800  }
0x53: {  	_ =	swait.ge [sflag:s10], $0x2800  }
0x54: {  	[sflag:s10] =	ssyncset.done $0x0  }
0x55: {  	[sflag:s10] =	ssyncadd.s32 $0xFFFFD800  }
0x56: {  	_ =	swait.ge [sflag:s11], $0x2800  }
0x57: {  	[sflag:s11] =	ssyncset.done $0x0  }
0x58: {  	[sflag:s11] =	ssyncadd.s32 $0xFFFFD800  }
0x59: {  	s15 =	stileid.u32;
	[bflag:$0x0] =	sbarrier.arrive $0xFFFF  }
0x5a: {  	s4 =	sshll.u32 s15, $0x6;
	s15 =	simm.s32 $0xD;
	s20 =	rddreg [dreg:$0x6]  }
0x5b: {  	s4 =	sor.u32 $0x1C0D, s4;
	s13 =	rddreg [dreg:$0xf];
	s12 =	sshrl.u32 s20, $0x3  }
0x5c: {  	[hbm:s13], [sflag:s4] =	dma.local [spmem:s12], $0x2700  }
0x5d: {  	_ =	swait.ge [sflag:s15], $0x2700  }
0x5e: {  	s14 =	sld [smem:$0x7FD];
	_ =	sdelay $0x1  }
0x5f: {  	[sflag:s15] =	ssyncset.done $0x0  }
0x60: {  	s13 =	rddreg [dreg:$0x1e];
	[sflag:s15] =	ssyncadd.s32 $0xFFFFD900;
	s12 =	sshrl.u32 @!p0 s14, $0x3  }
0x61: {  	[hbm:s13], [sflag:s4] =	dma.local @!p0 [spmem:s12], $0x100  }
0x62: {  	s4 =	simm.s32 @!p0 $0xD  }
0x63: {  	_ =	swait.ge @!p0 [sflag:s4], $0x100  }
0x64: {  	s17 =	sld [smem:$0x7F0];
	_ =	sdelay $0x2  }
0x65: {  	s21 =	rddreg [dreg:$0x1f];
	s13 =	sadd.s32 $0x1, s17  }
0x66: {  	p1 =	sne.s32 s13, s21  }
.Ltmp1:
0x67: {  	_ = 	snop;
	(pc) =	sbr.rel @!p1 .LBB2_7-.Ltmp1, $3  }
0x68: {  	_ =	sdelay $0x1  }
0x69: {  	[sflag:s4] =	ssyncset.done @!p0 $0x0  }
0x6a: {  	[sflag:s4] =	ssyncadd.s32 @!p0 $0xFFFFFF00  }
.LBB2_1:
0x6b: {  	[smem:$0x7F0] =	sst s13;
	s4 =	simm.s32 $0x0;
	s12 =	simm.s32 $0x200  }
.LBB2_2:
0x6c: {  	p1 =	sne.s32 s12, $0x5E00;
	[tilespmem:s4+$0xA270] =	vst v0  }
0x6d: {  	[tilespmem:s4+$0xA200] =	vst v0  }
0x6e: {  	[tilespmem:s4+$0xA210] =	vst v0  }
.Ltmp2:
0x6f: {  	[tilespmem:s4+$0xA220] =	vst v0;
	(pc) =	sbr.rel @p1 .LBB2_2-.Ltmp2, $4  }
0x70: {  	[tilespmem:s4+$0xA230] =	vst v0  }
0x71: {  	[tilespmem:s4+$0xA240] =	vst v0  }
0x72: {  	[tilespmem:s4+$0xA250] =	vst v0  }
0x73: {  	[tilespmem:s4+$0xA260] =	vst v0;
	s4 =	sshra.s32 s12, $0x2;
	s12 =	sadd.s32 $0x200, s12  }
0x74: {  	[tilespmem:s4+$0xA270] =	vst v0  }
0x75: {  	[tilespmem:s4+$0xA200] =	vst v0  }
0x76: {  	[tilespmem:s4+$0xA210] =	vst v0  }
0x77: {  	[tilespmem:s4+$0xA220] =	vst v0  }
0x78: {  	[tilespmem:s4+$0xA230] =	vst v0  }
0x79: {  	[tilespmem:s4+$0xA240] =	vst v0  }
0x7a: {  	[tilespmem:s4+$0xA250] =	vst v0  }
0x7b: {  	[tilespmem:s4+$0xA260] =	vst v0;
	s12 =	simm.s32 $0xA200  }
0x7c: {  	[spmem:s20] =	stream.linear.scatter [tilespmem:s12], [sflag:$0xD], $0x1800, $0x38;
	[tilespmem:$0x1F280] =	vst v63  }
0x7d: {  	_ =	swait.ge [sflag:s15], $0x1800  }
0x7e: {  	s17 =	sld [smem:$0x7F1]  }
0x7f: {  	[sflag:s15] =	ssyncset.done $0x0  }
0x80: {  	[sflag:s15] =	ssyncadd.s32 $0xFFFFE800  }
0x81: {  	[spmem:s17] =	stream.linear.scatter [tilespmem:s12], [sflag:$0xD], $0x1800, $0x38;
	[tilespmem:$0x1F280] =	vst v63  }
0x82: {  	_ =	swait.ge [sflag:s15], $0x1800  }
0x83: {  	s20 =	sld [smem:$0x7F2]  }
0x84: {  	[sflag:s15] =	ssyncset.done $0x0  }
0x85: {  	[sflag:s15] =	ssyncadd.s32 $0xFFFFE800  }
0x86: {  	[spmem:s20] =	stream.linear.scatter [tilespmem:s12], [sflag:$0xD], $0x1800, $0x38;
	[tilespmem:$0x1F280] =	vst v63  }
0x87: {  	_ =	swait.ge [sflag:s15], $0x1800  }
0x88: {  	s21 =	sld [smem:$0x7F3]  }
0x89: {  	[sflag:s15] =	ssyncset.done $0x0  }
0x8a: {  	[sflag:s15] =	ssyncadd.s32 $0xFFFFE800  }
0x8b: {  	[spmem:s21] =	stream.linear.scatter [tilespmem:s12], [sflag:$0xD], $0x1800, $0x38;
	[tilespmem:$0x1F280] =	vst v63  }
0x8c: {  	_ =	swait.ge [sflag:s15], $0x1800  }
0x8d: {  	s13 =	sld [smem:$0x7F4]  }
0x8e: {  	[sflag:s15] =	ssyncset.done $0x0  }
0x8f: {  	[sflag:s15] =	ssyncadd.s32 $0xFFFFE800  }
0x90: {  	[spmem:s13] =	stream.linear.scatter [tilespmem:s12], [sflag:$0xD], $0x1800, $0x38;
	[tilespmem:$0x1F280] =	vst v63  }
0x91: {  	_ =	swait.ge [sflag:s15], $0x1800  }
0x92: {  	s17 =	sld [smem:$0x7F5]  }
0x93: {  	[sflag:s15] =	ssyncset.done $0x0  }
0x94: {  	[sflag:s15] =	ssyncadd.s32 $0xFFFFE800  }
0x95: {  	[spmem:s17] =	stream.linear.scatter [tilespmem:s12], [sflag:$0xD], $0x1800, $0x38;
	[tilespmem:$0x1F280] =	vst v63  }
0x96: {  	_ =	swait.ge [sflag:s15], $0x1800  }
0x97: {  	s20 =	sld [smem:$0x7F6]  }
0x98: {  	[sflag:s15] =	ssyncset.done $0x0  }
0x99: {  	[sflag:s15] =	ssyncadd.s32 $0xFFFFE800  }
0x9a: {  	[spmem:s20] =	stream.linear.scatter [tilespmem:s12], [sflag:$0xD], $0x1800, $0x38;
	[tilespmem:$0x1F280] =	vst v63  }
0x9b: {  	_ =	swait.ge [sflag:s15], $0x1800  }
0x9c: {  	s21 =	sld [smem:$0x7F7]  }
0x9d: {  	[sflag:s15] =	ssyncset.done $0x0  }
0x9e: {  	[sflag:s15] =	ssyncadd.s32 $0xFFFFE800  }
0x9f: {  	[spmem:s21] =	stream.linear.scatter [tilespmem:s12], [sflag:$0xD], $0x1800, $0x38;
	[tilespmem:$0x1F280] =	vst v63  }
0xa0: {  	_ =	swait.ge [sflag:s15], $0x1800  }
0xa1: {  	s13 =	sld [smem:$0x7F8]  }
0xa2: {  	[sflag:s15] =	ssyncset.done $0x0  }
0xa3: {  	[sflag:s15] =	ssyncadd.s32 $0xFFFFE800  }
0xa4: {  	[spmem:s13] =	stream.linear.scatter [tilespmem:s12], [sflag:$0xD], $0x1800, $0x38;
	[tilespmem:$0x1F280] =	vst v63  }
0xa5: {  	_ =	swait.ge [sflag:s15], $0x1800  }
0xa6: {  	s17 =	sld [smem:$0x7F9]  }
0xa7: {  	[sflag:s15] =	ssyncset.done $0x0  }
0xa8: {  	[sflag:s15] =	ssyncadd.s32 $0xFFFFE800  }
0xa9: {  	[spmem:s17] =	stream.linear.scatter [tilespmem:s12], [sflag:$0xD], $0x1800, $0x38;
	[tilespmem:$0x1F280] =	vst v63  }
0xaa: {  	_ =	swait.ge [sflag:s15], $0x1800  }
0xab: {  	s20 =	sld [smem:$0x7FA]  }
0xac: {  	[sflag:s15] =	ssyncset.done $0x0  }
0xad: {  	[sflag:s15] =	ssyncadd.s32 $0xFFFFE800  }
0xae: {  	[spmem:s20] =	stream.linear.scatter [tilespmem:s12], [sflag:$0xD], $0x1800, $0x38;
	[tilespmem:$0x1F280] =	vst v63  }
0xaf: {  	_ =	swait.ge [sflag:s15], $0x1800  }
0xb0: {  	s21 =	sld [smem:$0x7FB]  }
0xb1: {  	[sflag:s15] =	ssyncset.done $0x0  }
0xb2: {  	[sflag:s15] =	ssyncadd.s32 $0xFFFFE800  }
0xb3: {  	[spmem:s21] =	stream.linear.scatter [tilespmem:s12], [sflag:$0xD], $0x1800, $0x38;
	[tilespmem:$0x1F280] =	vst v63  }
0xb4: {  	_ =	swait.ge [sflag:s15], $0x1800  }
0xb5: {  	s13 =	sld [smem:$0x7FC]  }
0xb6: {  	[sflag:s15] =	ssyncset.done $0x0  }
0xb7: {  	[sflag:s15] =	ssyncadd.s32 $0xFFFFE800  }
0xb8: {  	[spmem:s13] =	stream.linear.scatter [tilespmem:s12], [sflag:$0xD], $0x1800, $0x38;
	[tilespmem:$0x1F280] =	vst v63  }
0xb9: {  	_ =	swait.ge [sflag:s15], $0x1800  }
0xba: {  	[sflag:s15] =	ssyncset.done $0x0  }
0xbb: {  	s4 =	simm.s32 @!p0 $0xA200;
	[sflag:s15] =	ssyncadd.s32 $0xFFFFE800  }
0xbc: {  	[spmem:s14] =	stream.linear.scatter @!p0 [tilespmem:s4], [sflag:$0xD], $0x800, $0x38;
	[tilespmem:$0x1F280] =	vst v63  }
0xbd: {  	s4 =	simm.s32 @!p0 $0xD  }
0xbe: {  	_ =	swait.ge @!p0 [sflag:s4], $0x800  }
0xbf: {  	[sflag:s4] =	ssyncset.done @!p0 $0x0  }
0xc0: {  	[sflag:s4] =	ssyncadd.s32 @!p0 $0xFFFFF800  }
0xc1: {  	[bflag:$0x0] =	sbarrier.arrive $0xFFFF  }
0xc2: {  	s13 =	simm.s32 $0x0;
	s15 =	rddreg [dreg:$0x7]  }
0xc3: {  	[tilespmem:s18], [sflag:$0x1] =	stream.linear.gather [hbm4b:s15+s13], $0x2800, $0x38;
	[tilespmem:$0x1F280] =	vst v63  }
0xc4: {  	s17 =	rddreg [dreg:$0x17]  }
0xc5: {  	[tilespmem:s13], [sflag:$0x1] =	stream.linear.gather [hbm4b:s17+s13], $0x50, $0x38;
	[tilespmem:$0x1F280] =	vst v63  }
0xc6: {  	s20 =	rddreg [dreg:$0x8]  }
0xc7: {  	[tilespmem:s22], [sflag:$0x2] =	stream.linear.gather [hbm4b:s20+s13], $0x2800, $0x38;
	[tilespmem:$0x1F280] =	vst v63  }
0xc8: {  	s21 =	rddreg [dreg:$0x18]  }
0xc9: {  	[tilespmem:s19], [sflag:$0x2] =	stream.linear.gather [hbm4b:s21+s13], $0x50, $0x38;
	[tilespmem:$0x1F280] =	vst v63  }
0xca: {  	_ =	swait.ge [sflag:s23], $0x2800  }
0xcb: {  	[sflag:s23] =	ssyncset.done $0x0  }
0xcc: {  	[sflag:s23] =	ssyncadd.s32 $0xFFFFD800  }
0xcd: {  	_ =	swait.ge [sflag:s23], $0x50  }
0xce: {  	[sflag:s23] =	ssyncset.done $0x0  }
0xcf: {  	[sflag:s23] =	ssyncadd.s32 $0xFFFFFFB0  }
0xd0: {  	[spmem:s1] =	stream.indirect.scatter.add.f32 [tilespmem:s18], [sflag:$0x5], $0x80, s13, s24, $0xb8;
	[tilespmem:$0x1F280] =	vst v63  }
0xd1: {  	s12 =	rddreg [dreg:$0x9]  }
0xd2: {  	[hbm4b:s12+s13] =	stream.linear.scatter [tilespmem:s18], [sflag:$0x9], $0x2800, $0x38;
	[tilespmem:$0x1F280] =	vst v63  }
0xd3: {  	s14 =	rddreg [dreg:$0xa]  }
0xd4: {  	[tilespmem:s25], [sflag:$0x3] =	stream.linear.gather [hbm4b:s14+s13], $0x2800, $0x38;
	[tilespmem:$0x1F280] =	vst v63  }
0xd5: {  	s15 =	rddreg [dreg:$0x19]  }
0xd6: {  	[tilespmem:s26], [sflag:$0x3] =	stream.linear.gather [hbm4b:s15+s13], $0x50, $0x38;
	[tilespmem:$0x1F280] =	vst v63  }
0xd7: {  	_ =	swait.ge [sflag:s28], $0x2800  }
0xd8: {  	[sflag:s28] =	ssyncset.done $0x0  }
0xd9: {  	[sflag:s28] =	ssyncadd.s32 $0xFFFFD800  }
0xda: {  	_ =	swait.ge [sflag:s28], $0x50  }
0xdb: {  	[sflag:s28] =	ssyncset.done $0x0  }
0xdc: {  	[sflag:s28] =	ssyncadd.s32 $0xFFFFFFB0  }
0xdd: {  	[spmem:s1] =	stream.indirect.scatter.add.f32 [tilespmem:s22], [sflag:$0x6], $0x80, s19, s24, $0xb8;
	[tilespmem:$0x1F280] =	vst v63  }
0xde: {  	s17 =	rddreg [dreg:$0xb]  }
0xdf: {  	[hbm4b:s17+s13] =	stream.linear.scatter [tilespmem:s22], [sflag:$0xA], $0x2800, $0x38;
	[tilespmem:$0x1F280] =	vst v63  }
0xe0: {  	s20 =	rddreg [dreg:$0xc]  }
0xe1: {  	[tilespmem:s29], [sflag:$0x4] =	stream.linear.gather [hbm4b:s20+s13], $0x2800, $0x38;
	[tilespmem:$0x1F280] =	vst v63  }
0xe2: {  	s21 =	rddreg [dreg:$0x1a]  }
0xe3: {  	[tilespmem:s30], [sflag:$0x4] =	stream.linear.gather [hbm4b:s21+s13], $0x50, $0x38;
	[tilespmem:$0x1F280] =	vst v63  }
0xe4: {  	_ =	swait.ge [sflag:s31], $0x2800  }
0xe5: {  	[sflag:s31] =	ssyncset.done $0x0  }
0xe6: {  	[sflag:s31] =	ssyncadd.s32 $0xFFFFD800  }
0xe7: {  	_ =	swait.ge [sflag:s31], $0x50  }
0xe8: {  	[sflag:s31] =	ssyncset.done $0x0  }
0xe9: {  	[sflag:s31] =	ssyncadd.s32 $0xFFFFFFB0  }
0xea: {  	[spmem:s1] =	stream.indirect.scatter.add.f32 [tilespmem:s25], [sflag:$0x7], $0x80, s26, s24, $0xb8;
	[tilespmem:$0x1F280] =	vst v63  }
0xeb: {  	s12 =	rddreg [dreg:$0xd]  }
0xec: {  	[hbm4b:s12+s13] =	stream.linear.scatter [tilespmem:s25], [sflag:$0xB], $0x2800, $0x38;
	[tilespmem:$0x1F280] =	vst v63  }
0xed: {  	_ =	swait.ge [sflag:s0], $0x2800  }
0xee: {  	[sflag:s0] =	ssyncset.done $0x0  }
0xef: {  	[sflag:s0] =	ssyncadd.s32 $0xFFFFD800  }
0xf0: {  	_ =	swait.ge [sflag:s2], $0x2800  }
0xf1: {  	[sflag:s2] =	ssyncset.done $0x0  }
0xf2: {  	s14 =	rddreg [dreg:$0x15];
	[sflag:s2] =	ssyncadd.s32 $0xFFFFD800  }
0xf3: {  	[tilespmem:s18], [sflag:$0x1] =	stream.linear.gather [hbm4b:s14+s13], $0x2800, $0x38;
	[tilespmem:$0x1F280] =	vst v63  }
0xf4: {  	s15 =	rddreg [dreg:$0x1b]  }
0xf5: {  	[tilespmem:s13], [sflag:$0x1] =	stream.linear.gather [hbm4b:s15+s13], $0x50, $0x38;
	[tilespmem:$0x1F280] =	vst v63  }
0xf6: {  	_ =	swait.ge [sflag:s5], $0x2800  }
0xf7: {  	[sflag:s5] =	ssyncset.done $0x0  }
0xf8: {  	[sflag:s5] =	ssyncadd.s32 $0xFFFFD800  }
0xf9: {  	_ =	swait.ge [sflag:s5], $0x50  }
0xfa: {  	[sflag:s5] =	ssyncset.done $0x0  }
0xfb: {  	[sflag:s5] =	ssyncadd.s32 $0xFFFFFFB0  }
0xfc: {  	[spmem:s1] =	stream.indirect.scatter.add.f32 [tilespmem:s29], [sflag:$0x8], $0x80, s30, s24, $0xb8;
	[tilespmem:$0x1F280] =	vst v63  }
0xfd: {  	s17 =	rddreg [dreg:$0xe]  }
0xfe: {  	[hbm4b:s17+s13] =	stream.linear.scatter [tilespmem:s29], [sflag:$0xC], $0x2800, $0x38;
	[tilespmem:$0x1F280] =	vst v63  }
0xff: {  	_ =	swait.ge [sflag:s6], $0x2800  }
0x100: {  	[sflag:s6] =	ssyncset.done $0x0  }
0x101: {  	[sflag:s6] =	ssyncadd.s32 $0xFFFFD800  }
0x102: {  	_ =	swait.ge [sflag:s7], $0x2800  }
0x103: {  	s20 =	rddreg [dreg:$0x16]  }
0x104: {  	s21 =	rddreg [dreg:$0x1c]  }
0x105: {  	s14 =	rddreg [dreg:$0x14]  }
0x106: {  	[sflag:s7] =	ssyncset.done $0x0;
	s4 =	rddreg [dreg:$0x13]  }
0x107: {  	s17 =	rddreg [dreg:$0x10];
	[sflag:s7] =	ssyncadd.s32 $0xFFFFD800  }
0x108: {  	[tilespmem:s22], [sflag:$0x2] =	stream.linear.gather [hbm4b:s20+s13], $0x2800, $0x38;
	[tilespmem:$0x1F280] =	vst v63  }
0x109: {  	s20 =	rddreg [dreg:$0x12]  }
0x10a: {  	[tilespmem:s19], [sflag:$0x2] =	stream.linear.gather [hbm4b:s21+s13], $0x50, $0x38;
	[tilespmem:$0x1F280] =	vst v63  }
.LBB2_4:
0x10b: {  	_ =	swait.ge [sflag:s23], $0x2800  }
0x10c: {  	[sflag:s23] =	ssyncset.done $0x0  }
0x10d: {  	[sflag:s23] =	ssyncadd.s32 $0xFFFFD800  }
0x10e: {  	_ =	swait.ge [sflag:s23], $0x50  }
0x10f: {  	[sflag:s23] =	ssyncset.done $0x0;
	s12 =	rddreg [dreg:$0x11]  }
0x110: {  	[sflag:s23] =	ssyncadd.s32 $0xFFFFFFB0;
	s21 =	sadd.s32 s13, s12  }
0x111: {  	[spmem:s1] =	stream.indirect.scatter.add.f32 [tilespmem:s18], [sflag:$0x5], $0x80, s3, s24, $0xb8;
	[tilespmem:$0x1F280] =	vst v63  }
0x112: {  	s12 =	sadd.s32 $0x1400, s21  }
0x113: {  	[hbm4b:s12+s3] =	stream.linear.scatter [tilespmem:s18], [sflag:$0x9], $0x2800, $0x38;
	[tilespmem:$0x1F280] =	vst v63  }
0x114: {  	_ =	swait.ge [sflag:s8], $0x2800  }
0x115: {  	[sflag:s8] =	ssyncset.done $0x0  }
0x116: {  	[sflag:s8] =	ssyncadd.s32 $0xFFFFD800  }
0x117: {  	_ =	swait.ge [sflag:s9], $0x2800  }
0x118: {  	s12 =	sadd.s32 s13, s16;
	[sflag:s9] =	ssyncset.done $0x0  }
0x119: {  	s15 =	sadd.s32 $0x1E00, s12;
	[sflag:s9] =	ssyncadd.s32 $0xFFFFD800  }
0x11a: {  	[tilespmem:s25], [sflag:$0x3] =	stream.linear.gather [hbm4b:s15+s3], $0x2800, $0x38;
	[tilespmem:$0x1F280] =	vst v63  }
0x11b: {  	_ = 	snop  }
0x11c: {  	[tilespmem:s26], [sflag:$0x3] =	stream.linear.gather [hbm4b:s20+s3], $0x50, $0x38;
	[tilespmem:$0x1F280] =	vst v63  }
0x11d: {  	_ =	swait.ge [sflag:s28], $0x2800  }
0x11e: {  	[sflag:s28] =	ssyncset.done $0x0  }
0x11f: {  	[sflag:s28] =	ssyncadd.s32 $0xFFFFD800  }
0x120: {  	_ =	swait.ge [sflag:s28], $0x50  }
0x121: {  	[sflag:s28] =	ssyncset.done $0x0  }
0x122: {  	[sflag:s28] =	ssyncadd.s32 $0xFFFFFFB0  }
0x123: {  	[spmem:s1] =	stream.indirect.scatter.add.f32 [tilespmem:s22], [sflag:$0x6], $0x80, s19, s24, $0xb8;
	[tilespmem:$0x1F280] =	vst v63  }
0x124: {  	s15 =	sadd.s32 $0x1900, s21  }
0x125: {  	[hbm4b:s15+s3] =	stream.linear.scatter [tilespmem:s22], [sflag:$0xA], $0x2800, $0x38;
	[tilespmem:$0x1F280] =	vst v63  }
0x126: {  	_ =	swait.ge [sflag:s10], $0x2800  }
0x127: {  	[sflag:s10] =	ssyncset.done $0x0  }
0x128: {  	[sflag:s10] =	ssyncadd.s32 $0xFFFFD800  }
0x129: {  	_ =	swait.ge [sflag:s11], $0x2800  }
0x12a: {  	[sflag:s11] =	ssyncset.done $0x0  }
0x12b: {  	s15 =	sadd.s32 $0x2300, s12;
	[sflag:s11] =	ssyncadd.s32 $0xFFFFD800  }
0x12c: {  	[tilespmem:s29], [sflag:$0x4] =	stream.linear.gather [hbm4b:s15+s3], $0x2800, $0x38;
	[tilespmem:$0x1F280] =	vst v63  }
0x12d: {  	_ = 	snop  }
0x12e: {  	[tilespmem:s30], [sflag:$0x4] =	stream.linear.gather [hbm4b:s17+s3], $0x50, $0x38;
	[tilespmem:$0x1F280] =	vst v63  }
0x12f: {  	_ =	swait.ge [sflag:s31], $0x2800  }
0x130: {  	[sflag:s31] =	ssyncset.done $0x0  }
0x131: {  	[sflag:s31] =	ssyncadd.s32 $0xFFFFD800  }
0x132: {  	_ =	swait.ge [sflag:s31], $0x50  }
0x133: {  	[sflag:s31] =	ssyncset.done $0x0  }
0x134: {  	[sflag:s31] =	ssyncadd.s32 $0xFFFFFFB0  }
0x135: {  	[spmem:s1] =	stream.indirect.scatter.add.f32 [tilespmem:s25], [sflag:$0x7], $0x80, s26, s24, $0xb8;
	[tilespmem:$0x1F280] =	vst v63  }
0x136: {  	s15 =	sadd.s32 $0x1E00, s21  }
0x137: {  	[hbm4b:s15+s3] =	stream.linear.scatter [tilespmem:s25], [sflag:$0xB], $0x2800, $0x38;
	[tilespmem:$0x1F280] =	vst v63  }
0x138: {  	_ =	swait.ge [sflag:s0], $0x2800  }
0x139: {  	[sflag:s0] =	ssyncset.done $0x0  }
0x13a: {  	[sflag:s0] =	ssyncadd.s32 $0xFFFFD800  }
0x13b: {  	_ =	swait.ge [sflag:s2], $0x2800  }
0x13c: {  	[sflag:s2] =	ssyncset.done $0x0  }
0x13d: {  	s15 =	sadd.s32 $0x2800, s12;
	[sflag:s2] =	ssyncadd.s32 $0xFFFFD800  }
0x13e: {  	[tilespmem:s18], [sflag:$0x1] =	stream.linear.gather [hbm4b:s15+s3], $0x2800, $0x38;
	[tilespmem:$0x1F280] =	vst v63  }
0x13f: {  	_ = 	snop  }
0x140: {  	[tilespmem:s3], [sflag:$0x1] =	stream.linear.gather [hbm4b:s14+s3], $0x50, $0x38;
	[tilespmem:$0x1F280] =	vst v63  }
0x141: {  	_ =	swait.ge [sflag:s5], $0x2800  }
0x142: {  	[sflag:s5] =	ssyncset.done $0x0  }
0x143: {  	[sflag:s5] =	ssyncadd.s32 $0xFFFFD800  }
0x144: {  	p1 =	seq.s32 s13, $0x24400;
	_ =	swait.ge [sflag:s5], $0x50  }
.Ltmp3:
0x145: {  	[sflag:s5] =	ssyncset.done $0x0;
	(pc) =	sbr.rel @p1 .LBB2_6-.Ltmp3, $4  }
0x146: {  	[sflag:s5] =	ssyncadd.s32 $0xFFFFFFB0  }
0x147: {  	[spmem:s1] =	stream.indirect.scatter.add.f32 [tilespmem:s29], [sflag:$0x8], $0x80, s30, s24, $0xb8;
	[tilespmem:$0x1F280] =	vst v63  }
0x148: {  	s21 =	sadd.s32 $0x2300, s21  }
0x149: {  	[hbm4b:s21+s3] =	stream.linear.scatter [tilespmem:s29], [sflag:$0xC], $0x2800, $0x38;
	[tilespmem:$0x1F280] =	vst v63  }
0x14a: {  	_ =	swait.ge [sflag:s6], $0x2800  }
0x14b: {  	[sflag:s6] =	ssyncset.done $0x0  }
0x14c: {  	[sflag:s6] =	ssyncadd.s32 $0xFFFFD800  }
0x14d: {  	_ =	swait.ge [sflag:s7], $0x2800  }
0x14e: {  	[sflag:s7] =	ssyncset.done $0x0  }
.Ltmp4:
0x14f: {  	s12 =	sadd.s32 $0x2D00, s12;
	[sflag:s7] =	ssyncadd.s32 $0xFFFFD800;
	(pc) =	sbr.rel .LBB2_4-.Ltmp4, $4  }
0x150: {  	[tilespmem:s22], [sflag:$0x2] =	stream.linear.gather [hbm4b:s12+s3], $0x2800, $0x38;
	[tilespmem:$0x1F280] =	vst v63  }
0x151: {  	s17 =	sadd.s32 $0x28, s17;
	s13 =	sadd.s32 $0x1400, s13  }
0x152: {  	[tilespmem:s19], [sflag:$0x2] =	stream.linear.gather [hbm4b:s4+s3], $0x50, $0x38;
	[tilespmem:$0x1F280] =	vst v63  }
0x153: {  	s20 =	sadd.s32 $0x28, s20;
	s14 =	sadd.s32 $0x28, s14;
	s4 =	sadd.s32 $0x28, s4  }
.LBB2_7:
0x154: {  	_ =	sfence.sel $0x180000  }
0x155: {  	[bflag:$0x0] =	sbarrier.arrive $0xFFFF  }
0x156: {  	_ =	strace $0x90000047  }
0x157: {  	s0 =	stileid.u32;
	[bflag:$0x2] =	sbarrier.arrive $0xFFFF  }
0x158: {  	p0 =	sne.s32 s0, $0x0;
	s0 =	rddreg [dreg:$0x5]  }
0x159: {  	s0 =	sadd.s32 @!p0 $0x100000, s0  }
0x15a: {  	[sflag:s0] =	ssyncadd.tile.s32 @!p0 $0x1;
	_ =	shalt  }
.Lfunc_end2:
_tile_overlayer_lowered:
.L_overlay_start_2:
0x15b: {  	(tag) =	ssettag $0x2  }
0x15c: {  	s0 =	rddreg [dreg:$0x0];
	s2 =	stileid.u32  }
0x15d: {  	s1 =	rddreg [dreg:$0x1];
	p0 =	sne.s32 s2, $0x0  }
0x15e: {  	s3 =	rddreg [dreg:$0x2];
	[bflag:$0x3] =	sbarrier.arrive $0xFFFF;
	s2 =	simm.s32 @!p0 $0x1C0D  }
0x15f: {  	[timem:s3], [sflag:s2] =	dma.local @!p0 [hbm:s0], s1  }
0x160: {  	s0 =	simm.s32 @!p0 $0xD  }
0x161: {  	_ =	swait.ge @!p0 [sflag:s0], s1  }
0x162: {  	s1 =	ssub.s32 @!p0 $0x0, s1;
	[sflag:s0] =	ssyncset.done @!p0 $0x0  }
0x163: {  	[sflag:s0] =	ssyncadd.s32 @!p0 s1  }
0x164: {  	[bflag:$0x3] =	sbarrier.arrive $0xFFFF  }
0x165: {  	_ =	shalt  }

</sc_bundles>
